<compile_context>
chip_gen: v7x
topology: tpu7x:2x2x1
jax: 0.10.2.dev20260603
libtpu: 0.0.44.dev20260713+nightly
codegen_flags: <defaults>
</compile_context>

<pallas_src>
import jax
import jax.numpy as jnp
from jax import lax
from jax.experimental import pallas as pl
from jax.experimental.pallas import tpu as pltpu
from jax.experimental.pallas import tpu_sc as plsc

N = 3_200_000
NUM_SEG = 16_384
NC = 2
NS = 16
L = 16
NW = NC * NS
CHUNK = N // NW
SLICE = 10_000
NUM_SLICES = CHUNK // SLICE

VECS = SLICE // L
U_SC = 5
NBUF = 2

EW_COLS = 128
EW_ROWS = N // EW_COLS
EW_BLOCK = 1000


def _sc_body(ea_hbm, seg_hbm, part_hbm,
             ea_v0, ea_v1, seg_v0, seg_v1,
             acc_v, in_sem0, in_sem1):
    wid = lax.axis_index("s") * NC + lax.axis_index("c")
    base = wid * CHUNK
    ea_bufs = (ea_v0, ea_v1)
    seg_bufs = (seg_v0, seg_v1)
    in_sems = (in_sem0, in_sem1)

    def zero_body(i, carry):
        for j in range(16):
            acc_v[pl.ds((i * 16 + j) * L, L)] = jnp.zeros((L,), jnp.float32)
        return carry
    lax.fori_loop(0, NUM_SEG // (16 * L), zero_body, 0)

    def start_in(s):
        off = base + s * SLICE
        b = s % NBUF
        copies = [
            pltpu.async_copy(ea_hbm.at[pl.ds(off, SLICE)], ea_bufs[b], in_sems[b]),
            pltpu.async_copy(seg_hbm.at[pl.ds(off, SLICE)],
                             seg_bufs[b].at[pl.ds(L, SLICE)], in_sems[b]),
        ]
        if s + 1 < NUM_SLICES:
            copies.append(pltpu.async_copy(
                seg_hbm.at[pl.ds(off + SLICE, L)],
                seg_bufs[b].at[pl.ds(L + SLICE, L)], in_sems[b]))
        if s > 0:
            copies.append(pltpu.async_copy(
                seg_hbm.at[pl.ds(off - L, L)],
                seg_bufs[b].at[pl.ds(0, L)], in_sems[b]))
        return copies

    pending_in = {0: start_in(0)}
    run_vec = jnp.zeros((L,), jnp.float32)
    for s in range(NUM_SLICES):
        b = s % NBUF
        if s + 1 < NUM_SLICES:
            pending_in[s + 1] = start_in(s + 1)
        for d in pending_in.pop(s):
            d.wait()

        eab, segb = ea_bufs[b], seg_bufs[b]
        if s == NUM_SLICES - 1:
            segb[pl.ds(L + SLICE, L)] = jnp.full((L,), -1, jnp.int32)
        if s == 0:
            segb[pl.ds(0, L)] = jnp.full((L,), -2, jnp.int32)

        @plsc.parallel_loop(0, VECS, 1, unroll=U_SC, carry=run_vec)
        def vec_body(v, rv):
            ea = eab[pl.ds(v * L, L)]
            idx = segb[pl.ds(L + v * L, L)]
            nxt = segb[pl.ds(L + v * L + 1, L)]
            prv = segb[pl.ds(L + v * L - 1, L)]
            t = plsc.cumsum(ea) + rv
            is_end = idx != nxt
            is_start = idx != prv
            val = (jnp.where(is_end, t, 0.0)
                   - jnp.where(is_start, t - ea, 0.0))
            plsc.addupdate_scatter(acc_v, [idx], val, mask=is_end | is_start)
            return rv + jnp.sum(ea)
        run_vec = vec_body

    pltpu.sync_copy(acc_v, part_hbm.at[wid])


def _add_body(a_ref, b_ref, o_ref):
    o_ref[...] = a_ref[...] + b_ref[...]


def _combine_body(p_ref, e_ref):
    e_ref[...] = jnp.sum(p_ref[...], axis=0)


def kernel(Ea, E2a, Za, batch_seg):
    seg = batch_seg.astype(jnp.int32)
    mesh = plsc.VectorSubcoreMesh(core_axis_name="c", subcore_axis_name="s")
    sc = pl.kernel(
        _sc_body,
        out_type=jax.ShapeDtypeStruct((NW, NUM_SEG), jnp.float32),
        mesh=mesh,
        compiler_params=pltpu.CompilerParams(
            needs_layout_passes=False, disable_bounds_checks=True),
        scratch_types=[
            pltpu.VMEM((SLICE,), jnp.float32),
            pltpu.VMEM((SLICE,), jnp.float32),
            pltpu.VMEM((SLICE + 2 * L,), jnp.int32),
            pltpu.VMEM((SLICE + 2 * L,), jnp.int32),
            pltpu.VMEM((NUM_SEG,), jnp.float32),
            pltpu.SemaphoreType.DMA,
            pltpu.SemaphoreType.DMA,
        ],
    )
    partials = sc(Ea, seg)
    ea_out = pl.pallas_call(
        _add_body,
        grid=(EW_ROWS // EW_BLOCK,),
        in_specs=[pl.BlockSpec((EW_BLOCK, EW_COLS), lambda i: (i, 0))] * 2,
        out_specs=pl.BlockSpec((EW_BLOCK, EW_COLS), lambda i: (i, 0)),
        out_shape=jax.ShapeDtypeStruct((EW_ROWS, EW_COLS), jnp.float32),
    )(Ea.reshape(EW_ROWS, EW_COLS), E2a.reshape(EW_ROWS, EW_COLS))
    e = pl.pallas_call(
        _combine_body,
        out_shape=jax.ShapeDtypeStruct((NUM_SEG,), jnp.float32),
    )(partials)
    return ea_out.reshape(N), e

# --- scband reference (transcript-rebuilt; emitter-appended) ---
"""Pipeline reference for scband-energy-reduce-layer-52364241273602 (READ-ONLY COPY).

The authoritative reference and input builder live on the scoring server;
editing this copy changes nothing except your own understanding.
"""

import jax, jax.numpy as jnp
import numpy as np

N = 3200000
NUM_SEG = 16384

def setup_inputs(seed: int = 0) -> dict:
    key = jax.random.key(seed)
    k1, k2, k3, k4 = jax.random.split(key, 4)
    Ea = jax.random.normal(k1, (N,), dtype=jnp.float32)
    E2a = jax.random.normal(k2, (N,), dtype=jnp.float32)
    Za = jax.random.randint(k3, (N,), 0, 100, dtype=jnp.int64)
    batch_seg = jnp.sort(jax.random.randint(k4, (N,), 0, NUM_SEG, dtype=jnp.int64))
    return {"Ea": Ea, "E2a": E2a, "Za": Za, "batch_seg": batch_seg}

def reference(Ea, E2a, Za, batch_seg):
    # Faithful translation of EnergyReduceLayer.forward with
    # net_input = {'Ea': Ea, 'E2a': E2a, 'Za': Za, 'batch_seg': batch_seg}.
    # Loop over keys: only 'E2a' matches (k[0]=='E', k[-1]=='a', len(k)>2),
    # so output['Ea'] = Ea + E2a.
    Ea_out = Ea + E2a
    # Note: the original code calls segment_sum on net_input['Ea'] (the
    # ORIGINAL Ea, before accumulation), which we reproduce exactly.
    E = jax.ops.segment_sum(Ea, batch_seg, num_segments=NUM_SEG)
    return (Ea_out, E)

if __name__ == "__main__":
    import jax
    _d = setup_inputs()
    print(jax.jit(kernel)(*tuple(_d.values())))

</pallas_src>

<mosaic_0001>
#map = affine_map<(d0, d1) -> (0)>
#map1 = affine_map<(d0, d1) -> (0, 0)>
module attributes {stable_mosaic.version = 14 : i64} {
  func.func @_sc_body(%arg0: i32, %arg1: i32, %arg2: memref<3200000xf32, #tpu.memory_space<hbm>>, %arg3: memref<3200000xi32, #tpu.memory_space<hbm>>, %arg4: memref<32x16384xf32, #tpu.memory_space<hbm>>, %arg5: memref<10000xf32, #tpu.memory_space<vmem>>, %arg6: memref<10000xf32, #tpu.memory_space<vmem>>, %arg7: memref<10032xi32, #tpu.memory_space<vmem>>, %arg8: memref<10032xi32, #tpu.memory_space<vmem>>, %arg9: memref<16384xf32, #tpu.memory_space<vmem>>, %arg10: memref<!tpu.dma_semaphore, #tpu.memory_space<semaphore_mem>>, %arg11: memref<!tpu.dma_semaphore, #tpu.memory_space<semaphore_mem>>) attributes {dimension_semantics = [#tpu.dimension_semantics<core_parallel>, #tpu.dimension_semantics<subcore_parallel>], iteration_bounds = array<i64: 2, 16>, scalar_prefetch = 0 : i64, scratch_operands = 7 : i64, tpu.core_type = #tpu.core_type<sc_vector_subcore>, window_params = [{transform_indices = #map}, {transform_indices = #map}, {transform_indices = #map1}]} {
    %mul3A = arith.constant 2 : i32
    %mul3A_0 = arith.muli %arg1, %mul3A : i32
    %add3A = arith.addi %mul3A_0, %arg0 : i32
    %mul3A_1 = arith.constant 100000 : i32
    %mul3A_2 = arith.muli %add3A, %mul3A_1 : i32
    %scan3A = arith.constant 0 : i32
    %scan3A_3 = arith.constant 0 : i32
    %scan3A_4 = arith.constant 64 : i32
    %scan3A_5 = arith.addi %scan3A_3, %scan3A_4 : i32
    %scan3A_6 = arith.constant 1 : i32
    scf.for %scan3A_484 = %scan3A_3 to %scan3A_5 step %scan3A_6  : i32 {
      %broadcast_in_dim3A_485 = arith.constant 0.000000e+00 : f32
      %broadcast_in_dim3A_486 = vector.broadcast %broadcast_in_dim3A_485 : f32 to vector<16xf32>
      %mul3A_487 = arith.constant 16 : i32
      %mul3A_488 = arith.muli %scan3A_484, %mul3A_487 : i32
      %add3A_489 = arith.constant 0 : i32
      %add3A_490 = arith.addi %mul3A_488, %add3A_489 : i32
      %mul3A_491 = arith.constant 16 : i32
      %mul3A_492 = arith.muli %add3A_490, %mul3A_491 : i32
      %swap3A_493 = arith.index_cast %mul3A_492 : i32 to index
      %swap3A_494 = tpu.vector_load %arg9[%swap3A_493] {strides = array<i32>} : memref<16384xf32, #tpu.memory_space<vmem>>, vector<16xf32>,
      tpu.vector_store %arg9[%swap3A_493], %broadcast_in_dim3A_486 {strides = array<i32>} : memref<16384xf32, #tpu.memory_space<vmem>>, vector<16xf32>,
      %broadcast_in_dim3A_495 = arith.constant 0.000000e+00 : f32
      %broadcast_in_dim3A_496 = vector.broadcast %broadcast_in_dim3A_495 : f32 to vector<16xf32>
      %mul3A_497 = arith.constant 16 : i32
      %mul3A_498 = arith.muli %scan3A_484, %mul3A_497 : i32
      %add3A_499 = arith.constant 1 : i32
      %add3A_500 = arith.addi %mul3A_498, %add3A_499 : i32
      %mul3A_501 = arith.constant 16 : i32
      %mul3A_502 = arith.muli %add3A_500, %mul3A_501 : i32
      %swap3A_503 = arith.index_cast %mul3A_502 : i32 to index
      %swap3A_504 = tpu.vector_load %arg9[%swap3A_503] {strides = array<i32>} : memref<16384xf32, #tpu.memory_space<vmem>>, vector<16xf32>,
      tpu.vector_store %arg9[%swap3A_503], %broadcast_in_dim3A_496 {strides = array<i32>} : memref<16384xf32, #tpu.memory_space<vmem>>, vector<16xf32>,
      %broadcast_in_dim3A_505 = arith.constant 0.000000e+00 : f32
      %broadcast_in_dim3A_506 = vector.broadcast %broadcast_in_dim3A_505 : f32 to vector<16xf32>
      %mul3A_507 = arith.constant 16 : i32
      %mul3A_508 = arith.muli %scan3A_484, %mul3A_507 : i32
      %add3A_509 = arith.constant 2 : i32
      %add3A_510 = arith.addi %mul3A_508, %add3A_509 : i32
      %mul3A_511 = arith.constant 16 : i32
      %mul3A_512 = arith.muli %add3A_510, %mul3A_511 : i32
      %swap3A_513 = arith.index_cast %mul3A_512 : i32 to index
      %swap3A_514 = tpu.vector_load %arg9[%swap3A_513] {strides = array<i32>} : memref<16384xf32, #tpu.memory_space<vmem>>, vector<16xf32>,
      tpu.vector_store %arg9[%swap3A_513], %broadcast_in_dim3A_506 {strides = array<i32>} : memref<16384xf32, #tpu.memory_space<vmem>>, vector<16xf32>,
      %broadcast_in_dim3A_515 = arith.constant 0.000000e+00 : f32
      %broadcast_in_dim3A_516 = vector.broadcast %broadcast_in_dim3A_515 : f32 to vector<16xf32>
      %mul3A_517 = arith.constant 16 : i32
      %mul3A_518 = arith.muli %scan3A_484, %mul3A_517 : i32
      %add3A_519 = arith.constant 3 : i32
      %add3A_520 = arith.addi %mul3A_518, %add3A_519 : i32
      %mul3A_521 = arith.constant 16 : i32
      %mul3A_522 = arith.muli %add3A_520, %mul3A_521 : i32
      %swap3A_523 = arith.index_cast %mul3A_522 : i32 to index
      %swap3A_524 = tpu.vector_load %arg9[%swap3A_523] {strides = array<i32>} : memref<16384xf32, #tpu.memory_space<vmem>>, vector<16xf32>,
      tpu.vector_store %arg9[%swap3A_523], %broadcast_in_dim3A_516 {strides = array<i32>} : memref<16384xf32, #tpu.memory_space<vmem>>, vector<16xf32>,
      %broadcast_in_dim3A_525 = arith.constant 0.000000e+00 : f32
      %broadcast_in_dim3A_526 = vector.broadcast %broadcast_in_dim3A_525 : f32 to vector<16xf32>
      %mul3A_527 = arith.constant 16 : i32
      %mul3A_528 = arith.muli %scan3A_484, %mul3A_527 : i32
      %add3A_529 = arith.constant 4 : i32
      %add3A_530 = arith.addi %mul3A_528, %add3A_529 : i32
      %mul3A_531 = arith.constant 16 : i32
      %mul3A_532 = arith.muli %add3A_530, %mul3A_531 : i32
      %swap3A_533 = arith.index_cast %mul3A_532 : i32 to index
      %swap3A_534 = tpu.vector_load %arg9[%swap3A_533] {strides = array<i32>} : memref<16384xf32, #tpu.memory_space<vmem>>, vector<16xf32>,
      tpu.vector_store %arg9[%swap3A_533], %broadcast_in_dim3A_526 {strides = array<i32>} : memref<16384xf32, #tpu.memory_space<vmem>>, vector<16xf32>,
      %broadcast_in_dim3A_535 = arith.constant 0.000000e+00 : f32
      %broadcast_in_dim3A_536 = vector.broadcast %broadcast_in_dim3A_535 : f32 to vector<16xf32>
      %mul3A_537 = arith.constant 16 : i32
      %mul3A_538 = arith.muli %scan3A_484, %mul3A_537 : i32
      %add3A_539 = arith.constant 5 : i32
      %add3A_540 = arith.addi %mul3A_538, %add3A_539 : i32
      %mul3A_541 = arith.constant 16 : i32
      %mul3A_542 = arith.muli %add3A_540, %mul3A_541 : i32
      %swap3A_543 = arith.index_cast %mul3A_542 : i32 to index
      %swap3A_544 = tpu.vector_load %arg9[%swap3A_543] {strides = array<i32>} : memref<16384xf32, #tpu.memory_space<vmem>>, vector<16xf32>,
      tpu.vector_store %arg9[%swap3A_543], %broadcast_in_dim3A_536 {strides = array<i32>} : memref<16384xf32, #tpu.memory_space<vmem>>, vector<16xf32>,
      %broadcast_in_dim3A_545 = arith.constant 0.000000e+00 : f32
      %broadcast_in_dim3A_546 = vector.broadcast %broadcast_in_dim3A_545 : f32 to vector<16xf32>
      %mul3A_547 = arith.constant 16 : i32
      %mul3A_548 = arith.muli %scan3A_484, %mul3A_547 : i32
      %add3A_549 = arith.constant 6 : i32
      %add3A_550 = arith.addi %mul3A_548, %add3A_549 : i32
      %mul3A_551 = arith.constant 16 : i32
      %mul3A_552 = arith.muli %add3A_550, %mul3A_551 : i32
      %swap3A_553 = arith.index_cast %mul3A_552 : i32 to index
      %swap3A_554 = tpu.vector_load %arg9[%swap3A_553] {strides = array<i32>} : memref<16384xf32, #tpu.memory_space<vmem>>, vector<16xf32>,
      tpu.vector_store %arg9[%swap3A_553], %broadcast_in_dim3A_546 {strides = array<i32>} : memref<16384xf32, #tpu.memory_space<vmem>>, vector<16xf32>,
      %broadcast_in_dim3A_555 = arith.constant 0.000000e+00 : f32
      %broadcast_in_dim3A_556 = vector.broadcast %broadcast_in_dim3A_555 : f32 to vector<16xf32>
      %mul3A_557 = arith.constant 16 : i32
      %mul3A_558 = arith.muli %scan3A_484, %mul3A_557 : i32
      %add3A_559 = arith.constant 7 : i32
      %add3A_560 = arith.addi %mul3A_558, %add3A_559 : i32
      %mul3A_561 = arith.constant 16 : i32
      %mul3A_562 = arith.muli %add3A_560, %mul3A_561 : i32
      %swap3A_563 = arith.index_cast %mul3A_562 : i32 to index
      %swap3A_564 = tpu.vector_load %arg9[%swap3A_563] {strides = array<i32>} : memref<16384xf32, #tpu.memory_space<vmem>>, vector<16xf32>,
      tpu.vector_store %arg9[%swap3A_563], %broadcast_in_dim3A_556 {strides = array<i32>} : memref<16384xf32, #tpu.memory_space<vmem>>, vector<16xf32>,
      %broadcast_in_dim3A_565 = arith.constant 0.000000e+00 : f32
      %broadcast_in_dim3A_566 = vector.broadcast %broadcast_in_dim3A_565 : f32 to vector<16xf32>
      %mul3A_567 = arith.constant 16 : i32
      %mul3A_568 = arith.muli %scan3A_484, %mul3A_567 : i32
      %add3A_569 = arith.constant 8 : i32
      %add3A_570 = arith.addi %mul3A_568, %add3A_569 : i32
      %mul3A_571 = arith.constant 16 : i32
      %mul3A_572 = arith.muli %add3A_570, %mul3A_571 : i32
      %swap3A_573 = arith.index_cast %mul3A_572 : i32 to index
      %swap3A_574 = tpu.vector_load %arg9[%swap3A_573] {strides = array<i32>} : memref<16384xf32, #tpu.memory_space<vmem>>, vector<16xf32>,
      tpu.vector_store %arg9[%swap3A_573], %broadcast_in_dim3A_566 {strides = array<i32>} : memref<16384xf32, #tpu.memory_space<vmem>>, vector<16xf32>,
      %broadcast_in_dim3A_575 = arith.constant 0.000000e+00 : f32
      %broadcast_in_dim3A_576 = vector.broadcast %broadcast_in_dim3A_575 : f32 to vector<16xf32>
      %mul3A_577 = arith.constant 16 : i32
      %mul3A_578 = arith.muli %scan3A_484, %mul3A_577 : i32
      %add3A_579 = arith.constant 9 : i32
      %add3A_580 = arith.addi %mul3A_578, %add3A_579 : i32
      %mul3A_581 = arith.constant 16 : i32
      %mul3A_582 = arith.muli %add3A_580, %mul3A_581 : i32
      %swap3A_583 = arith.index_cast %mul3A_582 : i32 to index
      %swap3A_584 = tpu.vector_load %arg9[%swap3A_583] {strides = array<i32>} : memref<16384xf32, #tpu.memory_space<vmem>>, vector<16xf32>,
      tpu.vector_store %arg9[%swap3A_583], %broadcast_in_dim3A_576 {strides = array<i32>} : memref<16384xf32, #tpu.memory_space<vmem>>, vector<16xf32>,
      %broadcast_in_dim3A_585 = arith.constant 0.000000e+00 : f32
      %broadcast_in_dim3A_586 = vector.broadcast %broadcast_in_dim3A_585 : f32 to vector<16xf32>
      %mul3A_587 = arith.constant 16 : i32
      %mul3A_588 = arith.muli %scan3A_484, %mul3A_587 : i32
      %add3A_589 = arith.constant 10 : i32
      %add3A_590 = arith.addi %mul3A_588, %add3A_589 : i32
      %mul3A_591 = arith.constant 16 : i32
      %mul3A_592 = arith.muli %add3A_590, %mul3A_591 : i32
      %swap3A_593 = arith.index_cast %mul3A_592 : i32 to index
      %swap3A_594 = tpu.vector_load %arg9[%swap3A_593] {strides = array<i32>} : memref<16384xf32, #tpu.memory_space<vmem>>, vector<16xf32>,
      tpu.vector_store %arg9[%swap3A_593], %broadcast_in_dim3A_586 {strides = array<i32>} : memref<16384xf32, #tpu.memory_space<vmem>>, vector<16xf32>,
      %broadcast_in_dim3A_595 = arith.constant 0.000000e+00 : f32
      %broadcast_in_dim3A_596 = vector.broadcast %broadcast_in_dim3A_595 : f32 to vector<16xf32>
      %mul3A_597 = arith.constant 16 : i32
      %mul3A_598 = arith.muli %scan3A_484, %mul3A_597 : i32
      %add3A_599 = arith.constant 11 : i32
      %add3A_600 = arith.addi %mul3A_598, %add3A_599 : i32
      %mul3A_601 = arith.constant 16 : i32
      %mul3A_602 = arith.muli %add3A_600, %mul3A_601 : i32
      %swap3A_603 = arith.index_cast %mul3A_602 : i32 to index
      %swap3A_604 = tpu.vector_load %arg9[%swap3A_603] {strides = array<i32>} : memref<16384xf32, #tpu.memory_space<vmem>>, vector<16xf32>,
      tpu.vector_store %arg9[%swap3A_603], %broadcast_in_dim3A_596 {strides = array<i32>} : memref<16384xf32, #tpu.memory_space<vmem>>, vector<16xf32>,
      %broadcast_in_dim3A_605 = arith.constant 0.000000e+00 : f32
      %broadcast_in_dim3A_606 = vector.broadcast %broadcast_in_dim3A_605 : f32 to vector<16xf32>
      %mul3A_607 = arith.constant 16 : i32
      %mul3A_608 = arith.muli %scan3A_484, %mul3A_607 : i32
      %add3A_609 = arith.constant 12 : i32
      %add3A_610 = arith.addi %mul3A_608, %add3A_609 : i32
      %mul3A_611 = arith.constant 16 : i32
      %mul3A_612 = arith.muli %add3A_610, %mul3A_611 : i32
      %swap3A_613 = arith.index_cast %mul3A_612 : i32 to index
      %swap3A_614 = tpu.vector_load %arg9[%swap3A_613] {strides = array<i32>} : memref<16384xf32, #tpu.memory_space<vmem>>, vector<16xf32>,
      tpu.vector_store %arg9[%swap3A_613], %broadcast_in_dim3A_606 {strides = array<i32>} : memref<16384xf32, #tpu.memory_space<vmem>>, vector<16xf32>,
      %broadcast_in_dim3A_615 = arith.constant 0.000000e+00 : f32
      %broadcast_in_dim3A_616 = vector.broadcast %broadcast_in_dim3A_615 : f32 to vector<16xf32>
      %mul3A_617 = arith.constant 16 : i32
      %mul3A_618 = arith.muli %scan3A_484, %mul3A_617 : i32
      %add3A_619 = arith.constant 13 : i32
      %add3A_620 = arith.addi %mul3A_618, %add3A_619 : i32
      %mul3A_621 = arith.constant 16 : i32
      %mul3A_622 = arith.muli %add3A_620, %mul3A_621 : i32
      %swap3A_623 = arith.index_cast %mul3A_622 : i32 to index
      %swap3A_624 = tpu.vector_load %arg9[%swap3A_623] {strides = array<i32>} : memref<16384xf32, #tpu.memory_space<vmem>>, vector<16xf32>,
      tpu.vector_store %arg9[%swap3A_623], %broadcast_in_dim3A_616 {strides = array<i32>} : memref<16384xf32, #tpu.memory_space<vmem>>, vector<16xf32>,
      %broadcast_in_dim3A_625 = arith.constant 0.000000e+00 : f32
      %broadcast_in_dim3A_626 = vector.broadcast %broadcast_in_dim3A_625 : f32 to vector<16xf32>
      %mul3A_627 = arith.constant 16 : i32
      %mul3A_628 = arith.muli %scan3A_484, %mul3A_627 : i32
      %add3A_629 = arith.constant 14 : i32
      %add3A_630 = arith.addi %mul3A_628, %add3A_629 : i32
      %mul3A_631 = arith.constant 16 : i32
      %mul3A_632 = arith.muli %add3A_630, %mul3A_631 : i32
      %swap3A_633 = arith.index_cast %mul3A_632 : i32 to index
      %swap3A_634 = tpu.vector_load %arg9[%swap3A_633] {strides = array<i32>} : memref<16384xf32, #tpu.memory_space<vmem>>, vector<16xf32>,
      tpu.vector_store %arg9[%swap3A_633], %broadcast_in_dim3A_626 {strides = array<i32>} : memref<16384xf32, #tpu.memory_space<vmem>>, vector<16xf32>,
      %broadcast_in_dim3A_635 = arith.constant 0.000000e+00 : f32
      %broadcast_in_dim3A_636 = vector.broadcast %broadcast_in_dim3A_635 : f32 to vector<16xf32>
      %mul3A_637 = arith.constant 16 : i32
      %mul3A_638 = arith.muli %scan3A_484, %mul3A_637 : i32
      %add3A_639 = arith.constant 15 : i32
      %add3A_640 = arith.addi %mul3A_638, %add3A_639 : i32
      %mul3A_641 = arith.constant 16 : i32
      %mul3A_642 = arith.muli %add3A_640, %mul3A_641 : i32
      %swap3A_643 = arith.index_cast %mul3A_642 : i32 to index
      %swap3A_644 = tpu.vector_load %arg9[%swap3A_643] {strides = array<i32>} : memref<16384xf32, #tpu.memory_space<vmem>>, vector<16xf32>,
      tpu.vector_store %arg9[%swap3A_643], %broadcast_in_dim3A_636 {strides = array<i32>} : memref<16384xf32, #tpu.memory_space<vmem>>, vector<16xf32>,
    }
    %scan3A_7 = arith.constant 64 : i32
    %add3A_8 = arith.constant 0 : i32
    %add3A_9 = arith.addi %mul3A_2, %add3A_8 : i32
    %dma_start3A = tpu.memref_slice %arg2[%add3A_9] : memref<3200000xf32, #tpu.memory_space<hbm>> -> memref<10000xf32, #tpu.memory_space<hbm>>
    %dma_start3A_10 = tpu.memref_slice %arg2[%add3A_9] : memref<3200000xf32, #tpu.memory_space<hbm>> -> memref<10000xf32, #tpu.memory_space<hbm>>
    tpu.enqueue_dma source(%dma_start3A_10 : memref<10000xf32, #tpu.memory_space<hbm>>) target(%arg5 : memref<10000xf32, #tpu.memory_space<vmem>>) target_semaphore(%arg10 : memref<!tpu.dma_semaphore, #tpu.memory_space<semaphore_mem>>)
    %dma_start3A_11 = arith.constant 16 : i32
    %dma_start3A_12 = tpu.memref_slice %arg7[%dma_start3A_11] : memref<10032xi32, #tpu.memory_space<vmem>> -> memref<10000xi32, #tpu.memory_space<vmem>>
    %dma_start3A_13 = tpu.memref_slice %arg3[%add3A_9] : memref<3200000xi32, #tpu.memory_space<hbm>> -> memref<10000xi32, #tpu.memory_space<hbm>>
    %dma_start3A_14 = arith.constant 16 : i32
    %dma_start3A_15 = tpu.memref_slice %arg7[%dma_start3A_14] : memref<10032xi32, #tpu.memory_space<vmem>> -> memref<10000xi32, #tpu.memory_space<vmem>>
    %dma_start3A_16 = tpu.memref_slice %arg3[%add3A_9] : memref<3200000xi32, #tpu.memory_space<hbm>> -> memref<10000xi32, #tpu.memory_space<hbm>>
    tpu.enqueue_dma source(%dma_start3A_16 : memref<10000xi32, #tpu.memory_space<hbm>>) target(%dma_start3A_15 : memref<10000xi32, #tpu.memory_space<vmem>>) target_semaphore(%arg10 : memref<!tpu.dma_semaphore, #tpu.memory_space<semaphore_mem>>)
    %add3A_17 = arith.constant 10000 : i32
    %add3A_18 = arith.addi %add3A_9, %add3A_17 : i32
    %dma_start3A_19 = arith.constant 10016 : i32
    %dma_start3A_20 = tpu.memref_slice %arg7[%dma_start3A_19] : memref<10032xi32, #tpu.memory_space<vmem>> -> memref<16xi32, #tpu.memory_space<vmem>>
    %dma_start3A_21 = tpu.memref_slice %arg3[%add3A_18] : memref<3200000xi32, #tpu.memory_space<hbm>> -> memref<16xi32, #tpu.memory_space<hbm>>
    %dma_start3A_22 = arith.constant 10016 : i32
    %dma_start3A_23 = tpu.memref_slice %arg7[%dma_start3A_22] : memref<10032xi32, #tpu.memory_space<vmem>> -> memref<16xi32, #tpu.memory_space<vmem>>
    %dma_start3A_24 = tpu.memref_slice %arg3[%add3A_18] : memref<3200000xi32, #tpu.memory_space<hbm>> -> memref<16xi32, #tpu.memory_space<hbm>>
    tpu.enqueue_dma source(%dma_start3A_24 : memref<16xi32, #tpu.memory_space<hbm>>) target(%dma_start3A_23 : memref<16xi32, #tpu.memory_space<vmem>>) target_semaphore(%arg10 : memref<!tpu.dma_semaphore, #tpu.memory_space<semaphore_mem>>)
    %broadcast_in_dim3A = arith.constant 0.000000e+00 : f32
    %broadcast_in_dim3A_25 = vector.broadcast %broadcast_in_dim3A : f32 to vector<16xf32>
    %add3A_26 = arith.constant 10000 : i32
    %add3A_27 = arith.addi %mul3A_2, %add3A_26 : i32
    %dma_start3A_28 = tpu.memref_slice %arg2[%add3A_27] : memref<3200000xf32, #tpu.memory_space<hbm>> -> memref<10000xf32, #tpu.memory_space<hbm>>
    %dma_start3A_29 = tpu.memref_slice %arg2[%add3A_27] : memref<3200000xf32, #tpu.memory_space<hbm>> -> memref<10000xf32, #tpu.memory_space<hbm>>
    tpu.enqueue_dma source(%dma_start3A_29 : memref<10000xf32, #tpu.memory_space<hbm>>) target(%arg6 : memref<10000xf32, #tpu.memory_space<vmem>>) target_semaphore(%arg11 : memref<!tpu.dma_semaphore, #tpu.memory_space<semaphore_mem>>)
    %dma_start3A_30 = arith.constant 16 : i32
    %dma_start3A_31 = tpu.memref_slice %arg8[%dma_start3A_30] : memref<10032xi32, #tpu.memory_space<vmem>> -> memref<10000xi32, #tpu.memory_space<vmem>>
    %dma_start3A_32 = tpu.memref_slice %arg3[%add3A_27] : memref<3200000xi32, #tpu.memory_space<hbm>> -> memref<10000xi32, #tpu.memory_space<hbm>>
    %dma_start3A_33 = arith.constant 16 : i32
    %dma_start3A_34 = tpu.memref_slice %arg8[%dma_start3A_33] : memref<10032xi32, #tpu.memory_space<vmem>> -> memref<10000xi32, #tpu.memory_space<vmem>>
    %dma_start3A_35 = tpu.memref_slice %arg3[%add3A_27] : memref<3200000xi32, #tpu.memory_space<hbm>> -> memref<10000xi32, #tpu.memory_space<hbm>>
    tpu.enqueue_dma source(%dma_start3A_35 : memref<10000xi32, #tpu.memory_space<hbm>>) target(%dma_start3A_34 : memref<10000xi32, #tpu.memory_space<vmem>>) target_semaphore(%arg11 : memref<!tpu.dma_semaphore, #tpu.memory_space<semaphore_mem>>)
    %add3A_36 = arith.constant 10000 : i32
    %add3A_37 = arith.addi %add3A_27, %add3A_36 : i32
    %dma_start3A_38 = arith.constant 10016 : i32
    %dma_start3A_39 = tpu.memref_slice %arg8[%dma_start3A_38] : memref<10032xi32, #tpu.memory_space<vmem>> -> memref<16xi32, #tpu.memory_space<vmem>>
    %dma_start3A_40 = tpu.memref_slice %arg3[%add3A_37] : memref<3200000xi32, #tpu.memory_space<hbm>> -> memref<16xi32, #tpu.memory_space<hbm>>
    %dma_start3A_41 = arith.constant 10016 : i32
    %dma_start3A_42 = tpu.memref_slice %arg8[%dma_start3A_41] : memref<10032xi32, #tpu.memory_space<vmem>> -> memref<16xi32, #tpu.memory_space<vmem>>
    %dma_start3A_43 = tpu.memref_slice %arg3[%add3A_37] : memref<3200000xi32, #tpu.memory_space<hbm>> -> memref<16xi32, #tpu.memory_space<hbm>>
    tpu.enqueue_dma source(%dma_start3A_43 : memref<16xi32, #tpu.memory_space<hbm>>) target(%dma_start3A_42 : memref<16xi32, #tpu.memory_space<vmem>>) target_semaphore(%arg11 : memref<!tpu.dma_semaphore, #tpu.memory_space<semaphore_mem>>)
    %sub3A = arith.constant 16 : i32
    %sub3A_44 = arith.subi %add3A_27, %sub3A : i32
    %dma_start3A_45 = arith.constant 0 : i32
    %dma_start3A_46 = tpu.memref_slice %arg8[%dma_start3A_45] : memref<10032xi32, #tpu.memory_space<vmem>> -> memref<16xi32, #tpu.memory_space<vmem>>
    %dma_start3A_47 = tpu.memref_slice %arg3[%sub3A_44] : memref<3200000xi32, #tpu.memory_space<hbm>> -> memref<16xi32, #tpu.memory_space<hbm>>
    %dma_start3A_48 = arith.constant 0 : i32
    %dma_start3A_49 = tpu.memref_slice %arg8[%dma_start3A_48] : memref<10032xi32, #tpu.memory_space<vmem>> -> memref<16xi32, #tpu.memory_space<vmem>>
    %dma_start3A_50 = tpu.memref_slice %arg3[%sub3A_44] : memref<3200000xi32, #tpu.memory_space<hbm>> -> memref<16xi32, #tpu.memory_space<hbm>>
    tpu.enqueue_dma source(%dma_start3A_50 : memref<16xi32, #tpu.memory_space<hbm>>) target(%dma_start3A_49 : memref<16xi32, #tpu.memory_space<vmem>>) target_semaphore(%arg11 : memref<!tpu.dma_semaphore, #tpu.memory_space<semaphore_mem>>)
    %dma_wait3A = tpu.memref_slice %arg2[%add3A_9] : memref<3200000xf32, #tpu.memory_space<hbm>> -> memref<10000xf32, #tpu.memory_space<hbm>>
    %dma_wait3A_51 = tpu.memref_slice %arg2[%add3A_9] : memref<3200000xf32, #tpu.memory_space<hbm>> -> memref<10000xf32, #tpu.memory_space<hbm>>
    tpu.wait_dma2 semaphore(%arg10 : memref<!tpu.dma_semaphore, #tpu.memory_space<semaphore_mem>>) src(%dma_wait3A_51 : memref<10000xf32, #tpu.memory_space<hbm>>) dst(%arg5 : memref<10000xf32, #tpu.memory_space<vmem>>)
    %dma_wait3A_52 = arith.constant 16 : i32
    %dma_wait3A_53 = tpu.memref_slice %arg7[%dma_wait3A_52] : memref<10032xi32, #tpu.memory_space<vmem>> -> memref<10000xi32, #tpu.memory_space<vmem>>
    %dma_wait3A_54 = tpu.memref_slice %arg3[%add3A_9] : memref<3200000xi32, #tpu.memory_space<hbm>> -> memref<10000xi32, #tpu.memory_space<hbm>>
    %dma_wait3A_55 = arith.constant 16 : i32
    %dma_wait3A_56 = tpu.memref_slice %arg7[%dma_wait3A_55] : memref<10032xi32, #tpu.memory_space<vmem>> -> memref<10000xi32, #tpu.memory_space<vmem>>
    %dma_wait3A_57 = tpu.memref_slice %arg3[%add3A_9] : memref<3200000xi32, #tpu.memory_space<hbm>> -> memref<10000xi32, #tpu.memory_space<hbm>>
    tpu.wait_dma2 semaphore(%arg10 : memref<!tpu.dma_semaphore, #tpu.memory_space<semaphore_mem>>) src(%dma_wait3A_57 : memref<10000xi32, #tpu.memory_space<hbm>>) dst(%dma_wait3A_56 : memref<10000xi32, #tpu.memory_space<vmem>>)
    %dma_wait3A_58 = arith.constant 10016 : i32
    %dma_wait3A_59 = tpu.memref_slice %arg7[%dma_wait3A_58] : memref<10032xi32, #tpu.memory_space<vmem>> -> memref<16xi32, #tpu.memory_space<vmem>>
    %dma_wait3A_60 = tpu.memref_slice %arg3[%add3A_18] : memref<3200000xi32, #tpu.memory_space<hbm>> -> memref<16xi32, #tpu.memory_space<hbm>>
    %dma_wait3A_61 = arith.constant 10016 : i32
    %dma_wait3A_62 = tpu.memref_slice %arg7[%dma_wait3A_61] : memref<10032xi32, #tpu.memory_space<vmem>> -> memref<16xi32, #tpu.memory_space<vmem>>
    %dma_wait3A_63 = tpu.memref_slice %arg3[%add3A_18] : memref<3200000xi32, #tpu.memory_space<hbm>> -> memref<16xi32, #tpu.memory_space<hbm>>
    tpu.wait_dma2 semaphore(%arg10 : memref<!tpu.dma_semaphore, #tpu.memory_space<semaphore_mem>>) src(%dma_wait3A_63 : memref<16xi32, #tpu.memory_space<hbm>>) dst(%dma_wait3A_62 : memref<16xi32, #tpu.memory_space<vmem>>)
    %broadcast_in_dim3A_64 = arith.constant -2 : i32
    %broadcast_in_dim3A_65 = vector.broadcast %broadcast_in_dim3A_64 : i32 to vector<16xi32>
    %swap3A = arith.constant 0 : index
    %swap3A_66 = tpu.vector_load %arg7[%swap3A] {strides = array<i32>} : memref<10032xi32, #tpu.memory_space<vmem>>, vector<16xi32>,
    tpu.vector_store %arg7[%swap3A], %broadcast_in_dim3A_65 {strides = array<i32>} : memref<10032xi32, #tpu.memory_space<vmem>>, vector<16xi32>,
    %parallel_loop3A = arith.constant 0 : i32
    %parallel_loop3A_67 = arith.constant 625 : i32
    %parallel_loop3A_68 = arith.constant 1 : i32
    %parallel_loop3A_69 = scf.for %parallel_loop3A_484 = %parallel_loop3A to %parallel_loop3A_67 step %parallel_loop3A_68 iter_args(%parallel_loop3A_485 = %broadcast_in_dim3A_25) -> (vector<16xf32>)  : i32 {
      %parallel_loop3A_486 = arith.constant 16 : i32
      %parallel_loop3A_487 = arith.muli %parallel_loop3A_484, %parallel_loop3A_486 : i32
      %parallel_loop3A_488 = arith.index_cast %parallel_loop3A_487 : i32 to index
      %parallel_loop3A_489 = tpu.vector_load %arg5[%parallel_loop3A_488] {strides = array<i32>} : memref<10000xf32, #tpu.memory_space<vmem>>, vector<16xf32>,
      %parallel_loop3A_490 = arith.constant 16 : i32
      %parallel_loop3A_491 = arith.muli %parallel_loop3A_484, %parallel_loop3A_490 : i32
      %parallel_loop3A_492 = arith.constant 16 : i32
      %parallel_loop3A_493 = arith.addi %parallel_loop3A_492, %parallel_loop3A_491 : i32
      %parallel_loop3A_494 = arith.index_cast %parallel_loop3A_493 : i32 to index
      %parallel_loop3A_495 = tpu.vector_load %arg7[%parallel_loop3A_494] {strides = array<i32>} : memref<10032xi32, #tpu.memory_space<vmem>>, vector<16xi32>,
      %parallel_loop3A_496 = arith.constant 16 : i32
      %parallel_loop3A_497 = arith.muli %parallel_loop3A_484, %parallel_loop3A_496 : i32
      %parallel_loop3A_498 = arith.constant 16 : i32
      %parallel_loop3A_499 = arith.addi %parallel_loop3A_498, %parallel_loop3A_497 : i32
      %parallel_loop3A_500 = arith.constant 1 : i32
      %parallel_loop3A_501 = arith.addi %parallel_loop3A_499, %parallel_loop3A_500 : i32
      %parallel_loop3A_502 = arith.index_cast %parallel_loop3A_501 : i32 to index
      %parallel_loop3A_503 = tpu.vector_load %arg7[%parallel_loop3A_502] {strides = array<i32>} : memref<10032xi32, #tpu.memory_space<vmem>>, vector<16xi32>,
      %parallel_loop3A_504 = arith.constant 16 : i32
      %parallel_loop3A_505 = arith.muli %parallel_loop3A_484, %parallel_loop3A_504 : i32
      %parallel_loop3A_506 = arith.constant 16 : i32
      %parallel_loop3A_507 = arith.addi %parallel_loop3A_506, %parallel_loop3A_505 : i32
      %parallel_loop3A_508 = arith.constant 1 : i32
      %parallel_loop3A_509 = arith.subi %parallel_loop3A_507, %parallel_loop3A_508 : i32
      %parallel_loop3A_510 = arith.index_cast %parallel_loop3A_509 : i32 to index
      %parallel_loop3A_511 = tpu.vector_load %arg7[%parallel_loop3A_510] {strides = array<i32>} : memref<10032xi32, #tpu.memory_space<vmem>>, vector<16xi32>,
      %parallel_loop3A_512 = arith.constant true
      %parallel_loop3A_513 = vector.broadcast %parallel_loop3A_512 : i1 to vector<16xi1>
      %parallel_loop3A_514 = tpu.scan <sum>, %parallel_loop3A_489 masked %parallel_loop3A_513 : vector<16xf32>, vector<16xi1> -> vector<16xf32>
      %parallel_loop3A_515 = arith.addf %parallel_loop3A_514, %parallel_loop3A_485 : vector<16xf32>
      %parallel_loop3A_516 = arith.cmpi ne, %parallel_loop3A_495, %parallel_loop3A_503 : vector<16xi32>
      %parallel_loop3A_517 = arith.cmpi ne, %parallel_loop3A_495, %parallel_loop3A_511 : vector<16xi32>
      %parallel_loop3A_518 = arith.constant 0.000000e+00 : f32
      %parallel_loop3A_519 = vector.broadcast %parallel_loop3A_518 : f32 to vector<16xf32>
      %parallel_loop3A_520 = arith.select %parallel_loop3A_516, %parallel_loop3A_515, %parallel_loop3A_519 : vector<16xi1>, vector<16xf32>
      %parallel_loop3A_521 = arith.subf %parallel_loop3A_515, %parallel_loop3A_489 : vector<16xf32>
      %parallel_loop3A_522 = arith.constant 0.000000e+00 : f32
      %parallel_loop3A_523 = vector.broadcast %parallel_loop3A_522 : f32 to vector<16xf32>
      %parallel_loop3A_524 = arith.select %parallel_loop3A_517, %parallel_loop3A_521, %parallel_loop3A_523 : vector<16xi1>, vector<16xf32>
      %parallel_loop3A_525 = arith.subf %parallel_loop3A_520, %parallel_loop3A_524 : vector<16xf32>
      %parallel_loop3A_526 = arith.ori %parallel_loop3A_516, %parallel_loop3A_517 : vector<16xi1>
      tpu.vector_store_idx %arg9[%parallel_loop3A_495], %parallel_loop3A_525 masked %parallel_loop3A_526 {add = true} : memref<16384xf32, #tpu.memory_space<vmem>>[vector<16xi32>], vector<16xf32>, vector<16xi1>
      %parallel_loop3A_527 = arith.constant true
      %parallel_loop3A_528 = vector.broadcast %parallel_loop3A_527 : i1 to vector<16xi1>
      %parallel_loop3A_529 = tpu.scan <sum>, %parallel_loop3A_489 masked %parallel_loop3A_528 : vector<16xf32>, vector<16xi1> -> vector<16xf32>
      %parallel_loop3A_530 = vector.extract %parallel_loop3A_529[15] : f32 from vector<16xf32>
      %parallel_loop3A_531 = vector.broadcast %parallel_loop3A_530 : f32 to vector<16xf32>
      %parallel_loop3A_532 = arith.addf %parallel_loop3A_485, %parallel_loop3A_531 : vector<16xf32>
      scf.yield %parallel_loop3A_532 : vector<16xf32>
    } {sc.loop_unroll_factor = 5 : i64, sc.parallel_access}
    %add3A_70 = arith.constant 20000 : i32
    %add3A_71 = arith.addi %mul3A_2, %add3A_70 : i32
    %dma_start3A_72 = tpu.memref_slice %arg2[%add3A_71] : memref<3200000xf32, #tpu.memory_space<hbm>> -> memref<10000xf32, #tpu.memory_space<hbm>>
    %dma_start3A_73 = tpu.memref_slice %arg2[%add3A_71] : memref<3200000xf32, #tpu.memory_space<hbm>> -> memref<10000xf32, #tpu.memory_space<hbm>>
    tpu.enqueue_dma source(%dma_start3A_73 : memref<10000xf32, #tpu.memory_space<hbm>>) target(%arg5 : memref<10000xf32, #tpu.memory_space<vmem>>) target_semaphore(%arg10 : memref<!tpu.dma_semaphore, #tpu.memory_space<semaphore_mem>>)
    %dma_start3A_74 = arith.constant 16 : i32
    %dma_start3A_75 = tpu.memref_slice %arg7[%dma_start3A_74] : memref<10032xi32, #tpu.memory_space<vmem>> -> memref<10000xi32, #tpu.memory_space<vmem>>
    %dma_start3A_76 = tpu.memref_slice %arg3[%add3A_71] : memref<3200000xi32, #tpu.memory_space<hbm>> -> memref<10000xi32, #tpu.memory_space<hbm>>
    %dma_start3A_77 = arith.constant 16 : i32
    %dma_start3A_78 = tpu.memref_slice %arg7[%dma_start3A_77] : memref<10032xi32, #tpu.memory_space<vmem>> -> memref<10000xi32, #tpu.memory_space<vmem>>
    %dma_start3A_79 = tpu.memref_slice %arg3[%add3A_71] : memref<3200000xi32, #tpu.memory_space<hbm>> -> memref<10000xi32, #tpu.memory_space<hbm>>
    tpu.enqueue_dma source(%dma_start3A_79 : memref<10000xi32, #tpu.memory_space<hbm>>) target(%dma_start3A_78 : memref<10000xi32, #tpu.memory_space<vmem>>) target_semaphore(%arg10 : memref<!tpu.dma_semaphore, #tpu.memory_space<semaphore_mem>>)
    %add3A_80 = arith.constant 10000 : i32
    %add3A_81 = arith.addi %add3A_71, %add3A_80 : i32
    %dma_start3A_82 = arith.constant 10016 : i32
    %dma_start3A_83 = tpu.memref_slice %arg7[%dma_start3A_82] : memref<10032xi32, #tpu.memory_space<vmem>> -> memref<16xi32, #tpu.memory_space<vmem>>
    %dma_start3A_84 = tpu.memref_slice %arg3[%add3A_81] : memref<3200000xi32, #tpu.memory_space<hbm>> -> memref<16xi32, #tpu.memory_space<hbm>>
    %dma_start3A_85 = arith.constant 10016 : i32
    %dma_start3A_86 = tpu.memref_slice %arg7[%dma_start3A_85] : memref<10032xi32, #tpu.memory_space<vmem>> -> memref<16xi32, #tpu.memory_space<vmem>>
    %dma_start3A_87 = tpu.memref_slice %arg3[%add3A_81] : memref<3200000xi32, #tpu.memory_space<hbm>> -> memref<16xi32, #tpu.memory_space<hbm>>
    tpu.enqueue_dma source(%dma_start3A_87 : memref<16xi32, #tpu.memory_space<hbm>>) target(%dma_start3A_86 : memref<16xi32, #tpu.memory_space<vmem>>) target_semaphore(%arg10 : memref<!tpu.dma_semaphore, #tpu.memory_space<semaphore_mem>>)
    %sub3A_88 = arith.constant 16 : i32
    %sub3A_89 = arith.subi %add3A_71, %sub3A_88 : i32
    %dma_start3A_90 = arith.constant 0 : i32
    %dma_start3A_91 = tpu.memref_slice %arg7[%dma_start3A_90] : memref<10032xi32, #tpu.memory_space<vmem>> -> memref<16xi32, #tpu.memory_space<vmem>>
    %dma_start3A_92 = tpu.memref_slice %arg3[%sub3A_89] : memref<3200000xi32, #tpu.memory_space<hbm>> -> memref<16xi32, #tpu.memory_space<hbm>>
    %dma_start3A_93 = arith.constant 0 : i32
    %dma_start3A_94 = tpu.memref_slice %arg7[%dma_start3A_93] : memref<10032xi32, #tpu.memory_space<vmem>> -> memref<16xi32, #tpu.memory_space<vmem>>
    %dma_start3A_95 = tpu.memref_slice %arg3[%sub3A_89] : memref<3200000xi32, #tpu.memory_space<hbm>> -> memref<16xi32, #tpu.memory_space<hbm>>
    tpu.enqueue_dma source(%dma_start3A_95 : memref<16xi32, #tpu.memory_space<hbm>>) target(%dma_start3A_94 : memref<16xi32, #tpu.memory_space<vmem>>) target_semaphore(%arg10 : memref<!tpu.dma_semaphore, #tpu.memory_space<semaphore_mem>>)
    %dma_wait3A_96 = tpu.memref_slice %arg2[%add3A_27] : memref<3200000xf32, #tpu.memory_space<hbm>> -> memref<10000xf32, #tpu.memory_space<hbm>>
    %dma_wait3A_97 = tpu.memref_slice %arg2[%add3A_27] : memref<3200000xf32, #tpu.memory_space<hbm>> -> memref<10000xf32, #tpu.memory_space<hbm>>
    tpu.wait_dma2 semaphore(%arg11 : memref<!tpu.dma_semaphore, #tpu.memory_space<semaphore_mem>>) src(%dma_wait3A_97 : memref<10000xf32, #tpu.memory_space<hbm>>) dst(%arg6 : memref<10000xf32, #tpu.memory_space<vmem>>)
    %dma_wait3A_98 = arith.constant 16 : i32
    %dma_wait3A_99 = tpu.memref_slice %arg8[%dma_wait3A_98] : memref<10032xi32, #tpu.memory_space<vmem>> -> memref<10000xi32, #tpu.memory_space<vmem>>
    %dma_wait3A_100 = tpu.memref_slice %arg3[%add3A_27] : memref<3200000xi32, #tpu.memory_space<hbm>> -> memref<10000xi32, #tpu.memory_space<hbm>>
    %dma_wait3A_101 = arith.constant 16 : i32
    %dma_wait3A_102 = tpu.memref_slice %arg8[%dma_wait3A_101] : memref<10032xi32, #tpu.memory_space<vmem>> -> memref<10000xi32, #tpu.memory_space<vmem>>
    %dma_wait3A_103 = tpu.memref_slice %arg3[%add3A_27] : memref<3200000xi32, #tpu.memory_space<hbm>> -> memref<10000xi32, #tpu.memory_space<hbm>>
    tpu.wait_dma2 semaphore(%arg11 : memref<!tpu.dma_semaphore, #tpu.memory_space<semaphore_mem>>) src(%dma_wait3A_103 : memref<10000xi32, #tpu.memory_space<hbm>>) dst(%dma_wait3A_102 : memref<10000xi32, #tpu.memory_space<vmem>>)
    %dma_wait3A_104 = arith.constant 10016 : i32
    %dma_wait3A_105 = tpu.memref_slice %arg8[%dma_wait3A_104] : memref<10032xi32, #tpu.memory_space<vmem>> -> memref<16xi32, #tpu.memory_space<vmem>>
    %dma_wait3A_106 = tpu.memref_slice %arg3[%add3A_37] : memref<3200000xi32, #tpu.memory_space<hbm>> -> memref<16xi32, #tpu.memory_space<hbm>>
    %dma_wait3A_107 = arith.constant 10016 : i32
    %dma_wait3A_108 = tpu.memref_slice %arg8[%dma_wait3A_107] : memref<10032xi32, #tpu.memory_space<vmem>> -> memref<16xi32, #tpu.memory_space<vmem>>
    %dma_wait3A_109 = tpu.memref_slice %arg3[%add3A_37] : memref<3200000xi32, #tpu.memory_space<hbm>> -> memref<16xi32, #tpu.memory_space<hbm>>
    tpu.wait_dma2 semaphore(%arg11 : memref<!tpu.dma_semaphore, #tpu.memory_space<semaphore_mem>>) src(%dma_wait3A_109 : memref<16xi32, #tpu.memory_space<hbm>>) dst(%dma_wait3A_108 : memref<16xi32, #tpu.memory_space<vmem>>)
    %dma_wait3A_110 = arith.constant 0 : i32
    %dma_wait3A_111 = tpu.memref_slice %arg8[%dma_wait3A_110] : memref<10032xi32, #tpu.memory_space<vmem>> -> memref<16xi32, #tpu.memory_space<vmem>>
    %dma_wait3A_112 = tpu.memref_slice %arg3[%sub3A_44] : memref<3200000xi32, #tpu.memory_space<hbm>> -> memref<16xi32, #tpu.memory_space<hbm>>
    %dma_wait3A_113 = arith.constant 0 : i32
    %dma_wait3A_114 = tpu.memref_slice %arg8[%dma_wait3A_113] : memref<10032xi32, #tpu.memory_space<vmem>> -> memref<16xi32, #tpu.memory_space<vmem>>
    %dma_wait3A_115 = tpu.memref_slice %arg3[%sub3A_44] : memref<3200000xi32, #tpu.memory_space<hbm>> -> memref<16xi32, #tpu.memory_space<hbm>>
    tpu.wait_dma2 semaphore(%arg11 : memref<!tpu.dma_semaphore, #tpu.memory_space<semaphore_mem>>) src(%dma_wait3A_115 : memref<16xi32, #tpu.memory_space<hbm>>) dst(%dma_wait3A_114 : memref<16xi32, #tpu.memory_space<vmem>>)
    %parallel_loop3A_116 = arith.constant 0 : i32
    %parallel_loop3A_117 = arith.constant 625 : i32
    %parallel_loop3A_118 = arith.constant 1 : i32
    %parallel_loop3A_119 = scf.for %parallel_loop3A_484 = %parallel_loop3A_116 to %parallel_loop3A_117 step %parallel_loop3A_118 iter_args(%parallel_loop3A_485 = %parallel_loop3A_69) -> (vector<16xf32>)  : i32 {
      %parallel_loop3A_486 = arith.constant 16 : i32
      %parallel_loop3A_487 = arith.muli %parallel_loop3A_484, %parallel_loop3A_486 : i32
      %parallel_loop3A_488 = arith.index_cast %parallel_loop3A_487 : i32 to index
      %parallel_loop3A_489 = tpu.vector_load %arg6[%parallel_loop3A_488] {strides = array<i32>} : memref<10000xf32, #tpu.memory_space<vmem>>, vector<16xf32>,
      %parallel_loop3A_490 = arith.constant 16 : i32
      %parallel_loop3A_491 = arith.muli %parallel_loop3A_484, %parallel_loop3A_490 : i32
      %parallel_loop3A_492 = arith.constant 16 : i32
      %parallel_loop3A_493 = arith.addi %parallel_loop3A_492, %parallel_loop3A_491 : i32
      %parallel_loop3A_494 = arith.index_cast %parallel_loop3A_493 : i32 to index
      %parallel_loop3A_495 = tpu.vector_load %arg8[%parallel_loop3A_494] {strides = array<i32>} : memref<10032xi32, #tpu.memory_space<vmem>>, vector<16xi32>,
      %parallel_loop3A_496 = arith.constant 16 : i32
      %parallel_loop3A_497 = arith.muli %parallel_loop3A_484, %parallel_loop3A_496 : i32
      %parallel_loop3A_498 = arith.constant 16 : i32
      %parallel_loop3A_499 = arith.addi %parallel_loop3A_498, %parallel_loop3A_497 : i32
      %parallel_loop3A_500 = arith.constant 1 : i32
      %parallel_loop3A_501 = arith.addi %parallel_loop3A_499, %parallel_loop3A_500 : i32
      %parallel_loop3A_502 = arith.index_cast %parallel_loop3A_501 : i32 to index
      %parallel_loop3A_503 = tpu.vector_load %arg8[%parallel_loop3A_502] {strides = array<i32>} : memref<10032xi32, #tpu.memory_space<vmem>>, vector<16xi32>,
      %parallel_loop3A_504 = arith.constant 16 : i32
      %parallel_loop3A_505 = arith.muli %parallel_loop3A_484, %parallel_loop3A_504 : i32
      %parallel_loop3A_506 = arith.constant 16 : i32
      %parallel_loop3A_507 = arith.addi %parallel_loop3A_506, %parallel_loop3A_505 : i32
      %parallel_loop3A_508 = arith.constant 1 : i32
      %parallel_loop3A_509 = arith.subi %parallel_loop3A_507, %parallel_loop3A_508 : i32
      %parallel_loop3A_510 = arith.index_cast %parallel_loop3A_509 : i32 to index
      %parallel_loop3A_511 = tpu.vector_load %arg8[%parallel_loop3A_510] {strides = array<i32>} : memref<10032xi32, #tpu.memory_space<vmem>>, vector<16xi32>,
      %parallel_loop3A_512 = arith.constant true
      %parallel_loop3A_513 = vector.broadcast %parallel_loop3A_512 : i1 to vector<16xi1>
      %parallel_loop3A_514 = tpu.scan <sum>, %parallel_loop3A_489 masked %parallel_loop3A_513 : vector<16xf32>, vector<16xi1> -> vector<16xf32>
      %parallel_loop3A_515 = arith.addf %parallel_loop3A_514, %parallel_loop3A_485 : vector<16xf32>
      %parallel_loop3A_516 = arith.cmpi ne, %parallel_loop3A_495, %parallel_loop3A_503 : vector<16xi32>
      %parallel_loop3A_517 = arith.cmpi ne, %parallel_loop3A_495, %parallel_loop3A_511 : vector<16xi32>
      %parallel_loop3A_518 = arith.constant 0.000000e+00 : f32
      %parallel_loop3A_519 = vector.broadcast %parallel_loop3A_518 : f32 to vector<16xf32>
      %parallel_loop3A_520 = arith.select %parallel_loop3A_516, %parallel_loop3A_515, %parallel_loop3A_519 : vector<16xi1>, vector<16xf32>
      %parallel_loop3A_521 = arith.subf %parallel_loop3A_515, %parallel_loop3A_489 : vector<16xf32>
      %parallel_loop3A_522 = arith.constant 0.000000e+00 : f32
      %parallel_loop3A_523 = vector.broadcast %parallel_loop3A_522 : f32 to vector<16xf32>
      %parallel_loop3A_524 = arith.select %parallel_loop3A_517, %parallel_loop3A_521, %parallel_loop3A_523 : vector<16xi1>, vector<16xf32>
      %parallel_loop3A_525 = arith.subf %parallel_loop3A_520, %parallel_loop3A_524 : vector<16xf32>
      %parallel_loop3A_526 = arith.ori %parallel_loop3A_516, %parallel_loop3A_517 : vector<16xi1>
      tpu.vector_store_idx %arg9[%parallel_loop3A_495], %parallel_loop3A_525 masked %parallel_loop3A_526 {add = true} : memref<16384xf32, #tpu.memory_space<vmem>>[vector<16xi32>], vector<16xf32>, vector<16xi1>
      %parallel_loop3A_527 = arith.constant true
      %parallel_loop3A_528 = vector.broadcast %parallel_loop3A_527 : i1 to vector<16xi1>
      %parallel_loop3A_529 = tpu.scan <sum>, %parallel_loop3A_489 masked %parallel_loop3A_528 : vector<16xf32>, vector<16xi1> -> vector<16xf32>
      %parallel_loop3A_530 = vector.extract %parallel_loop3A_529[15] : f32 from vector<16xf32>
      %parallel_loop3A_531 = vector.broadcast %parallel_loop3A_530 : f32 to vector<16xf32>
      %parallel_loop3A_532 = arith.addf %parallel_loop3A_485, %parallel_loop3A_531 : vector<16xf32>
      scf.yield %parallel_loop3A_532 : vector<16xf32>
    } {sc.loop_unroll_factor = 5 : i64, sc.parallel_access}
    %add3A_120 = arith.constant 30000 : i32
    %add3A_121 = arith.addi %mul3A_2, %add3A_120 : i32
    %dma_start3A_122 = tpu.memref_slice %arg2[%add3A_121] : memref<3200000xf32, #tpu.memory_space<hbm>> -> memref<10000xf32, #tpu.memory_space<hbm>>
    %dma_start3A_123 = tpu.memref_slice %arg2[%add3A_121] : memref<3200000xf32, #tpu.memory_space<hbm>> -> memref<10000xf32, #tpu.memory_space<hbm>>
    tpu.enqueue_dma source(%dma_start3A_123 : memref<10000xf32, #tpu.memory_space<hbm>>) target(%arg6 : memref<10000xf32, #tpu.memory_space<vmem>>) target_semaphore(%arg11 : memref<!tpu.dma_semaphore, #tpu.memory_space<semaphore_mem>>)
    %dma_start3A_124 = arith.constant 16 : i32
    %dma_start3A_125 = tpu.memref_slice %arg8[%dma_start3A_124] : memref<10032xi32, #tpu.memory_space<vmem>> -> memref<10000xi32, #tpu.memory_space<vmem>>
    %dma_start3A_126 = tpu.memref_slice %arg3[%add3A_121] : memref<3200000xi32, #tpu.memory_space<hbm>> -> memref<10000xi32, #tpu.memory_space<hbm>>
    %dma_start3A_127 = arith.constant 16 : i32
    %dma_start3A_128 = tpu.memref_slice %arg8[%dma_start3A_127] : memref<10032xi32, #tpu.memory_space<vmem>> -> memref<10000xi32, #tpu.memory_space<vmem>>
    %dma_start3A_129 = tpu.memref_slice %arg3[%add3A_121] : memref<3200000xi32, #tpu.memory_space<hbm>> -> memref<10000xi32, #tpu.memory_space<hbm>>
    tpu.enqueue_dma source(%dma_start3A_129 : memref<10000xi32, #tpu.memory_space<hbm>>) target(%dma_start3A_128 : memref<10000xi32, #tpu.memory_space<vmem>>) target_semaphore(%arg11 : memref<!tpu.dma_semaphore, #tpu.memory_space<semaphore_mem>>)
    %add3A_130 = arith.constant 10000 : i32
    %add3A_131 = arith.addi %add3A_121, %add3A_130 : i32
    %dma_start3A_132 = arith.constant 10016 : i32
    %dma_start3A_133 = tpu.memref_slice %arg8[%dma_start3A_132] : memref<10032xi32, #tpu.memory_space<vmem>> -> memref<16xi32, #tpu.memory_space<vmem>>
    %dma_start3A_134 = tpu.memref_slice %arg3[%add3A_131] : memref<3200000xi32, #tpu.memory_space<hbm>> -> memref<16xi32, #tpu.memory_space<hbm>>
    %dma_start3A_135 = arith.constant 10016 : i32
    %dma_start3A_136 = tpu.memref_slice %arg8[%dma_start3A_135] : memref<10032xi32, #tpu.memory_space<vmem>> -> memref<16xi32, #tpu.memory_space<vmem>>
    %dma_start3A_137 = tpu.memref_slice %arg3[%add3A_131] : memref<3200000xi32, #tpu.memory_space<hbm>> -> memref<16xi32, #tpu.memory_space<hbm>>
    tpu.enqueue_dma source(%dma_start3A_137 : memref<16xi32, #tpu.memory_space<hbm>>) target(%dma_start3A_136 : memref<16xi32, #tpu.memory_space<vmem>>) target_semaphore(%arg11 : memref<!tpu.dma_semaphore, #tpu.memory_space<semaphore_mem>>)
    %sub3A_138 = arith.constant 16 : i32
    %sub3A_139 = arith.subi %add3A_121, %sub3A_138 : i32
    %dma_start3A_140 = arith.constant 0 : i32
    %dma_start3A_141 = tpu.memref_slice %arg8[%dma_start3A_140] : memref<10032xi32, #tpu.memory_space<vmem>> -> memref<16xi32, #tpu.memory_space<vmem>>
    %dma_start3A_142 = tpu.memref_slice %arg3[%sub3A_139] : memref<3200000xi32, #tpu.memory_space<hbm>> -> memref<16xi32, #tpu.memory_space<hbm>>
    %dma_start3A_143 = arith.constant 0 : i32
    %dma_start3A_144 = tpu.memref_slice %arg8[%dma_start3A_143] : memref<10032xi32, #tpu.memory_space<vmem>> -> memref<16xi32, #tpu.memory_space<vmem>>
    %dma_start3A_145 = tpu.memref_slice %arg3[%sub3A_139] : memref<3200000xi32, #tpu.memory_space<hbm>> -> memref<16xi32, #tpu.memory_space<hbm>>
    tpu.enqueue_dma source(%dma_start3A_145 : memref<16xi32, #tpu.memory_space<hbm>>) target(%dma_start3A_144 : memref<16xi32, #tpu.memory_space<vmem>>) target_semaphore(%arg11 : memref<!tpu.dma_semaphore, #tpu.memory_space<semaphore_mem>>)
    %dma_wait3A_146 = tpu.memref_slice %arg2[%add3A_71] : memref<3200000xf32, #tpu.memory_space<hbm>> -> memref<10000xf32, #tpu.memory_space<hbm>>
    %dma_wait3A_147 = tpu.memref_slice %arg2[%add3A_71] : memref<3200000xf32, #tpu.memory_space<hbm>> -> memref<10000xf32, #tpu.memory_space<hbm>>
    tpu.wait_dma2 semaphore(%arg10 : memref<!tpu.dma_semaphore, #tpu.memory_space<semaphore_mem>>) src(%dma_wait3A_147 : memref<10000xf32, #tpu.memory_space<hbm>>) dst(%arg5 : memref<10000xf32, #tpu.memory_space<vmem>>)
    %dma_wait3A_148 = arith.constant 16 : i32
    %dma_wait3A_149 = tpu.memref_slice %arg7[%dma_wait3A_148] : memref<10032xi32, #tpu.memory_space<vmem>> -> memref<10000xi32, #tpu.memory_space<vmem>>
    %dma_wait3A_150 = tpu.memref_slice %arg3[%add3A_71] : memref<3200000xi32, #tpu.memory_space<hbm>> -> memref<10000xi32, #tpu.memory_space<hbm>>
    %dma_wait3A_151 = arith.constant 16 : i32
    %dma_wait3A_152 = tpu.memref_slice %arg7[%dma_wait3A_151] : memref<10032xi32, #tpu.memory_space<vmem>> -> memref<10000xi32, #tpu.memory_space<vmem>>
    %dma_wait3A_153 = tpu.memref_slice %arg3[%add3A_71] : memref<3200000xi32, #tpu.memory_space<hbm>> -> memref<10000xi32, #tpu.memory_space<hbm>>
    tpu.wait_dma2 semaphore(%arg10 : memref<!tpu.dma_semaphore, #tpu.memory_space<semaphore_mem>>) src(%dma_wait3A_153 : memref<10000xi32, #tpu.memory_space<hbm>>) dst(%dma_wait3A_152 : memref<10000xi32, #tpu.memory_space<vmem>>)
    %dma_wait3A_154 = arith.constant 10016 : i32
    %dma_wait3A_155 = tpu.memref_slice %arg7[%dma_wait3A_154] : memref<10032xi32, #tpu.memory_space<vmem>> -> memref<16xi32, #tpu.memory_space<vmem>>
    %dma_wait3A_156 = tpu.memref_slice %arg3[%add3A_81] : memref<3200000xi32, #tpu.memory_space<hbm>> -> memref<16xi32, #tpu.memory_space<hbm>>
    %dma_wait3A_157 = arith.constant 10016 : i32
    %dma_wait3A_158 = tpu.memref_slice %arg7[%dma_wait3A_157] : memref<10032xi32, #tpu.memory_space<vmem>> -> memref<16xi32, #tpu.memory_space<vmem>>
    %dma_wait3A_159 = tpu.memref_slice %arg3[%add3A_81] : memref<3200000xi32, #tpu.memory_space<hbm>> -> memref<16xi32, #tpu.memory_space<hbm>>
    tpu.wait_dma2 semaphore(%arg10 : memref<!tpu.dma_semaphore, #tpu.memory_space<semaphore_mem>>) src(%dma_wait3A_159 : memref<16xi32, #tpu.memory_space<hbm>>) dst(%dma_wait3A_158 : memref<16xi32, #tpu.memory_space<vmem>>)
    %dma_wait3A_160 = arith.constant 0 : i32
    %dma_wait3A_161 = tpu.memref_slice %arg7[%dma_wait3A_160] : memref<10032xi32, #tpu.memory_space<vmem>> -> memref<16xi32, #tpu.memory_space<vmem>>
    %dma_wait3A_162 = tpu.memref_slice %arg3[%sub3A_89] : memref<3200000xi32, #tpu.memory_space<hbm>> -> memref<16xi32, #tpu.memory_space<hbm>>
    %dma_wait3A_163 = arith.constant 0 : i32
    %dma_wait3A_164 = tpu.memref_slice %arg7[%dma_wait3A_163] : memref<10032xi32, #tpu.memory_space<vmem>> -> memref<16xi32, #tpu.memory_space<vmem>>
    %dma_wait3A_165 = tpu.memref_slice %arg3[%sub3A_89] : memref<3200000xi32, #tpu.memory_space<hbm>> -> memref<16xi32, #tpu.memory_space<hbm>>
    tpu.wait_dma2 semaphore(%arg10 : memref<!tpu.dma_semaphore, #tpu.memory_space<semaphore_mem>>) src(%dma_wait3A_165 : memref<16xi32, #tpu.memory_space<hbm>>) dst(%dma_wait3A_164 : memref<16xi32, #tpu.memory_space<vmem>>)
    %parallel_loop3A_166 = arith.constant 0 : i32
    %parallel_loop3A_167 = arith.constant 625 : i32
    %parallel_loop3A_168 = arith.constant 1 : i32
    %parallel_loop3A_169 = scf.for %parallel_loop3A_484 = %parallel_loop3A_166 to %parallel_loop3A_167 step %parallel_loop3A_168 iter_args(%parallel_loop3A_485 = %parallel_loop3A_119) -> (vector<16xf32>)  : i32 {
      %parallel_loop3A_486 = arith.constant 16 : i32
      %parallel_loop3A_487 = arith.muli %parallel_loop3A_484, %parallel_loop3A_486 : i32
      %parallel_loop3A_488 = arith.index_cast %parallel_loop3A_487 : i32 to index
      %parallel_loop3A_489 = tpu.vector_load %arg5[%parallel_loop3A_488] {strides = array<i32>} : memref<10000xf32, #tpu.memory_space<vmem>>, vector<16xf32>,
      %parallel_loop3A_490 = arith.constant 16 : i32
      %parallel_loop3A_491 = arith.muli %parallel_loop3A_484, %parallel_loop3A_490 : i32
      %parallel_loop3A_492 = arith.constant 16 : i32
      %parallel_loop3A_493 = arith.addi %parallel_loop3A_492, %parallel_loop3A_491 : i32
      %parallel_loop3A_494 = arith.index_cast %parallel_loop3A_493 : i32 to index
      %parallel_loop3A_495 = tpu.vector_load %arg7[%parallel_loop3A_494] {strides = array<i32>} : memref<10032xi32, #tpu.memory_space<vmem>>, vector<16xi32>,
      %parallel_loop3A_496 = arith.constant 16 : i32
      %parallel_loop3A_497 = arith.muli %parallel_loop3A_484, %parallel_loop3A_496 : i32
      %parallel_loop3A_498 = arith.constant 16 : i32
      %parallel_loop3A_499 = arith.addi %parallel_loop3A_498, %parallel_loop3A_497 : i32
      %parallel_loop3A_500 = arith.constant 1 : i32
      %parallel_loop3A_501 = arith.addi %parallel_loop3A_499, %parallel_loop3A_500 : i32
      %parallel_loop3A_502 = arith.index_cast %parallel_loop3A_501 : i32 to index
      %parallel_loop3A_503 = tpu.vector_load %arg7[%parallel_loop3A_502] {strides = array<i32>} : memref<10032xi32, #tpu.memory_space<vmem>>, vector<16xi32>,
      %parallel_loop3A_504 = arith.constant 16 : i32
      %parallel_loop3A_505 = arith.muli %parallel_loop3A_484, %parallel_loop3A_504 : i32
      %parallel_loop3A_506 = arith.constant 16 : i32
      %parallel_loop3A_507 = arith.addi %parallel_loop3A_506, %parallel_loop3A_505 : i32
      %parallel_loop3A_508 = arith.constant 1 : i32
      %parallel_loop3A_509 = arith.subi %parallel_loop3A_507, %parallel_loop3A_508 : i32
      %parallel_loop3A_510 = arith.index_cast %parallel_loop3A_509 : i32 to index
      %parallel_loop3A_511 = tpu.vector_load %arg7[%parallel_loop3A_510] {strides = array<i32>} : memref<10032xi32, #tpu.memory_space<vmem>>, vector<16xi32>,
      %parallel_loop3A_512 = arith.constant true
      %parallel_loop3A_513 = vector.broadcast %parallel_loop3A_512 : i1 to vector<16xi1>
      %parallel_loop3A_514 = tpu.scan <sum>, %parallel_loop3A_489 masked %parallel_loop3A_513 : vector<16xf32>, vector<16xi1> -> vector<16xf32>
      %parallel_loop3A_515 = arith.addf %parallel_loop3A_514, %parallel_loop3A_485 : vector<16xf32>
      %parallel_loop3A_516 = arith.cmpi ne, %parallel_loop3A_495, %parallel_loop3A_503 : vector<16xi32>
      %parallel_loop3A_517 = arith.cmpi ne, %parallel_loop3A_495, %parallel_loop3A_511 : vector<16xi32>
      %parallel_loop3A_518 = arith.constant 0.000000e+00 : f32
      %parallel_loop3A_519 = vector.broadcast %parallel_loop3A_518 : f32 to vector<16xf32>
      %parallel_loop3A_520 = arith.select %parallel_loop3A_516, %parallel_loop3A_515, %parallel_loop3A_519 : vector<16xi1>, vector<16xf32>
      %parallel_loop3A_521 = arith.subf %parallel_loop3A_515, %parallel_loop3A_489 : vector<16xf32>
      %parallel_loop3A_522 = arith.constant 0.000000e+00 : f32
      %parallel_loop3A_523 = vector.broadcast %parallel_loop3A_522 : f32 to vector<16xf32>
      %parallel_loop3A_524 = arith.select %parallel_loop3A_517, %parallel_loop3A_521, %parallel_loop3A_523 : vector<16xi1>, vector<16xf32>
      %parallel_loop3A_525 = arith.subf %parallel_loop3A_520, %parallel_loop3A_524 : vector<16xf32>
      %parallel_loop3A_526 = arith.ori %parallel_loop3A_516, %parallel_loop3A_517 : vector<16xi1>
      tpu.vector_store_idx %arg9[%parallel_loop3A_495], %parallel_loop3A_525 masked %parallel_loop3A_526 {add = true} : memref<16384xf32, #tpu.memory_space<vmem>>[vector<16xi32>], vector<16xf32>, vector<16xi1>
      %parallel_loop3A_527 = arith.constant true
      %parallel_loop3A_528 = vector.broadcast %parallel_loop3A_527 : i1 to vector<16xi1>
      %parallel_loop3A_529 = tpu.scan <sum>, %parallel_loop3A_489 masked %parallel_loop3A_528 : vector<16xf32>, vector<16xi1> -> vector<16xf32>
      %parallel_loop3A_530 = vector.extract %parallel_loop3A_529[15] : f32 from vector<16xf32>
      %parallel_loop3A_531 = vector.broadcast %parallel_loop3A_530 : f32 to vector<16xf32>
      %parallel_loop3A_532 = arith.addf %parallel_loop3A_485, %parallel_loop3A_531 : vector<16xf32>
      scf.yield %parallel_loop3A_532 : vector<16xf32>
    } {sc.loop_unroll_factor = 5 : i64, sc.parallel_access}
    %add3A_170 = arith.constant 40000 : i32
    %add3A_171 = arith.addi %mul3A_2, %add3A_170 : i32
    %dma_start3A_172 = tpu.memref_slice %arg2[%add3A_171] : memref<3200000xf32, #tpu.memory_space<hbm>> -> memref<10000xf32, #tpu.memory_space<hbm>>
    %dma_start3A_173 = tpu.memref_slice %arg2[%add3A_171] : memref<3200000xf32, #tpu.memory_space<hbm>> -> memref<10000xf32, #tpu.memory_space<hbm>>
    tpu.enqueue_dma source(%dma_start3A_173 : memref<10000xf32, #tpu.memory_space<hbm>>) target(%arg5 : memref<10000xf32, #tpu.memory_space<vmem>>) target_semaphore(%arg10 : memref<!tpu.dma_semaphore, #tpu.memory_space<semaphore_mem>>)
    %dma_start3A_174 = arith.constant 16 : i32
    %dma_start3A_175 = tpu.memref_slice %arg7[%dma_start3A_174] : memref<10032xi32, #tpu.memory_space<vmem>> -> memref<10000xi32, #tpu.memory_space<vmem>>
    %dma_start3A_176 = tpu.memref_slice %arg3[%add3A_171] : memref<3200000xi32, #tpu.memory_space<hbm>> -> memref<10000xi32, #tpu.memory_space<hbm>>
    %dma_start3A_177 = arith.constant 16 : i32
    %dma_start3A_178 = tpu.memref_slice %arg7[%dma_start3A_177] : memref<10032xi32, #tpu.memory_space<vmem>> -> memref<10000xi32, #tpu.memory_space<vmem>>
    %dma_start3A_179 = tpu.memref_slice %arg3[%add3A_171] : memref<3200000xi32, #tpu.memory_space<hbm>> -> memref<10000xi32, #tpu.memory_space<hbm>>
    tpu.enqueue_dma source(%dma_start3A_179 : memref<10000xi32, #tpu.memory_space<hbm>>) target(%dma_start3A_178 : memref<10000xi32, #tpu.memory_space<vmem>>) target_semaphore(%arg10 : memref<!tpu.dma_semaphore, #tpu.memory_space<semaphore_mem>>)
    %add3A_180 = arith.constant 10000 : i32
    %add3A_181 = arith.addi %add3A_171, %add3A_180 : i32
    %dma_start3A_182 = arith.constant 10016 : i32
    %dma_start3A_183 = tpu.memref_slice %arg7[%dma_start3A_182] : memref<10032xi32, #tpu.memory_space<vmem>> -> memref<16xi32, #tpu.memory_space<vmem>>
    %dma_start3A_184 = tpu.memref_slice %arg3[%add3A_181] : memref<3200000xi32, #tpu.memory_space<hbm>> -> memref<16xi32, #tpu.memory_space<hbm>>
    %dma_start3A_185 = arith.constant 10016 : i32
    %dma_start3A_186 = tpu.memref_slice %arg7[%dma_start3A_185] : memref<10032xi32, #tpu.memory_space<vmem>> -> memref<16xi32, #tpu.memory_space<vmem>>
    %dma_start3A_187 = tpu.memref_slice %arg3[%add3A_181] : memref<3200000xi32, #tpu.memory_space<hbm>> -> memref<16xi32, #tpu.memory_space<hbm>>
    tpu.enqueue_dma source(%dma_start3A_187 : memref<16xi32, #tpu.memory_space<hbm>>) target(%dma_start3A_186 : memref<16xi32, #tpu.memory_space<vmem>>) target_semaphore(%arg10 : memref<!tpu.dma_semaphore, #tpu.memory_space<semaphore_mem>>)
    %sub3A_188 = arith.constant 16 : i32
    %sub3A_189 = arith.subi %add3A_171, %sub3A_188 : i32
    %dma_start3A_190 = arith.constant 0 : i32
    %dma_start3A_191 = tpu.memref_slice %arg7[%dma_start3A_190] : memref<10032xi32, #tpu.memory_space<vmem>> -> memref<16xi32, #tpu.memory_space<vmem>>
    %dma_start3A_192 = tpu.memref_slice %arg3[%sub3A_189] : memref<3200000xi32, #tpu.memory_space<hbm>> -> memref<16xi32, #tpu.memory_space<hbm>>
    %dma_start3A_193 = arith.constant 0 : i32
    %dma_start3A_194 = tpu.memref_slice %arg7[%dma_start3A_193] : memref<10032xi32, #tpu.memory_space<vmem>> -> memref<16xi32, #tpu.memory_space<vmem>>
    %dma_start3A_195 = tpu.memref_slice %arg3[%sub3A_189] : memref<3200000xi32, #tpu.memory_space<hbm>> -> memref<16xi32, #tpu.memory_space<hbm>>
    tpu.enqueue_dma source(%dma_start3A_195 : memref<16xi32, #tpu.memory_space<hbm>>) target(%dma_start3A_194 : memref<16xi32, #tpu.memory_space<vmem>>) target_semaphore(%arg10 : memref<!tpu.dma_semaphore, #tpu.memory_space<semaphore_mem>>)
    %dma_wait3A_196 = tpu.memref_slice %arg2[%add3A_121] : memref<3200000xf32, #tpu.memory_space<hbm>> -> memref<10000xf32, #tpu.memory_space<hbm>>
    %dma_wait3A_197 = tpu.memref_slice %arg2[%add3A_121] : memref<3200000xf32, #tpu.memory_space<hbm>> -> memref<10000xf32, #tpu.memory_space<hbm>>
    tpu.wait_dma2 semaphore(%arg11 : memref<!tpu.dma_semaphore, #tpu.memory_space<semaphore_mem>>) src(%dma_wait3A_197 : memref<10000xf32, #tpu.memory_space<hbm>>) dst(%arg6 : memref<10000xf32, #tpu.memory_space<vmem>>)
    %dma_wait3A_198 = arith.constant 16 : i32
    %dma_wait3A_199 = tpu.memref_slice %arg8[%dma_wait3A_198] : memref<10032xi32, #tpu.memory_space<vmem>> -> memref<10000xi32, #tpu.memory_space<vmem>>
    %dma_wait3A_200 = tpu.memref_slice %arg3[%add3A_121] : memref<3200000xi32, #tpu.memory_space<hbm>> -> memref<10000xi32, #tpu.memory_space<hbm>>
    %dma_wait3A_201 = arith.constant 16 : i32
    %dma_wait3A_202 = tpu.memref_slice %arg8[%dma_wait3A_201] : memref<10032xi32, #tpu.memory_space<vmem>> -> memref<10000xi32, #tpu.memory_space<vmem>>
    %dma_wait3A_203 = tpu.memref_slice %arg3[%add3A_121] : memref<3200000xi32, #tpu.memory_space<hbm>> -> memref<10000xi32, #tpu.memory_space<hbm>>
    tpu.wait_dma2 semaphore(%arg11 : memref<!tpu.dma_semaphore, #tpu.memory_space<semaphore_mem>>) src(%dma_wait3A_203 : memref<10000xi32, #tpu.memory_space<hbm>>) dst(%dma_wait3A_202 : memref<10000xi32, #tpu.memory_space<vmem>>)
    %dma_wait3A_204 = arith.constant 10016 : i32
    %dma_wait3A_205 = tpu.memref_slice %arg8[%dma_wait3A_204] : memref<10032xi32, #tpu.memory_space<vmem>> -> memref<16xi32, #tpu.memory_space<vmem>>
    %dma_wait3A_206 = tpu.memref_slice %arg3[%add3A_131] : memref<3200000xi32, #tpu.memory_space<hbm>> -> memref<16xi32, #tpu.memory_space<hbm>>
    %dma_wait3A_207 = arith.constant 10016 : i32
    %dma_wait3A_208 = tpu.memref_slice %arg8[%dma_wait3A_207] : memref<10032xi32, #tpu.memory_space<vmem>> -> memref<16xi32, #tpu.memory_space<vmem>>
    %dma_wait3A_209 = tpu.memref_slice %arg3[%add3A_131] : memref<3200000xi32, #tpu.memory_space<hbm>> -> memref<16xi32, #tpu.memory_space<hbm>>
    tpu.wait_dma2 semaphore(%arg11 : memref<!tpu.dma_semaphore, #tpu.memory_space<semaphore_mem>>) src(%dma_wait3A_209 : memref<16xi32, #tpu.memory_space<hbm>>) dst(%dma_wait3A_208 : memref<16xi32, #tpu.memory_space<vmem>>)
    %dma_wait3A_210 = arith.constant 0 : i32
    %dma_wait3A_211 = tpu.memref_slice %arg8[%dma_wait3A_210] : memref<10032xi32, #tpu.memory_space<vmem>> -> memref<16xi32, #tpu.memory_space<vmem>>
    %dma_wait3A_212 = tpu.memref_slice %arg3[%sub3A_139] : memref<3200000xi32, #tpu.memory_space<hbm>> -> memref<16xi32, #tpu.memory_space<hbm>>
    %dma_wait3A_213 = arith.constant 0 : i32
    %dma_wait3A_214 = tpu.memref_slice %arg8[%dma_wait3A_213] : memref<10032xi32, #tpu.memory_space<vmem>> -> memref<16xi32, #tpu.memory_space<vmem>>
    %dma_wait3A_215 = tpu.memref_slice %arg3[%sub3A_139] : memref<3200000xi32, #tpu.memory_space<hbm>> -> memref<16xi32, #tpu.memory_space<hbm>>
    tpu.wait_dma2 semaphore(%arg11 : memref<!tpu.dma_semaphore, #tpu.memory_space<semaphore_mem>>) src(%dma_wait3A_215 : memref<16xi32, #tpu.memory_space<hbm>>) dst(%dma_wait3A_214 : memref<16xi32, #tpu.memory_space<vmem>>)
    %parallel_loop3A_216 = arith.constant 0 : i32
    %parallel_loop3A_217 = arith.constant 625 : i32
    %parallel_loop3A_218 = arith.constant 1 : i32
    %parallel_loop3A_219 = scf.for %parallel_loop3A_484 = %parallel_loop3A_216 to %parallel_loop3A_217 step %parallel_loop3A_218 iter_args(%parallel_loop3A_485 = %parallel_loop3A_169) -> (vector<16xf32>)  : i32 {
      %parallel_loop3A_486 = arith.constant 16 : i32
      %parallel_loop3A_487 = arith.muli %parallel_loop3A_484, %parallel_loop3A_486 : i32
      %parallel_loop3A_488 = arith.index_cast %parallel_loop3A_487 : i32 to index
      %parallel_loop3A_489 = tpu.vector_load %arg6[%parallel_loop3A_488] {strides = array<i32>} : memref<10000xf32, #tpu.memory_space<vmem>>, vector<16xf32>,
      %parallel_loop3A_490 = arith.constant 16 : i32
      %parallel_loop3A_491 = arith.muli %parallel_loop3A_484, %parallel_loop3A_490 : i32
      %parallel_loop3A_492 = arith.constant 16 : i32
      %parallel_loop3A_493 = arith.addi %parallel_loop3A_492, %parallel_loop3A_491 : i32
      %parallel_loop3A_494 = arith.index_cast %parallel_loop3A_493 : i32 to index
      %parallel_loop3A_495 = tpu.vector_load %arg8[%parallel_loop3A_494] {strides = array<i32>} : memref<10032xi32, #tpu.memory_space<vmem>>, vector<16xi32>,
      %parallel_loop3A_496 = arith.constant 16 : i32
      %parallel_loop3A_497 = arith.muli %parallel_loop3A_484, %parallel_loop3A_496 : i32
      %parallel_loop3A_498 = arith.constant 16 : i32
      %parallel_loop3A_499 = arith.addi %parallel_loop3A_498, %parallel_loop3A_497 : i32
      %parallel_loop3A_500 = arith.constant 1 : i32
      %parallel_loop3A_501 = arith.addi %parallel_loop3A_499, %parallel_loop3A_500 : i32
      %parallel_loop3A_502 = arith.index_cast %parallel_loop3A_501 : i32 to index
      %parallel_loop3A_503 = tpu.vector_load %arg8[%parallel_loop3A_502] {strides = array<i32>} : memref<10032xi32, #tpu.memory_space<vmem>>, vector<16xi32>,
      %parallel_loop3A_504 = arith.constant 16 : i32
      %parallel_loop3A_505 = arith.muli %parallel_loop3A_484, %parallel_loop3A_504 : i32
      %parallel_loop3A_506 = arith.constant 16 : i32
      %parallel_loop3A_507 = arith.addi %parallel_loop3A_506, %parallel_loop3A_505 : i32
      %parallel_loop3A_508 = arith.constant 1 : i32
      %parallel_loop3A_509 = arith.subi %parallel_loop3A_507, %parallel_loop3A_508 : i32
      %parallel_loop3A_510 = arith.index_cast %parallel_loop3A_509 : i32 to index
      %parallel_loop3A_511 = tpu.vector_load %arg8[%parallel_loop3A_510] {strides = array<i32>} : memref<10032xi32, #tpu.memory_space<vmem>>, vector<16xi32>,
      %parallel_loop3A_512 = arith.constant true
      %parallel_loop3A_513 = vector.broadcast %parallel_loop3A_512 : i1 to vector<16xi1>
      %parallel_loop3A_514 = tpu.scan <sum>, %parallel_loop3A_489 masked %parallel_loop3A_513 : vector<16xf32>, vector<16xi1> -> vector<16xf32>
      %parallel_loop3A_515 = arith.addf %parallel_loop3A_514, %parallel_loop3A_485 : vector<16xf32>
      %parallel_loop3A_516 = arith.cmpi ne, %parallel_loop3A_495, %parallel_loop3A_503 : vector<16xi32>
      %parallel_loop3A_517 = arith.cmpi ne, %parallel_loop3A_495, %parallel_loop3A_511 : vector<16xi32>
      %parallel_loop3A_518 = arith.constant 0.000000e+00 : f32
      %parallel_loop3A_519 = vector.broadcast %parallel_loop3A_518 : f32 to vector<16xf32>
      %parallel_loop3A_520 = arith.select %parallel_loop3A_516, %parallel_loop3A_515, %parallel_loop3A_519 : vector<16xi1>, vector<16xf32>
      %parallel_loop3A_521 = arith.subf %parallel_loop3A_515, %parallel_loop3A_489 : vector<16xf32>
      %parallel_loop3A_522 = arith.constant 0.000000e+00 : f32
      %parallel_loop3A_523 = vector.broadcast %parallel_loop3A_522 : f32 to vector<16xf32>
      %parallel_loop3A_524 = arith.select %parallel_loop3A_517, %parallel_loop3A_521, %parallel_loop3A_523 : vector<16xi1>, vector<16xf32>
      %parallel_loop3A_525 = arith.subf %parallel_loop3A_520, %parallel_loop3A_524 : vector<16xf32>
      %parallel_loop3A_526 = arith.ori %parallel_loop3A_516, %parallel_loop3A_517 : vector<16xi1>
      tpu.vector_store_idx %arg9[%parallel_loop3A_495], %parallel_loop3A_525 masked %parallel_loop3A_526 {add = true} : memref<16384xf32, #tpu.memory_space<vmem>>[vector<16xi32>], vector<16xf32>, vector<16xi1>
      %parallel_loop3A_527 = arith.constant true
      %parallel_loop3A_528 = vector.broadcast %parallel_loop3A_527 : i1 to vector<16xi1>
      %parallel_loop3A_529 = tpu.scan <sum>, %parallel_loop3A_489 masked %parallel_loop3A_528 : vector<16xf32>, vector<16xi1> -> vector<16xf32>
      %parallel_loop3A_530 = vector.extract %parallel_loop3A_529[15] : f32 from vector<16xf32>
      %parallel_loop3A_531 = vector.broadcast %parallel_loop3A_530 : f32 to vector<16xf32>
      %parallel_loop3A_532 = arith.addf %parallel_loop3A_485, %parallel_loop3A_531 : vector<16xf32>
      scf.yield %parallel_loop3A_532 : vector<16xf32>
    } {sc.loop_unroll_factor = 5 : i64, sc.parallel_access}
    %add3A_220 = arith.constant 50000 : i32
    %add3A_221 = arith.addi %mul3A_2, %add3A_220 : i32
    %dma_start3A_222 = tpu.memref_slice %arg2[%add3A_221] : memref<3200000xf32, #tpu.memory_space<hbm>> -> memref<10000xf32, #tpu.memory_space<hbm>>
    %dma_start3A_223 = tpu.memref_slice %arg2[%add3A_221] : memref<3200000xf32, #tpu.memory_space<hbm>> -> memref<10000xf32, #tpu.memory_space<hbm>>
    tpu.enqueue_dma source(%dma_start3A_223 : memref<10000xf32, #tpu.memory_space<hbm>>) target(%arg6 : memref<10000xf32, #tpu.memory_space<vmem>>) target_semaphore(%arg11 : memref<!tpu.dma_semaphore, #tpu.memory_space<semaphore_mem>>)
    %dma_start3A_224 = arith.constant 16 : i32
    %dma_start3A_225 = tpu.memref_slice %arg8[%dma_start3A_224] : memref<10032xi32, #tpu.memory_space<vmem>> -> memref<10000xi32, #tpu.memory_space<vmem>>
    %dma_start3A_226 = tpu.memref_slice %arg3[%add3A_221] : memref<3200000xi32, #tpu.memory_space<hbm>> -> memref<10000xi32, #tpu.memory_space<hbm>>
    %dma_start3A_227 = arith.constant 16 : i32
    %dma_start3A_228 = tpu.memref_slice %arg8[%dma_start3A_227] : memref<10032xi32, #tpu.memory_space<vmem>> -> memref<10000xi32, #tpu.memory_space<vmem>>
    %dma_start3A_229 = tpu.memref_slice %arg3[%add3A_221] : memref<3200000xi32, #tpu.memory_space<hbm>> -> memref<10000xi32, #tpu.memory_space<hbm>>
    tpu.enqueue_dma source(%dma_start3A_229 : memref<10000xi32, #tpu.memory_space<hbm>>) target(%dma_start3A_228 : memref<10000xi32, #tpu.memory_space<vmem>>) target_semaphore(%arg11 : memref<!tpu.dma_semaphore, #tpu.memory_space<semaphore_mem>>)
    %add3A_230 = arith.constant 10000 : i32
    %add3A_231 = arith.addi %add3A_221, %add3A_230 : i32
    %dma_start3A_232 = arith.constant 10016 : i32
    %dma_start3A_233 = tpu.memref_slice %arg8[%dma_start3A_232] : memref<10032xi32, #tpu.memory_space<vmem>> -> memref<16xi32, #tpu.memory_space<vmem>>
    %dma_start3A_234 = tpu.memref_slice %arg3[%add3A_231] : memref<3200000xi32, #tpu.memory_space<hbm>> -> memref<16xi32, #tpu.memory_space<hbm>>
    %dma_start3A_235 = arith.constant 10016 : i32
    %dma_start3A_236 = tpu.memref_slice %arg8[%dma_start3A_235] : memref<10032xi32, #tpu.memory_space<vmem>> -> memref<16xi32, #tpu.memory_space<vmem>>
    %dma_start3A_237 = tpu.memref_slice %arg3[%add3A_231] : memref<3200000xi32, #tpu.memory_space<hbm>> -> memref<16xi32, #tpu.memory_space<hbm>>
    tpu.enqueue_dma source(%dma_start3A_237 : memref<16xi32, #tpu.memory_space<hbm>>) target(%dma_start3A_236 : memref<16xi32, #tpu.memory_space<vmem>>) target_semaphore(%arg11 : memref<!tpu.dma_semaphore, #tpu.memory_space<semaphore_mem>>)
    %sub3A_238 = arith.constant 16 : i32
    %sub3A_239 = arith.subi %add3A_221, %sub3A_238 : i32
    %dma_start3A_240 = arith.constant 0 : i32
    %dma_start3A_241 = tpu.memref_slice %arg8[%dma_start3A_240] : memref<10032xi32, #tpu.memory_space<vmem>> -> memref<16xi32, #tpu.memory_space<vmem>>
    %dma_start3A_242 = tpu.memref_slice %arg3[%sub3A_239] : memref<3200000xi32, #tpu.memory_space<hbm>> -> memref<16xi32, #tpu.memory_space<hbm>>
    %dma_start3A_243 = arith.constant 0 : i32
    %dma_start3A_244 = tpu.memref_slice %arg8[%dma_start3A_243] : memref<10032xi32, #tpu.memory_space<vmem>> -> memref<16xi32, #tpu.memory_space<vmem>>
    %dma_start3A_245 = tpu.memref_slice %arg3[%sub3A_239] : memref<3200000xi32, #tpu.memory_space<hbm>> -> memref<16xi32, #tpu.memory_space<hbm>>
    tpu.enqueue_dma source(%dma_start3A_245 : memref<16xi32, #tpu.memory_space<hbm>>) target(%dma_start3A_244 : memref<16xi32, #tpu.memory_space<vmem>>) target_semaphore(%arg11 : memref<!tpu.dma_semaphore, #tpu.memory_space<semaphore_mem>>)
    %dma_wait3A_246 = tpu.memref_slice %arg2[%add3A_171] : memref<3200000xf32, #tpu.memory_space<hbm>> -> memref<10000xf32, #tpu.memory_space<hbm>>
    %dma_wait3A_247 = tpu.memref_slice %arg2[%add3A_171] : memref<3200000xf32, #tpu.memory_space<hbm>> -> memref<10000xf32, #tpu.memory_space<hbm>>
    tpu.wait_dma2 semaphore(%arg10 : memref<!tpu.dma_semaphore, #tpu.memory_space<semaphore_mem>>) src(%dma_wait3A_247 : memref<10000xf32, #tpu.memory_space<hbm>>) dst(%arg5 : memref<10000xf32, #tpu.memory_space<vmem>>)
    %dma_wait3A_248 = arith.constant 16 : i32
    %dma_wait3A_249 = tpu.memref_slice %arg7[%dma_wait3A_248] : memref<10032xi32, #tpu.memory_space<vmem>> -> memref<10000xi32, #tpu.memory_space<vmem>>
    %dma_wait3A_250 = tpu.memref_slice %arg3[%add3A_171] : memref<3200000xi32, #tpu.memory_space<hbm>> -> memref<10000xi32, #tpu.memory_space<hbm>>
    %dma_wait3A_251 = arith.constant 16 : i32
    %dma_wait3A_252 = tpu.memref_slice %arg7[%dma_wait3A_251] : memref<10032xi32, #tpu.memory_space<vmem>> -> memref<10000xi32, #tpu.memory_space<vmem>>
    %dma_wait3A_253 = tpu.memref_slice %arg3[%add3A_171] : memref<3200000xi32, #tpu.memory_space<hbm>> -> memref<10000xi32, #tpu.memory_space<hbm>>
    tpu.wait_dma2 semaphore(%arg10 : memref<!tpu.dma_semaphore, #tpu.memory_space<semaphore_mem>>) src(%dma_wait3A_253 : memref<10000xi32, #tpu.memory_space<hbm>>) dst(%dma_wait3A_252 : memref<10000xi32, #tpu.memory_space<vmem>>)
    %dma_wait3A_254 = arith.constant 10016 : i32
    %dma_wait3A_255 = tpu.memref_slice %arg7[%dma_wait3A_254] : memref<10032xi32, #tpu.memory_space<vmem>> -> memref<16xi32, #tpu.memory_space<vmem>>
    %dma_wait3A_256 = tpu.memref_slice %arg3[%add3A_181] : memref<3200000xi32, #tpu.memory_space<hbm>> -> memref<16xi32, #tpu.memory_space<hbm>>
    %dma_wait3A_257 = arith.constant 10016 : i32
    %dma_wait3A_258 = tpu.memref_slice %arg7[%dma_wait3A_257] : memref<10032xi32, #tpu.memory_space<vmem>> -> memref<16xi32, #tpu.memory_space<vmem>>
    %dma_wait3A_259 = tpu.memref_slice %arg3[%add3A_181] : memref<3200000xi32, #tpu.memory_space<hbm>> -> memref<16xi32, #tpu.memory_space<hbm>>
    tpu.wait_dma2 semaphore(%arg10 : memref<!tpu.dma_semaphore, #tpu.memory_space<semaphore_mem>>) src(%dma_wait3A_259 : memref<16xi32, #tpu.memory_space<hbm>>) dst(%dma_wait3A_258 : memref<16xi32, #tpu.memory_space<vmem>>)
    %dma_wait3A_260 = arith.constant 0 : i32
    %dma_wait3A_261 = tpu.memref_slice %arg7[%dma_wait3A_260] : memref<10032xi32, #tpu.memory_space<vmem>> -> memref<16xi32, #tpu.memory_space<vmem>>
    %dma_wait3A_262 = tpu.memref_slice %arg3[%sub3A_189] : memref<3200000xi32, #tpu.memory_space<hbm>> -> memref<16xi32, #tpu.memory_space<hbm>>
    %dma_wait3A_263 = arith.constant 0 : i32
    %dma_wait3A_264 = tpu.memref_slice %arg7[%dma_wait3A_263] : memref<10032xi32, #tpu.memory_space<vmem>> -> memref<16xi32, #tpu.memory_space<vmem>>
    %dma_wait3A_265 = tpu.memref_slice %arg3[%sub3A_189] : memref<3200000xi32, #tpu.memory_space<hbm>> -> memref<16xi32, #tpu.memory_space<hbm>>
    tpu.wait_dma2 semaphore(%arg10 : memref<!tpu.dma_semaphore, #tpu.memory_space<semaphore_mem>>) src(%dma_wait3A_265 : memref<16xi32, #tpu.memory_space<hbm>>) dst(%dma_wait3A_264 : memref<16xi32, #tpu.memory_space<vmem>>)
    %parallel_loop3A_266 = arith.constant 0 : i32
    %parallel_loop3A_267 = arith.constant 625 : i32
    %parallel_loop3A_268 = arith.constant 1 : i32
    %parallel_loop3A_269 = scf.for %parallel_loop3A_484 = %parallel_loop3A_266 to %parallel_loop3A_267 step %parallel_loop3A_268 iter_args(%parallel_loop3A_485 = %parallel_loop3A_219) -> (vector<16xf32>)  : i32 {
      %parallel_loop3A_486 = arith.constant 16 : i32
      %parallel_loop3A_487 = arith.muli %parallel_loop3A_484, %parallel_loop3A_486 : i32
      %parallel_loop3A_488 = arith.index_cast %parallel_loop3A_487 : i32 to index
      %parallel_loop3A_489 = tpu.vector_load %arg5[%parallel_loop3A_488] {strides = array<i32>} : memref<10000xf32, #tpu.memory_space<vmem>>, vector<16xf32>,
      %parallel_loop3A_490 = arith.constant 16 : i32
      %parallel_loop3A_491 = arith.muli %parallel_loop3A_484, %parallel_loop3A_490 : i32
      %parallel_loop3A_492 = arith.constant 16 : i32
      %parallel_loop3A_493 = arith.addi %parallel_loop3A_492, %parallel_loop3A_491 : i32
      %parallel_loop3A_494 = arith.index_cast %parallel_loop3A_493 : i32 to index
      %parallel_loop3A_495 = tpu.vector_load %arg7[%parallel_loop3A_494] {strides = array<i32>} : memref<10032xi32, #tpu.memory_space<vmem>>, vector<16xi32>,
      %parallel_loop3A_496 = arith.constant 16 : i32
      %parallel_loop3A_497 = arith.muli %parallel_loop3A_484, %parallel_loop3A_496 : i32
      %parallel_loop3A_498 = arith.constant 16 : i32
      %parallel_loop3A_499 = arith.addi %parallel_loop3A_498, %parallel_loop3A_497 : i32
      %parallel_loop3A_500 = arith.constant 1 : i32
      %parallel_loop3A_501 = arith.addi %parallel_loop3A_499, %parallel_loop3A_500 : i32
      %parallel_loop3A_502 = arith.index_cast %parallel_loop3A_501 : i32 to index
      %parallel_loop3A_503 = tpu.vector_load %arg7[%parallel_loop3A_502] {strides = array<i32>} : memref<10032xi32, #tpu.memory_space<vmem>>, vector<16xi32>,
      %parallel_loop3A_504 = arith.constant 16 : i32
      %parallel_loop3A_505 = arith.muli %parallel_loop3A_484, %parallel_loop3A_504 : i32
      %parallel_loop3A_506 = arith.constant 16 : i32
      %parallel_loop3A_507 = arith.addi %parallel_loop3A_506, %parallel_loop3A_505 : i32
      %parallel_loop3A_508 = arith.constant 1 : i32
      %parallel_loop3A_509 = arith.subi %parallel_loop3A_507, %parallel_loop3A_508 : i32
      %parallel_loop3A_510 = arith.index_cast %parallel_loop3A_509 : i32 to index
      %parallel_loop3A_511 = tpu.vector_load %arg7[%parallel_loop3A_510] {strides = array<i32>} : memref<10032xi32, #tpu.memory_space<vmem>>, vector<16xi32>,
      %parallel_loop3A_512 = arith.constant true
      %parallel_loop3A_513 = vector.broadcast %parallel_loop3A_512 : i1 to vector<16xi1>
      %parallel_loop3A_514 = tpu.scan <sum>, %parallel_loop3A_489 masked %parallel_loop3A_513 : vector<16xf32>, vector<16xi1> -> vector<16xf32>
      %parallel_loop3A_515 = arith.addf %parallel_loop3A_514, %parallel_loop3A_485 : vector<16xf32>
      %parallel_loop3A_516 = arith.cmpi ne, %parallel_loop3A_495, %parallel_loop3A_503 : vector<16xi32>
      %parallel_loop3A_517 = arith.cmpi ne, %parallel_loop3A_495, %parallel_loop3A_511 : vector<16xi32>
      %parallel_loop3A_518 = arith.constant 0.000000e+00 : f32
      %parallel_loop3A_519 = vector.broadcast %parallel_loop3A_518 : f32 to vector<16xf32>
      %parallel_loop3A_520 = arith.select %parallel_loop3A_516, %parallel_loop3A_515, %parallel_loop3A_519 : vector<16xi1>, vector<16xf32>
      %parallel_loop3A_521 = arith.subf %parallel_loop3A_515, %parallel_loop3A_489 : vector<16xf32>
      %parallel_loop3A_522 = arith.constant 0.000000e+00 : f32
      %parallel_loop3A_523 = vector.broadcast %parallel_loop3A_522 : f32 to vector<16xf32>
      %parallel_loop3A_524 = arith.select %parallel_loop3A_517, %parallel_loop3A_521, %parallel_loop3A_523 : vector<16xi1>, vector<16xf32>
      %parallel_loop3A_525 = arith.subf %parallel_loop3A_520, %parallel_loop3A_524 : vector<16xf32>
      %parallel_loop3A_526 = arith.ori %parallel_loop3A_516, %parallel_loop3A_517 : vector<16xi1>
      tpu.vector_store_idx %arg9[%parallel_loop3A_495], %parallel_loop3A_525 masked %parallel_loop3A_526 {add = true} : memref<16384xf32, #tpu.memory_space<vmem>>[vector<16xi32>], vector<16xf32>, vector<16xi1>
      %parallel_loop3A_527 = arith.constant true
      %parallel_loop3A_528 = vector.broadcast %parallel_loop3A_527 : i1 to vector<16xi1>
      %parallel_loop3A_529 = tpu.scan <sum>, %parallel_loop3A_489 masked %parallel_loop3A_528 : vector<16xf32>, vector<16xi1> -> vector<16xf32>
      %parallel_loop3A_530 = vector.extract %parallel_loop3A_529[15] : f32 from vector<16xf32>
      %parallel_loop3A_531 = vector.broadcast %parallel_loop3A_530 : f32 to vector<16xf32>
      %parallel_loop3A_532 = arith.addf %parallel_loop3A_485, %parallel_loop3A_531 : vector<16xf32>
      scf.yield %parallel_loop3A_532 : vector<16xf32>
    } {sc.loop_unroll_factor = 5 : i64, sc.parallel_access}
    %add3A_270 = arith.constant 60000 : i32
    %add3A_271 = arith.addi %mul3A_2, %add3A_270 : i32
    %dma_start3A_272 = tpu.memref_slice %arg2[%add3A_271] : memref<3200000xf32, #tpu.memory_space<hbm>> -> memref<10000xf32, #tpu.memory_space<hbm>>
    %dma_start3A_273 = tpu.memref_slice %arg2[%add3A_271] : memref<3200000xf32, #tpu.memory_space<hbm>> -> memref<10000xf32, #tpu.memory_space<hbm>>
    tpu.enqueue_dma source(%dma_start3A_273 : memref<10000xf32, #tpu.memory_space<hbm>>) target(%arg5 : memref<10000xf32, #tpu.memory_space<vmem>>) target_semaphore(%arg10 : memref<!tpu.dma_semaphore, #tpu.memory_space<semaphore_mem>>)
    %dma_start3A_274 = arith.constant 16 : i32
    %dma_start3A_275 = tpu.memref_slice %arg7[%dma_start3A_274] : memref<10032xi32, #tpu.memory_space<vmem>> -> memref<10000xi32, #tpu.memory_space<vmem>>
    %dma_start3A_276 = tpu.memref_slice %arg3[%add3A_271] : memref<3200000xi32, #tpu.memory_space<hbm>> -> memref<10000xi32, #tpu.memory_space<hbm>>
    %dma_start3A_277 = arith.constant 16 : i32
    %dma_start3A_278 = tpu.memref_slice %arg7[%dma_start3A_277] : memref<10032xi32, #tpu.memory_space<vmem>> -> memref<10000xi32, #tpu.memory_space<vmem>>
    %dma_start3A_279 = tpu.memref_slice %arg3[%add3A_271] : memref<3200000xi32, #tpu.memory_space<hbm>> -> memref<10000xi32, #tpu.memory_space<hbm>>
    tpu.enqueue_dma source(%dma_start3A_279 : memref<10000xi32, #tpu.memory_space<hbm>>) target(%dma_start3A_278 : memref<10000xi32, #tpu.memory_space<vmem>>) target_semaphore(%arg10 : memref<!tpu.dma_semaphore, #tpu.memory_space<semaphore_mem>>)
    %add3A_280 = arith.constant 10000 : i32
    %add3A_281 = arith.addi %add3A_271, %add3A_280 : i32
    %dma_start3A_282 = arith.constant 10016 : i32
    %dma_start3A_283 = tpu.memref_slice %arg7[%dma_start3A_282] : memref<10032xi32, #tpu.memory_space<vmem>> -> memref<16xi32, #tpu.memory_space<vmem>>
    %dma_start3A_284 = tpu.memref_slice %arg3[%add3A_281] : memref<3200000xi32, #tpu.memory_space<hbm>> -> memref<16xi32, #tpu.memory_space<hbm>>
    %dma_start3A_285 = arith.constant 10016 : i32
    %dma_start3A_286 = tpu.memref_slice %arg7[%dma_start3A_285] : memref<10032xi32, #tpu.memory_space<vmem>> -> memref<16xi32, #tpu.memory_space<vmem>>
    %dma_start3A_287 = tpu.memref_slice %arg3[%add3A_281] : memref<3200000xi32, #tpu.memory_space<hbm>> -> memref<16xi32, #tpu.memory_space<hbm>>
    tpu.enqueue_dma source(%dma_start3A_287 : memref<16xi32, #tpu.memory_space<hbm>>) target(%dma_start3A_286 : memref<16xi32, #tpu.memory_space<vmem>>) target_semaphore(%arg10 : memref<!tpu.dma_semaphore, #tpu.memory_space<semaphore_mem>>)
    %sub3A_288 = arith.constant 16 : i32
    %sub3A_289 = arith.subi %add3A_271, %sub3A_288 : i32
    %dma_start3A_290 = arith.constant 0 : i32
    %dma_start3A_291 = tpu.memref_slice %arg7[%dma_start3A_290] : memref<10032xi32, #tpu.memory_space<vmem>> -> memref<16xi32, #tpu.memory_space<vmem>>
    %dma_start3A_292 = tpu.memref_slice %arg3[%sub3A_289] : memref<3200000xi32, #tpu.memory_space<hbm>> -> memref<16xi32, #tpu.memory_space<hbm>>
    %dma_start3A_293 = arith.constant 0 : i32
    %dma_start3A_294 = tpu.memref_slice %arg7[%dma_start3A_293] : memref<10032xi32, #tpu.memory_space<vmem>> -> memref<16xi32, #tpu.memory_space<vmem>>
    %dma_start3A_295 = tpu.memref_slice %arg3[%sub3A_289] : memref<3200000xi32, #tpu.memory_space<hbm>> -> memref<16xi32, #tpu.memory_space<hbm>>
    tpu.enqueue_dma source(%dma_start3A_295 : memref<16xi32, #tpu.memory_space<hbm>>) target(%dma_start3A_294 : memref<16xi32, #tpu.memory_space<vmem>>) target_semaphore(%arg10 : memref<!tpu.dma_semaphore, #tpu.memory_space<semaphore_mem>>)
    %dma_wait3A_296 = tpu.memref_slice %arg2[%add3A_221] : memref<3200000xf32, #tpu.memory_space<hbm>> -> memref<10000xf32, #tpu.memory_space<hbm>>
    %dma_wait3A_297 = tpu.memref_slice %arg2[%add3A_221] : memref<3200000xf32, #tpu.memory_space<hbm>> -> memref<10000xf32, #tpu.memory_space<hbm>>
    tpu.wait_dma2 semaphore(%arg11 : memref<!tpu.dma_semaphore, #tpu.memory_space<semaphore_mem>>) src(%dma_wait3A_297 : memref<10000xf32, #tpu.memory_space<hbm>>) dst(%arg6 : memref<10000xf32, #tpu.memory_space<vmem>>)
    %dma_wait3A_298 = arith.constant 16 : i32
    %dma_wait3A_299 = tpu.memref_slice %arg8[%dma_wait3A_298] : memref<10032xi32, #tpu.memory_space<vmem>> -> memref<10000xi32, #tpu.memory_space<vmem>>
    %dma_wait3A_300 = tpu.memref_slice %arg3[%add3A_221] : memref<3200000xi32, #tpu.memory_space<hbm>> -> memref<10000xi32, #tpu.memory_space<hbm>>
    %dma_wait3A_301 = arith.constant 16 : i32
    %dma_wait3A_302 = tpu.memref_slice %arg8[%dma_wait3A_301] : memref<10032xi32, #tpu.memory_space<vmem>> -> memref<10000xi32, #tpu.memory_space<vmem>>
    %dma_wait3A_303 = tpu.memref_slice %arg3[%add3A_221] : memref<3200000xi32, #tpu.memory_space<hbm>> -> memref<10000xi32, #tpu.memory_space<hbm>>
    tpu.wait_dma2 semaphore(%arg11 : memref<!tpu.dma_semaphore, #tpu.memory_space<semaphore_mem>>) src(%dma_wait3A_303 : memref<10000xi32, #tpu.memory_space<hbm>>) dst(%dma_wait3A_302 : memref<10000xi32, #tpu.memory_space<vmem>>)
    %dma_wait3A_304 = arith.constant 10016 : i32
    %dma_wait3A_305 = tpu.memref_slice %arg8[%dma_wait3A_304] : memref<10032xi32, #tpu.memory_space<vmem>> -> memref<16xi32, #tpu.memory_space<vmem>>
    %dma_wait3A_306 = tpu.memref_slice %arg3[%add3A_231] : memref<3200000xi32, #tpu.memory_space<hbm>> -> memref<16xi32, #tpu.memory_space<hbm>>
    %dma_wait3A_307 = arith.constant 10016 : i32
    %dma_wait3A_308 = tpu.memref_slice %arg8[%dma_wait3A_307] : memref<10032xi32, #tpu.memory_space<vmem>> -> memref<16xi32, #tpu.memory_space<vmem>>
    %dma_wait3A_309 = tpu.memref_slice %arg3[%add3A_231] : memref<3200000xi32, #tpu.memory_space<hbm>> -> memref<16xi32, #tpu.memory_space<hbm>>
    tpu.wait_dma2 semaphore(%arg11 : memref<!tpu.dma_semaphore, #tpu.memory_space<semaphore_mem>>) src(%dma_wait3A_309 : memref<16xi32, #tpu.memory_space<hbm>>) dst(%dma_wait3A_308 : memref<16xi32, #tpu.memory_space<vmem>>)
    %dma_wait3A_310 = arith.constant 0 : i32
    %dma_wait3A_311 = tpu.memref_slice %arg8[%dma_wait3A_310] : memref<10032xi32, #tpu.memory_space<vmem>> -> memref<16xi32, #tpu.memory_space<vmem>>
    %dma_wait3A_312 = tpu.memref_slice %arg3[%sub3A_239] : memref<3200000xi32, #tpu.memory_space<hbm>> -> memref<16xi32, #tpu.memory_space<hbm>>
    %dma_wait3A_313 = arith.constant 0 : i32
    %dma_wait3A_314 = tpu.memref_slice %arg8[%dma_wait3A_313] : memref<10032xi32, #tpu.memory_space<vmem>> -> memref<16xi32, #tpu.memory_space<vmem>>
    %dma_wait3A_315 = tpu.memref_slice %arg3[%sub3A_239] : memref<3200000xi32, #tpu.memory_space<hbm>> -> memref<16xi32, #tpu.memory_space<hbm>>
    tpu.wait_dma2 semaphore(%arg11 : memref<!tpu.dma_semaphore, #tpu.memory_space<semaphore_mem>>) src(%dma_wait3A_315 : memref<16xi32, #tpu.memory_space<hbm>>) dst(%dma_wait3A_314 : memref<16xi32, #tpu.memory_space<vmem>>)
    %parallel_loop3A_316 = arith.constant 0 : i32
    %parallel_loop3A_317 = arith.constant 625 : i32
    %parallel_loop3A_318 = arith.constant 1 : i32
    %parallel_loop3A_319 = scf.for %parallel_loop3A_484 = %parallel_loop3A_316 to %parallel_loop3A_317 step %parallel_loop3A_318 iter_args(%parallel_loop3A_485 = %parallel_loop3A_269) -> (vector<16xf32>)  : i32 {
      %parallel_loop3A_486 = arith.constant 16 : i32
      %parallel_loop3A_487 = arith.muli %parallel_loop3A_484, %parallel_loop3A_486 : i32
      %parallel_loop3A_488 = arith.index_cast %parallel_loop3A_487 : i32 to index
      %parallel_loop3A_489 = tpu.vector_load %arg6[%parallel_loop3A_488] {strides = array<i32>} : memref<10000xf32, #tpu.memory_space<vmem>>, vector<16xf32>,
      %parallel_loop3A_490 = arith.constant 16 : i32
      %parallel_loop3A_491 = arith.muli %parallel_loop3A_484, %parallel_loop3A_490 : i32
      %parallel_loop3A_492 = arith.constant 16 : i32
      %parallel_loop3A_493 = arith.addi %parallel_loop3A_492, %parallel_loop3A_491 : i32
      %parallel_loop3A_494 = arith.index_cast %parallel_loop3A_493 : i32 to index
      %parallel_loop3A_495 = tpu.vector_load %arg8[%parallel_loop3A_494] {strides = array<i32>} : memref<10032xi32, #tpu.memory_space<vmem>>, vector<16xi32>,
      %parallel_loop3A_496 = arith.constant 16 : i32
      %parallel_loop3A_497 = arith.muli %parallel_loop3A_484, %parallel_loop3A_496 : i32
      %parallel_loop3A_498 = arith.constant 16 : i32
      %parallel_loop3A_499 = arith.addi %parallel_loop3A_498, %parallel_loop3A_497 : i32
      %parallel_loop3A_500 = arith.constant 1 : i32
      %parallel_loop3A_501 = arith.addi %parallel_loop3A_499, %parallel_loop3A_500 : i32
      %parallel_loop3A_502 = arith.index_cast %parallel_loop3A_501 : i32 to index
      %parallel_loop3A_503 = tpu.vector_load %arg8[%parallel_loop3A_502] {strides = array<i32>} : memref<10032xi32, #tpu.memory_space<vmem>>, vector<16xi32>,
      %parallel_loop3A_504 = arith.constant 16 : i32
      %parallel_loop3A_505 = arith.muli %parallel_loop3A_484, %parallel_loop3A_504 : i32
      %parallel_loop3A_506 = arith.constant 16 : i32
      %parallel_loop3A_507 = arith.addi %parallel_loop3A_506, %parallel_loop3A_505 : i32
      %parallel_loop3A_508 = arith.constant 1 : i32
      %parallel_loop3A_509 = arith.subi %parallel_loop3A_507, %parallel_loop3A_508 : i32
      %parallel_loop3A_510 = arith.index_cast %parallel_loop3A_509 : i32 to index
      %parallel_loop3A_511 = tpu.vector_load %arg8[%parallel_loop3A_510] {strides = array<i32>} : memref<10032xi32, #tpu.memory_space<vmem>>, vector<16xi32>,
      %parallel_loop3A_512 = arith.constant true
      %parallel_loop3A_513 = vector.broadcast %parallel_loop3A_512 : i1 to vector<16xi1>
      %parallel_loop3A_514 = tpu.scan <sum>, %parallel_loop3A_489 masked %parallel_loop3A_513 : vector<16xf32>, vector<16xi1> -> vector<16xf32>
      %parallel_loop3A_515 = arith.addf %parallel_loop3A_514, %parallel_loop3A_485 : vector<16xf32>
      %parallel_loop3A_516 = arith.cmpi ne, %parallel_loop3A_495, %parallel_loop3A_503 : vector<16xi32>
      %parallel_loop3A_517 = arith.cmpi ne, %parallel_loop3A_495, %parallel_loop3A_511 : vector<16xi32>
      %parallel_loop3A_518 = arith.constant 0.000000e+00 : f32
      %parallel_loop3A_519 = vector.broadcast %parallel_loop3A_518 : f32 to vector<16xf32>
      %parallel_loop3A_520 = arith.select %parallel_loop3A_516, %parallel_loop3A_515, %parallel_loop3A_519 : vector<16xi1>, vector<16xf32>
      %parallel_loop3A_521 = arith.subf %parallel_loop3A_515, %parallel_loop3A_489 : vector<16xf32>
      %parallel_loop3A_522 = arith.constant 0.000000e+00 : f32
      %parallel_loop3A_523 = vector.broadcast %parallel_loop3A_522 : f32 to vector<16xf32>
      %parallel_loop3A_524 = arith.select %parallel_loop3A_517, %parallel_loop3A_521, %parallel_loop3A_523 : vector<16xi1>, vector<16xf32>
      %parallel_loop3A_525 = arith.subf %parallel_loop3A_520, %parallel_loop3A_524 : vector<16xf32>
      %parallel_loop3A_526 = arith.ori %parallel_loop3A_516, %parallel_loop3A_517 : vector<16xi1>
      tpu.vector_store_idx %arg9[%parallel_loop3A_495], %parallel_loop3A_525 masked %parallel_loop3A_526 {add = true} : memref<16384xf32, #tpu.memory_space<vmem>>[vector<16xi32>], vector<16xf32>, vector<16xi1>
      %parallel_loop3A_527 = arith.constant true
      %parallel_loop3A_528 = vector.broadcast %parallel_loop3A_527 : i1 to vector<16xi1>
      %parallel_loop3A_529 = tpu.scan <sum>, %parallel_loop3A_489 masked %parallel_loop3A_528 : vector<16xf32>, vector<16xi1> -> vector<16xf32>
      %parallel_loop3A_530 = vector.extract %parallel_loop3A_529[15] : f32 from vector<16xf32>
      %parallel_loop3A_531 = vector.broadcast %parallel_loop3A_530 : f32 to vector<16xf32>
      %parallel_loop3A_532 = arith.addf %parallel_loop3A_485, %parallel_loop3A_531 : vector<16xf32>
      scf.yield %parallel_loop3A_532 : vector<16xf32>
    } {sc.loop_unroll_factor = 5 : i64, sc.parallel_access}
    %add3A_320 = arith.constant 70000 : i32
    %add3A_321 = arith.addi %mul3A_2, %add3A_320 : i32
    %dma_start3A_322 = tpu.memref_slice %arg2[%add3A_321] : memref<3200000xf32, #tpu.memory_space<hbm>> -> memref<10000xf32, #tpu.memory_space<hbm>>
    %dma_start3A_323 = tpu.memref_slice %arg2[%add3A_321] : memref<3200000xf32, #tpu.memory_space<hbm>> -> memref<10000xf32, #tpu.memory_space<hbm>>
    tpu.enqueue_dma source(%dma_start3A_323 : memref<10000xf32, #tpu.memory_space<hbm>>) target(%arg6 : memref<10000xf32, #tpu.memory_space<vmem>>) target_semaphore(%arg11 : memref<!tpu.dma_semaphore, #tpu.memory_space<semaphore_mem>>)
    %dma_start3A_324 = arith.constant 16 : i32
    %dma_start3A_325 = tpu.memref_slice %arg8[%dma_start3A_324] : memref<10032xi32, #tpu.memory_space<vmem>> -> memref<10000xi32, #tpu.memory_space<vmem>>
    %dma_start3A_326 = tpu.memref_slice %arg3[%add3A_321] : memref<3200000xi32, #tpu.memory_space<hbm>> -> memref<10000xi32, #tpu.memory_space<hbm>>
    %dma_start3A_327 = arith.constant 16 : i32
    %dma_start3A_328 = tpu.memref_slice %arg8[%dma_start3A_327] : memref<10032xi32, #tpu.memory_space<vmem>> -> memref<10000xi32, #tpu.memory_space<vmem>>
    %dma_start3A_329 = tpu.memref_slice %arg3[%add3A_321] : memref<3200000xi32, #tpu.memory_space<hbm>> -> memref<10000xi32, #tpu.memory_space<hbm>>
    tpu.enqueue_dma source(%dma_start3A_329 : memref<10000xi32, #tpu.memory_space<hbm>>) target(%dma_start3A_328 : memref<10000xi32, #tpu.memory_space<vmem>>) target_semaphore(%arg11 : memref<!tpu.dma_semaphore, #tpu.memory_space<semaphore_mem>>)
    %add3A_330 = arith.constant 10000 : i32
    %add3A_331 = arith.addi %add3A_321, %add3A_330 : i32
    %dma_start3A_332 = arith.constant 10016 : i32
    %dma_start3A_333 = tpu.memref_slice %arg8[%dma_start3A_332] : memref<10032xi32, #tpu.memory_space<vmem>> -> memref<16xi32, #tpu.memory_space<vmem>>
    %dma_start3A_334 = tpu.memref_slice %arg3[%add3A_331] : memref<3200000xi32, #tpu.memory_space<hbm>> -> memref<16xi32, #tpu.memory_space<hbm>>
    %dma_start3A_335 = arith.constant 10016 : i32
    %dma_start3A_336 = tpu.memref_slice %arg8[%dma_start3A_335] : memref<10032xi32, #tpu.memory_space<vmem>> -> memref<16xi32, #tpu.memory_space<vmem>>
    %dma_start3A_337 = tpu.memref_slice %arg3[%add3A_331] : memref<3200000xi32, #tpu.memory_space<hbm>> -> memref<16xi32, #tpu.memory_space<hbm>>
    tpu.enqueue_dma source(%dma_start3A_337 : memref<16xi32, #tpu.memory_space<hbm>>) target(%dma_start3A_336 : memref<16xi32, #tpu.memory_space<vmem>>) target_semaphore(%arg11 : memref<!tpu.dma_semaphore, #tpu.memory_space<semaphore_mem>>)
    %sub3A_338 = arith.constant 16 : i32
    %sub3A_339 = arith.subi %add3A_321, %sub3A_338 : i32
    %dma_start3A_340 = arith.constant 0 : i32
    %dma_start3A_341 = tpu.memref_slice %arg8[%dma_start3A_340] : memref<10032xi32, #tpu.memory_space<vmem>> -> memref<16xi32, #tpu.memory_space<vmem>>
    %dma_start3A_342 = tpu.memref_slice %arg3[%sub3A_339] : memref<3200000xi32, #tpu.memory_space<hbm>> -> memref<16xi32, #tpu.memory_space<hbm>>
    %dma_start3A_343 = arith.constant 0 : i32
    %dma_start3A_344 = tpu.memref_slice %arg8[%dma_start3A_343] : memref<10032xi32, #tpu.memory_space<vmem>> -> memref<16xi32, #tpu.memory_space<vmem>>
    %dma_start3A_345 = tpu.memref_slice %arg3[%sub3A_339] : memref<3200000xi32, #tpu.memory_space<hbm>> -> memref<16xi32, #tpu.memory_space<hbm>>
    tpu.enqueue_dma source(%dma_start3A_345 : memref<16xi32, #tpu.memory_space<hbm>>) target(%dma_start3A_344 : memref<16xi32, #tpu.memory_space<vmem>>) target_semaphore(%arg11 : memref<!tpu.dma_semaphore, #tpu.memory_space<semaphore_mem>>)
    %dma_wait3A_346 = tpu.memref_slice %arg2[%add3A_271] : memref<3200000xf32, #tpu.memory_space<hbm>> -> memref<10000xf32, #tpu.memory_space<hbm>>
    %dma_wait3A_347 = tpu.memref_slice %arg2[%add3A_271] : memref<3200000xf32, #tpu.memory_space<hbm>> -> memref<10000xf32, #tpu.memory_space<hbm>>
    tpu.wait_dma2 semaphore(%arg10 : memref<!tpu.dma_semaphore, #tpu.memory_space<semaphore_mem>>) src(%dma_wait3A_347 : memref<10000xf32, #tpu.memory_space<hbm>>) dst(%arg5 : memref<10000xf32, #tpu.memory_space<vmem>>)
    %dma_wait3A_348 = arith.constant 16 : i32
    %dma_wait3A_349 = tpu.memref_slice %arg7[%dma_wait3A_348] : memref<10032xi32, #tpu.memory_space<vmem>> -> memref<10000xi32, #tpu.memory_space<vmem>>
    %dma_wait3A_350 = tpu.memref_slice %arg3[%add3A_271] : memref<3200000xi32, #tpu.memory_space<hbm>> -> memref<10000xi32, #tpu.memory_space<hbm>>
    %dma_wait3A_351 = arith.constant 16 : i32
    %dma_wait3A_352 = tpu.memref_slice %arg7[%dma_wait3A_351] : memref<10032xi32, #tpu.memory_space<vmem>> -> memref<10000xi32, #tpu.memory_space<vmem>>
    %dma_wait3A_353 = tpu.memref_slice %arg3[%add3A_271] : memref<3200000xi32, #tpu.memory_space<hbm>> -> memref<10000xi32, #tpu.memory_space<hbm>>
    tpu.wait_dma2 semaphore(%arg10 : memref<!tpu.dma_semaphore, #tpu.memory_space<semaphore_mem>>) src(%dma_wait3A_353 : memref<10000xi32, #tpu.memory_space<hbm>>) dst(%dma_wait3A_352 : memref<10000xi32, #tpu.memory_space<vmem>>)
    %dma_wait3A_354 = arith.constant 10016 : i32
    %dma_wait3A_355 = tpu.memref_slice %arg7[%dma_wait3A_354] : memref<10032xi32, #tpu.memory_space<vmem>> -> memref<16xi32, #tpu.memory_space<vmem>>
    %dma_wait3A_356 = tpu.memref_slice %arg3[%add3A_281] : memref<3200000xi32, #tpu.memory_space<hbm>> -> memref<16xi32, #tpu.memory_space<hbm>>
    %dma_wait3A_357 = arith.constant 10016 : i32
    %dma_wait3A_358 = tpu.memref_slice %arg7[%dma_wait3A_357] : memref<10032xi32, #tpu.memory_space<vmem>> -> memref<16xi32, #tpu.memory_space<vmem>>
    %dma_wait3A_359 = tpu.memref_slice %arg3[%add3A_281] : memref<3200000xi32, #tpu.memory_space<hbm>> -> memref<16xi32, #tpu.memory_space<hbm>>
    tpu.wait_dma2 semaphore(%arg10 : memref<!tpu.dma_semaphore, #tpu.memory_space<semaphore_mem>>) src(%dma_wait3A_359 : memref<16xi32, #tpu.memory_space<hbm>>) dst(%dma_wait3A_358 : memref<16xi32, #tpu.memory_space<vmem>>)
    %dma_wait3A_360 = arith.constant 0 : i32
    %dma_wait3A_361 = tpu.memref_slice %arg7[%dma_wait3A_360] : memref<10032xi32, #tpu.memory_space<vmem>> -> memref<16xi32, #tpu.memory_space<vmem>>
    %dma_wait3A_362 = tpu.memref_slice %arg3[%sub3A_289] : memref<3200000xi32, #tpu.memory_space<hbm>> -> memref<16xi32, #tpu.memory_space<hbm>>
    %dma_wait3A_363 = arith.constant 0 : i32
    %dma_wait3A_364 = tpu.memref_slice %arg7[%dma_wait3A_363] : memref<10032xi32, #tpu.memory_space<vmem>> -> memref<16xi32, #tpu.memory_space<vmem>>
    %dma_wait3A_365 = tpu.memref_slice %arg3[%sub3A_289] : memref<3200000xi32, #tpu.memory_space<hbm>> -> memref<16xi32, #tpu.memory_space<hbm>>
    tpu.wait_dma2 semaphore(%arg10 : memref<!tpu.dma_semaphore, #tpu.memory_space<semaphore_mem>>) src(%dma_wait3A_365 : memref<16xi32, #tpu.memory_space<hbm>>) dst(%dma_wait3A_364 : memref<16xi32, #tpu.memory_space<vmem>>)
    %parallel_loop3A_366 = arith.constant 0 : i32
    %parallel_loop3A_367 = arith.constant 625 : i32
    %parallel_loop3A_368 = arith.constant 1 : i32
    %parallel_loop3A_369 = scf.for %parallel_loop3A_484 = %parallel_loop3A_366 to %parallel_loop3A_367 step %parallel_loop3A_368 iter_args(%parallel_loop3A_485 = %parallel_loop3A_319) -> (vector<16xf32>)  : i32 {
      %parallel_loop3A_486 = arith.constant 16 : i32
      %parallel_loop3A_487 = arith.muli %parallel_loop3A_484, %parallel_loop3A_486 : i32
      %parallel_loop3A_488 = arith.index_cast %parallel_loop3A_487 : i32 to index
      %parallel_loop3A_489 = tpu.vector_load %arg5[%parallel_loop3A_488] {strides = array<i32>} : memref<10000xf32, #tpu.memory_space<vmem>>, vector<16xf32>,
      %parallel_loop3A_490 = arith.constant 16 : i32
      %parallel_loop3A_491 = arith.muli %parallel_loop3A_484, %parallel_loop3A_490 : i32
      %parallel_loop3A_492 = arith.constant 16 : i32
      %parallel_loop3A_493 = arith.addi %parallel_loop3A_492, %parallel_loop3A_491 : i32
      %parallel_loop3A_494 = arith.index_cast %parallel_loop3A_493 : i32 to index
      %parallel_loop3A_495 = tpu.vector_load %arg7[%parallel_loop3A_494] {strides = array<i32>} : memref<10032xi32, #tpu.memory_space<vmem>>, vector<16xi32>,
      %parallel_loop3A_496 = arith.constant 16 : i32
      %parallel_loop3A_497 = arith.muli %parallel_loop3A_484, %parallel_loop3A_496 : i32
      %parallel_loop3A_498 = arith.constant 16 : i32
      %parallel_loop3A_499 = arith.addi %parallel_loop3A_498, %parallel_loop3A_497 : i32
      %parallel_loop3A_500 = arith.constant 1 : i32
      %parallel_loop3A_501 = arith.addi %parallel_loop3A_499, %parallel_loop3A_500 : i32
      %parallel_loop3A_502 = arith.index_cast %parallel_loop3A_501 : i32 to index
      %parallel_loop3A_503 = tpu.vector_load %arg7[%parallel_loop3A_502] {strides = array<i32>} : memref<10032xi32, #tpu.memory_space<vmem>>, vector<16xi32>,
      %parallel_loop3A_504 = arith.constant 16 : i32
      %parallel_loop3A_505 = arith.muli %parallel_loop3A_484, %parallel_loop3A_504 : i32
      %parallel_loop3A_506 = arith.constant 16 : i32
      %parallel_loop3A_507 = arith.addi %parallel_loop3A_506, %parallel_loop3A_505 : i32
      %parallel_loop3A_508 = arith.constant 1 : i32
      %parallel_loop3A_509 = arith.subi %parallel_loop3A_507, %parallel_loop3A_508 : i32
      %parallel_loop3A_510 = arith.index_cast %parallel_loop3A_509 : i32 to index
      %parallel_loop3A_511 = tpu.vector_load %arg7[%parallel_loop3A_510] {strides = array<i32>} : memref<10032xi32, #tpu.memory_space<vmem>>, vector<16xi32>,
      %parallel_loop3A_512 = arith.constant true
      %parallel_loop3A_513 = vector.broadcast %parallel_loop3A_512 : i1 to vector<16xi1>
      %parallel_loop3A_514 = tpu.scan <sum>, %parallel_loop3A_489 masked %parallel_loop3A_513 : vector<16xf32>, vector<16xi1> -> vector<16xf32>
      %parallel_loop3A_515 = arith.addf %parallel_loop3A_514, %parallel_loop3A_485 : vector<16xf32>
      %parallel_loop3A_516 = arith.cmpi ne, %parallel_loop3A_495, %parallel_loop3A_503 : vector<16xi32>
      %parallel_loop3A_517 = arith.cmpi ne, %parallel_loop3A_495, %parallel_loop3A_511 : vector<16xi32>
      %parallel_loop3A_518 = arith.constant 0.000000e+00 : f32
      %parallel_loop3A_519 = vector.broadcast %parallel_loop3A_518 : f32 to vector<16xf32>
      %parallel_loop3A_520 = arith.select %parallel_loop3A_516, %parallel_loop3A_515, %parallel_loop3A_519 : vector<16xi1>, vector<16xf32>
      %parallel_loop3A_521 = arith.subf %parallel_loop3A_515, %parallel_loop3A_489 : vector<16xf32>
      %parallel_loop3A_522 = arith.constant 0.000000e+00 : f32
      %parallel_loop3A_523 = vector.broadcast %parallel_loop3A_522 : f32 to vector<16xf32>
      %parallel_loop3A_524 = arith.select %parallel_loop3A_517, %parallel_loop3A_521, %parallel_loop3A_523 : vector<16xi1>, vector<16xf32>
      %parallel_loop3A_525 = arith.subf %parallel_loop3A_520, %parallel_loop3A_524 : vector<16xf32>
      %parallel_loop3A_526 = arith.ori %parallel_loop3A_516, %parallel_loop3A_517 : vector<16xi1>
      tpu.vector_store_idx %arg9[%parallel_loop3A_495], %parallel_loop3A_525 masked %parallel_loop3A_526 {add = true} : memref<16384xf32, #tpu.memory_space<vmem>>[vector<16xi32>], vector<16xf32>, vector<16xi1>
      %parallel_loop3A_527 = arith.constant true
      %parallel_loop3A_528 = vector.broadcast %parallel_loop3A_527 : i1 to vector<16xi1>
      %parallel_loop3A_529 = tpu.scan <sum>, %parallel_loop3A_489 masked %parallel_loop3A_528 : vector<16xf32>, vector<16xi1> -> vector<16xf32>
      %parallel_loop3A_530 = vector.extract %parallel_loop3A_529[15] : f32 from vector<16xf32>
      %parallel_loop3A_531 = vector.broadcast %parallel_loop3A_530 : f32 to vector<16xf32>
      %parallel_loop3A_532 = arith.addf %parallel_loop3A_485, %parallel_loop3A_531 : vector<16xf32>
      scf.yield %parallel_loop3A_532 : vector<16xf32>
    } {sc.loop_unroll_factor = 5 : i64, sc.parallel_access}
    %add3A_370 = arith.constant 80000 : i32
    %add3A_371 = arith.addi %mul3A_2, %add3A_370 : i32
    %dma_start3A_372 = tpu.memref_slice %arg2[%add3A_371] : memref<3200000xf32, #tpu.memory_space<hbm>> -> memref<10000xf32, #tpu.memory_space<hbm>>
    %dma_start3A_373 = tpu.memref_slice %arg2[%add3A_371] : memref<3200000xf32, #tpu.memory_space<hbm>> -> memref<10000xf32, #tpu.memory_space<hbm>>
    tpu.enqueue_dma source(%dma_start3A_373 : memref<10000xf32, #tpu.memory_space<hbm>>) target(%arg5 : memref<10000xf32, #tpu.memory_space<vmem>>) target_semaphore(%arg10 : memref<!tpu.dma_semaphore, #tpu.memory_space<semaphore_mem>>)
    %dma_start3A_374 = arith.constant 16 : i32
    %dma_start3A_375 = tpu.memref_slice %arg7[%dma_start3A_374] : memref<10032xi32, #tpu.memory_space<vmem>> -> memref<10000xi32, #tpu.memory_space<vmem>>
    %dma_start3A_376 = tpu.memref_slice %arg3[%add3A_371] : memref<3200000xi32, #tpu.memory_space<hbm>> -> memref<10000xi32, #tpu.memory_space<hbm>>
    %dma_start3A_377 = arith.constant 16 : i32
    %dma_start3A_378 = tpu.memref_slice %arg7[%dma_start3A_377] : memref<10032xi32, #tpu.memory_space<vmem>> -> memref<10000xi32, #tpu.memory_space<vmem>>
    %dma_start3A_379 = tpu.memref_slice %arg3[%add3A_371] : memref<3200000xi32, #tpu.memory_space<hbm>> -> memref<10000xi32, #tpu.memory_space<hbm>>
    tpu.enqueue_dma source(%dma_start3A_379 : memref<10000xi32, #tpu.memory_space<hbm>>) target(%dma_start3A_378 : memref<10000xi32, #tpu.memory_space<vmem>>) target_semaphore(%arg10 : memref<!tpu.dma_semaphore, #tpu.memory_space<semaphore_mem>>)
    %add3A_380 = arith.constant 10000 : i32
    %add3A_381 = arith.addi %add3A_371, %add3A_380 : i32
    %dma_start3A_382 = arith.constant 10016 : i32
    %dma_start3A_383 = tpu.memref_slice %arg7[%dma_start3A_382] : memref<10032xi32, #tpu.memory_space<vmem>> -> memref<16xi32, #tpu.memory_space<vmem>>
    %dma_start3A_384 = tpu.memref_slice %arg3[%add3A_381] : memref<3200000xi32, #tpu.memory_space<hbm>> -> memref<16xi32, #tpu.memory_space<hbm>>
    %dma_start3A_385 = arith.constant 10016 : i32
    %dma_start3A_386 = tpu.memref_slice %arg7[%dma_start3A_385] : memref<10032xi32, #tpu.memory_space<vmem>> -> memref<16xi32, #tpu.memory_space<vmem>>
    %dma_start3A_387 = tpu.memref_slice %arg3[%add3A_381] : memref<3200000xi32, #tpu.memory_space<hbm>> -> memref<16xi32, #tpu.memory_space<hbm>>
    tpu.enqueue_dma source(%dma_start3A_387 : memref<16xi32, #tpu.memory_space<hbm>>) target(%dma_start3A_386 : memref<16xi32, #tpu.memory_space<vmem>>) target_semaphore(%arg10 : memref<!tpu.dma_semaphore, #tpu.memory_space<semaphore_mem>>)
    %sub3A_388 = arith.constant 16 : i32
    %sub3A_389 = arith.subi %add3A_371, %sub3A_388 : i32
    %dma_start3A_390 = arith.constant 0 : i32
    %dma_start3A_391 = tpu.memref_slice %arg7[%dma_start3A_390] : memref<10032xi32, #tpu.memory_space<vmem>> -> memref<16xi32, #tpu.memory_space<vmem>>
    %dma_start3A_392 = tpu.memref_slice %arg3[%sub3A_389] : memref<3200000xi32, #tpu.memory_space<hbm>> -> memref<16xi32, #tpu.memory_space<hbm>>
    %dma_start3A_393 = arith.constant 0 : i32
    %dma_start3A_394 = tpu.memref_slice %arg7[%dma_start3A_393] : memref<10032xi32, #tpu.memory_space<vmem>> -> memref<16xi32, #tpu.memory_space<vmem>>
    %dma_start3A_395 = tpu.memref_slice %arg3[%sub3A_389] : memref<3200000xi32, #tpu.memory_space<hbm>> -> memref<16xi32, #tpu.memory_space<hbm>>
    tpu.enqueue_dma source(%dma_start3A_395 : memref<16xi32, #tpu.memory_space<hbm>>) target(%dma_start3A_394 : memref<16xi32, #tpu.memory_space<vmem>>) target_semaphore(%arg10 : memref<!tpu.dma_semaphore, #tpu.memory_space<semaphore_mem>>)
    %dma_wait3A_396 = tpu.memref_slice %arg2[%add3A_321] : memref<3200000xf32, #tpu.memory_space<hbm>> -> memref<10000xf32, #tpu.memory_space<hbm>>
    %dma_wait3A_397 = tpu.memref_slice %arg2[%add3A_321] : memref<3200000xf32, #tpu.memory_space<hbm>> -> memref<10000xf32, #tpu.memory_space<hbm>>
    tpu.wait_dma2 semaphore(%arg11 : memref<!tpu.dma_semaphore, #tpu.memory_space<semaphore_mem>>) src(%dma_wait3A_397 : memref<10000xf32, #tpu.memory_space<hbm>>) dst(%arg6 : memref<10000xf32, #tpu.memory_space<vmem>>)
    %dma_wait3A_398 = arith.constant 16 : i32
    %dma_wait3A_399 = tpu.memref_slice %arg8[%dma_wait3A_398] : memref<10032xi32, #tpu.memory_space<vmem>> -> memref<10000xi32, #tpu.memory_space<vmem>>
    %dma_wait3A_400 = tpu.memref_slice %arg3[%add3A_321] : memref<3200000xi32, #tpu.memory_space<hbm>> -> memref<10000xi32, #tpu.memory_space<hbm>>
    %dma_wait3A_401 = arith.constant 16 : i32
    %dma_wait3A_402 = tpu.memref_slice %arg8[%dma_wait3A_401] : memref<10032xi32, #tpu.memory_space<vmem>> -> memref<10000xi32, #tpu.memory_space<vmem>>
    %dma_wait3A_403 = tpu.memref_slice %arg3[%add3A_321] : memref<3200000xi32, #tpu.memory_space<hbm>> -> memref<10000xi32, #tpu.memory_space<hbm>>
    tpu.wait_dma2 semaphore(%arg11 : memref<!tpu.dma_semaphore, #tpu.memory_space<semaphore_mem>>) src(%dma_wait3A_403 : memref<10000xi32, #tpu.memory_space<hbm>>) dst(%dma_wait3A_402 : memref<10000xi32, #tpu.memory_space<vmem>>)
    %dma_wait3A_404 = arith.constant 10016 : i32
    %dma_wait3A_405 = tpu.memref_slice %arg8[%dma_wait3A_404] : memref<10032xi32, #tpu.memory_space<vmem>> -> memref<16xi32, #tpu.memory_space<vmem>>
    %dma_wait3A_406 = tpu.memref_slice %arg3[%add3A_331] : memref<3200000xi32, #tpu.memory_space<hbm>> -> memref<16xi32, #tpu.memory_space<hbm>>
    %dma_wait3A_407 = arith.constant 10016 : i32
    %dma_wait3A_408 = tpu.memref_slice %arg8[%dma_wait3A_407] : memref<10032xi32, #tpu.memory_space<vmem>> -> memref<16xi32, #tpu.memory_space<vmem>>
    %dma_wait3A_409 = tpu.memref_slice %arg3[%add3A_331] : memref<3200000xi32, #tpu.memory_space<hbm>> -> memref<16xi32, #tpu.memory_space<hbm>>
    tpu.wait_dma2 semaphore(%arg11 : memref<!tpu.dma_semaphore, #tpu.memory_space<semaphore_mem>>) src(%dma_wait3A_409 : memref<16xi32, #tpu.memory_space<hbm>>) dst(%dma_wait3A_408 : memref<16xi32, #tpu.memory_space<vmem>>)
    %dma_wait3A_410 = arith.constant 0 : i32
    %dma_wait3A_411 = tpu.memref_slice %arg8[%dma_wait3A_410] : memref<10032xi32, #tpu.memory_space<vmem>> -> memref<16xi32, #tpu.memory_space<vmem>>
    %dma_wait3A_412 = tpu.memref_slice %arg3[%sub3A_339] : memref<3200000xi32, #tpu.memory_space<hbm>> -> memref<16xi32, #tpu.memory_space<hbm>>
    %dma_wait3A_413 = arith.constant 0 : i32
    %dma_wait3A_414 = tpu.memref_slice %arg8[%dma_wait3A_413] : memref<10032xi32, #tpu.memory_space<vmem>> -> memref<16xi32, #tpu.memory_space<vmem>>
    %dma_wait3A_415 = tpu.memref_slice %arg3[%sub3A_339] : memref<3200000xi32, #tpu.memory_space<hbm>> -> memref<16xi32, #tpu.memory_space<hbm>>
    tpu.wait_dma2 semaphore(%arg11 : memref<!tpu.dma_semaphore, #tpu.memory_space<semaphore_mem>>) src(%dma_wait3A_415 : memref<16xi32, #tpu.memory_space<hbm>>) dst(%dma_wait3A_414 : memref<16xi32, #tpu.memory_space<vmem>>)
    %parallel_loop3A_416 = arith.constant 0 : i32
    %parallel_loop3A_417 = arith.constant 625 : i32
    %parallel_loop3A_418 = arith.constant 1 : i32
    %parallel_loop3A_419 = scf.for %parallel_loop3A_484 = %parallel_loop3A_416 to %parallel_loop3A_417 step %parallel_loop3A_418 iter_args(%parallel_loop3A_485 = %parallel_loop3A_369) -> (vector<16xf32>)  : i32 {
      %parallel_loop3A_486 = arith.constant 16 : i32
      %parallel_loop3A_487 = arith.muli %parallel_loop3A_484, %parallel_loop3A_486 : i32
      %parallel_loop3A_488 = arith.index_cast %parallel_loop3A_487 : i32 to index
      %parallel_loop3A_489 = tpu.vector_load %arg6[%parallel_loop3A_488] {strides = array<i32>} : memref<10000xf32, #tpu.memory_space<vmem>>, vector<16xf32>,
      %parallel_loop3A_490 = arith.constant 16 : i32
      %parallel_loop3A_491 = arith.muli %parallel_loop3A_484, %parallel_loop3A_490 : i32
      %parallel_loop3A_492 = arith.constant 16 : i32
      %parallel_loop3A_493 = arith.addi %parallel_loop3A_492, %parallel_loop3A_491 : i32
      %parallel_loop3A_494 = arith.index_cast %parallel_loop3A_493 : i32 to index
      %parallel_loop3A_495 = tpu.vector_load %arg8[%parallel_loop3A_494] {strides = array<i32>} : memref<10032xi32, #tpu.memory_space<vmem>>, vector<16xi32>,
      %parallel_loop3A_496 = arith.constant 16 : i32
      %parallel_loop3A_497 = arith.muli %parallel_loop3A_484, %parallel_loop3A_496 : i32
      %parallel_loop3A_498 = arith.constant 16 : i32
      %parallel_loop3A_499 = arith.addi %parallel_loop3A_498, %parallel_loop3A_497 : i32
      %parallel_loop3A_500 = arith.constant 1 : i32
      %parallel_loop3A_501 = arith.addi %parallel_loop3A_499, %parallel_loop3A_500 : i32
      %parallel_loop3A_502 = arith.index_cast %parallel_loop3A_501 : i32 to index
      %parallel_loop3A_503 = tpu.vector_load %arg8[%parallel_loop3A_502] {strides = array<i32>} : memref<10032xi32, #tpu.memory_space<vmem>>, vector<16xi32>,
      %parallel_loop3A_504 = arith.constant 16 : i32
      %parallel_loop3A_505 = arith.muli %parallel_loop3A_484, %parallel_loop3A_504 : i32
      %parallel_loop3A_506 = arith.constant 16 : i32
      %parallel_loop3A_507 = arith.addi %parallel_loop3A_506, %parallel_loop3A_505 : i32
      %parallel_loop3A_508 = arith.constant 1 : i32
      %parallel_loop3A_509 = arith.subi %parallel_loop3A_507, %parallel_loop3A_508 : i32
      %parallel_loop3A_510 = arith.index_cast %parallel_loop3A_509 : i32 to index
      %parallel_loop3A_511 = tpu.vector_load %arg8[%parallel_loop3A_510] {strides = array<i32>} : memref<10032xi32, #tpu.memory_space<vmem>>, vector<16xi32>,
      %parallel_loop3A_512 = arith.constant true
      %parallel_loop3A_513 = vector.broadcast %parallel_loop3A_512 : i1 to vector<16xi1>
      %parallel_loop3A_514 = tpu.scan <sum>, %parallel_loop3A_489 masked %parallel_loop3A_513 : vector<16xf32>, vector<16xi1> -> vector<16xf32>
      %parallel_loop3A_515 = arith.addf %parallel_loop3A_514, %parallel_loop3A_485 : vector<16xf32>
      %parallel_loop3A_516 = arith.cmpi ne, %parallel_loop3A_495, %parallel_loop3A_503 : vector<16xi32>
      %parallel_loop3A_517 = arith.cmpi ne, %parallel_loop3A_495, %parallel_loop3A_511 : vector<16xi32>
      %parallel_loop3A_518 = arith.constant 0.000000e+00 : f32
      %parallel_loop3A_519 = vector.broadcast %parallel_loop3A_518 : f32 to vector<16xf32>
      %parallel_loop3A_520 = arith.select %parallel_loop3A_516, %parallel_loop3A_515, %parallel_loop3A_519 : vector<16xi1>, vector<16xf32>
      %parallel_loop3A_521 = arith.subf %parallel_loop3A_515, %parallel_loop3A_489 : vector<16xf32>
      %parallel_loop3A_522 = arith.constant 0.000000e+00 : f32
      %parallel_loop3A_523 = vector.broadcast %parallel_loop3A_522 : f32 to vector<16xf32>
      %parallel_loop3A_524 = arith.select %parallel_loop3A_517, %parallel_loop3A_521, %parallel_loop3A_523 : vector<16xi1>, vector<16xf32>
      %parallel_loop3A_525 = arith.subf %parallel_loop3A_520, %parallel_loop3A_524 : vector<16xf32>
      %parallel_loop3A_526 = arith.ori %parallel_loop3A_516, %parallel_loop3A_517 : vector<16xi1>
      tpu.vector_store_idx %arg9[%parallel_loop3A_495], %parallel_loop3A_525 masked %parallel_loop3A_526 {add = true} : memref<16384xf32, #tpu.memory_space<vmem>>[vector<16xi32>], vector<16xf32>, vector<16xi1>
      %parallel_loop3A_527 = arith.constant true
      %parallel_loop3A_528 = vector.broadcast %parallel_loop3A_527 : i1 to vector<16xi1>
      %parallel_loop3A_529 = tpu.scan <sum>, %parallel_loop3A_489 masked %parallel_loop3A_528 : vector<16xf32>, vector<16xi1> -> vector<16xf32>
      %parallel_loop3A_530 = vector.extract %parallel_loop3A_529[15] : f32 from vector<16xf32>
      %parallel_loop3A_531 = vector.broadcast %parallel_loop3A_530 : f32 to vector<16xf32>
      %parallel_loop3A_532 = arith.addf %parallel_loop3A_485, %parallel_loop3A_531 : vector<16xf32>
      scf.yield %parallel_loop3A_532 : vector<16xf32>
    } {sc.loop_unroll_factor = 5 : i64, sc.parallel_access}
    %add3A_420 = arith.constant 90000 : i32
    %add3A_421 = arith.addi %mul3A_2, %add3A_420 : i32
    %dma_start3A_422 = tpu.memref_slice %arg2[%add3A_421] : memref<3200000xf32, #tpu.memory_space<hbm>> -> memref<10000xf32, #tpu.memory_space<hbm>>
    %dma_start3A_423 = tpu.memref_slice %arg2[%add3A_421] : memref<3200000xf32, #tpu.memory_space<hbm>> -> memref<10000xf32, #tpu.memory_space<hbm>>
    tpu.enqueue_dma source(%dma_start3A_423 : memref<10000xf32, #tpu.memory_space<hbm>>) target(%arg6 : memref<10000xf32, #tpu.memory_space<vmem>>) target_semaphore(%arg11 : memref<!tpu.dma_semaphore, #tpu.memory_space<semaphore_mem>>)
    %dma_start3A_424 = arith.constant 16 : i32
    %dma_start3A_425 = tpu.memref_slice %arg8[%dma_start3A_424] : memref<10032xi32, #tpu.memory_space<vmem>> -> memref<10000xi32, #tpu.memory_space<vmem>>
    %dma_start3A_426 = tpu.memref_slice %arg3[%add3A_421] : memref<3200000xi32, #tpu.memory_space<hbm>> -> memref<10000xi32, #tpu.memory_space<hbm>>
    %dma_start3A_427 = arith.constant 16 : i32
    %dma_start3A_428 = tpu.memref_slice %arg8[%dma_start3A_427] : memref<10032xi32, #tpu.memory_space<vmem>> -> memref<10000xi32, #tpu.memory_space<vmem>>
    %dma_start3A_429 = tpu.memref_slice %arg3[%add3A_421] : memref<3200000xi32, #tpu.memory_space<hbm>> -> memref<10000xi32, #tpu.memory_space<hbm>>
    tpu.enqueue_dma source(%dma_start3A_429 : memref<10000xi32, #tpu.memory_space<hbm>>) target(%dma_start3A_428 : memref<10000xi32, #tpu.memory_space<vmem>>) target_semaphore(%arg11 : memref<!tpu.dma_semaphore, #tpu.memory_space<semaphore_mem>>)
    %sub3A_430 = arith.constant 16 : i32
    %sub3A_431 = arith.subi %add3A_421, %sub3A_430 : i32
    %dma_start3A_432 = arith.constant 0 : i32
    %dma_start3A_433 = tpu.memref_slice %arg8[%dma_start3A_432] : memref<10032xi32, #tpu.memory_space<vmem>> -> memref<16xi32, #tpu.memory_space<vmem>>
    %dma_start3A_434 = tpu.memref_slice %arg3[%sub3A_431] : memref<3200000xi32, #tpu.memory_space<hbm>> -> memref<16xi32, #tpu.memory_space<hbm>>
    %dma_start3A_435 = arith.constant 0 : i32
    %dma_start3A_436 = tpu.memref_slice %arg8[%dma_start3A_435] : memref<10032xi32, #tpu.memory_space<vmem>> -> memref<16xi32, #tpu.memory_space<vmem>>
    %dma_start3A_437 = tpu.memref_slice %arg3[%sub3A_431] : memref<3200000xi32, #tpu.memory_space<hbm>> -> memref<16xi32, #tpu.memory_space<hbm>>
    tpu.enqueue_dma source(%dma_start3A_437 : memref<16xi32, #tpu.memory_space<hbm>>) target(%dma_start3A_436 : memref<16xi32, #tpu.memory_space<vmem>>) target_semaphore(%arg11 : memref<!tpu.dma_semaphore, #tpu.memory_space<semaphore_mem>>)
    %dma_wait3A_438 = tpu.memref_slice %arg2[%add3A_371] : memref<3200000xf32, #tpu.memory_space<hbm>> -> memref<10000xf32, #tpu.memory_space<hbm>>
    %dma_wait3A_439 = tpu.memref_slice %arg2[%add3A_371] : memref<3200000xf32, #tpu.memory_space<hbm>> -> memref<10000xf32, #tpu.memory_space<hbm>>
    tpu.wait_dma2 semaphore(%arg10 : memref<!tpu.dma_semaphore, #tpu.memory_space<semaphore_mem>>) src(%dma_wait3A_439 : memref<10000xf32, #tpu.memory_space<hbm>>) dst(%arg5 : memref<10000xf32, #tpu.memory_space<vmem>>)
    %dma_wait3A_440 = arith.constant 16 : i32
    %dma_wait3A_441 = tpu.memref_slice %arg7[%dma_wait3A_440] : memref<10032xi32, #tpu.memory_space<vmem>> -> memref<10000xi32, #tpu.memory_space<vmem>>
    %dma_wait3A_442 = tpu.memref_slice %arg3[%add3A_371] : memref<3200000xi32, #tpu.memory_space<hbm>> -> memref<10000xi32, #tpu.memory_space<hbm>>
    %dma_wait3A_443 = arith.constant 16 : i32
    %dma_wait3A_444 = tpu.memref_slice %arg7[%dma_wait3A_443] : memref<10032xi32, #tpu.memory_space<vmem>> -> memref<10000xi32, #tpu.memory_space<vmem>>
    %dma_wait3A_445 = tpu.memref_slice %arg3[%add3A_371] : memref<3200000xi32, #tpu.memory_space<hbm>> -> memref<10000xi32, #tpu.memory_space<hbm>>
    tpu.wait_dma2 semaphore(%arg10 : memref<!tpu.dma_semaphore, #tpu.memory_space<semaphore_mem>>) src(%dma_wait3A_445 : memref<10000xi32, #tpu.memory_space<hbm>>) dst(%dma_wait3A_444 : memref<10000xi32, #tpu.memory_space<vmem>>)
    %dma_wait3A_446 = arith.constant 10016 : i32
    %dma_wait3A_447 = tpu.memref_slice %arg7[%dma_wait3A_446] : memref<10032xi32, #tpu.memory_space<vmem>> -> memref<16xi32, #tpu.memory_space<vmem>>
    %dma_wait3A_448 = tpu.memref_slice %arg3[%add3A_381] : memref<3200000xi32, #tpu.memory_space<hbm>> -> memref<16xi32, #tpu.memory_space<hbm>>
    %dma_wait3A_449 = arith.constant 10016 : i32
    %dma_wait3A_450 = tpu.memref_slice %arg7[%dma_wait3A_449] : memref<10032xi32, #tpu.memory_space<vmem>> -> memref<16xi32, #tpu.memory_space<vmem>>
    %dma_wait3A_451 = tpu.memref_slice %arg3[%add3A_381] : memref<3200000xi32, #tpu.memory_space<hbm>> -> memref<16xi32, #tpu.memory_space<hbm>>
    tpu.wait_dma2 semaphore(%arg10 : memref<!tpu.dma_semaphore, #tpu.memory_space<semaphore_mem>>) src(%dma_wait3A_451 : memref<16xi32, #tpu.memory_space<hbm>>) dst(%dma_wait3A_450 : memref<16xi32, #tpu.memory_space<vmem>>)
    %dma_wait3A_452 = arith.constant 0 : i32
    %dma_wait3A_453 = tpu.memref_slice %arg7[%dma_wait3A_452] : memref<10032xi32, #tpu.memory_space<vmem>> -> memref<16xi32, #tpu.memory_space<vmem>>
    %dma_wait3A_454 = tpu.memref_slice %arg3[%sub3A_389] : memref<3200000xi32, #tpu.memory_space<hbm>> -> memref<16xi32, #tpu.memory_space<hbm>>
    %dma_wait3A_455 = arith.constant 0 : i32
    %dma_wait3A_456 = tpu.memref_slice %arg7[%dma_wait3A_455] : memref<10032xi32, #tpu.memory_space<vmem>> -> memref<16xi32, #tpu.memory_space<vmem>>
    %dma_wait3A_457 = tpu.memref_slice %arg3[%sub3A_389] : memref<3200000xi32, #tpu.memory_space<hbm>> -> memref<16xi32, #tpu.memory_space<hbm>>
    tpu.wait_dma2 semaphore(%arg10 : memref<!tpu.dma_semaphore, #tpu.memory_space<semaphore_mem>>) src(%dma_wait3A_457 : memref<16xi32, #tpu.memory_space<hbm>>) dst(%dma_wait3A_456 : memref<16xi32, #tpu.memory_space<vmem>>)
    %parallel_loop3A_458 = arith.constant 0 : i32
    %parallel_loop3A_459 = arith.constant 625 : i32
    %parallel_loop3A_460 = arith.constant 1 : i32
    %parallel_loop3A_461 = scf.for %parallel_loop3A_484 = %parallel_loop3A_458 to %parallel_loop3A_459 step %parallel_loop3A_460 iter_args(%parallel_loop3A_485 = %parallel_loop3A_419) -> (vector<16xf32>)  : i32 {
      %parallel_loop3A_486 = arith.constant 16 : i32
      %parallel_loop3A_487 = arith.muli %parallel_loop3A_484, %parallel_loop3A_486 : i32
      %parallel_loop3A_488 = arith.index_cast %parallel_loop3A_487 : i32 to index
      %parallel_loop3A_489 = tpu.vector_load %arg5[%parallel_loop3A_488] {strides = array<i32>} : memref<10000xf32, #tpu.memory_space<vmem>>, vector<16xf32>,
      %parallel_loop3A_490 = arith.constant 16 : i32
      %parallel_loop3A_491 = arith.muli %parallel_loop3A_484, %parallel_loop3A_490 : i32
      %parallel_loop3A_492 = arith.constant 16 : i32
      %parallel_loop3A_493 = arith.addi %parallel_loop3A_492, %parallel_loop3A_491 : i32
      %parallel_loop3A_494 = arith.index_cast %parallel_loop3A_493 : i32 to index
      %parallel_loop3A_495 = tpu.vector_load %arg7[%parallel_loop3A_494] {strides = array<i32>} : memref<10032xi32, #tpu.memory_space<vmem>>, vector<16xi32>,
      %parallel_loop3A_496 = arith.constant 16 : i32
      %parallel_loop3A_497 = arith.muli %parallel_loop3A_484, %parallel_loop3A_496 : i32
      %parallel_loop3A_498 = arith.constant 16 : i32
      %parallel_loop3A_499 = arith.addi %parallel_loop3A_498, %parallel_loop3A_497 : i32
      %parallel_loop3A_500 = arith.constant 1 : i32
      %parallel_loop3A_501 = arith.addi %parallel_loop3A_499, %parallel_loop3A_500 : i32
      %parallel_loop3A_502 = arith.index_cast %parallel_loop3A_501 : i32 to index
      %parallel_loop3A_503 = tpu.vector_load %arg7[%parallel_loop3A_502] {strides = array<i32>} : memref<10032xi32, #tpu.memory_space<vmem>>, vector<16xi32>,
      %parallel_loop3A_504 = arith.constant 16 : i32
      %parallel_loop3A_505 = arith.muli %parallel_loop3A_484, %parallel_loop3A_504 : i32
      %parallel_loop3A_506 = arith.constant 16 : i32
      %parallel_loop3A_507 = arith.addi %parallel_loop3A_506, %parallel_loop3A_505 : i32
      %parallel_loop3A_508 = arith.constant 1 : i32
      %parallel_loop3A_509 = arith.subi %parallel_loop3A_507, %parallel_loop3A_508 : i32
      %parallel_loop3A_510 = arith.index_cast %parallel_loop3A_509 : i32 to index
      %parallel_loop3A_511 = tpu.vector_load %arg7[%parallel_loop3A_510] {strides = array<i32>} : memref<10032xi32, #tpu.memory_space<vmem>>, vector<16xi32>,
      %parallel_loop3A_512 = arith.constant true
      %parallel_loop3A_513 = vector.broadcast %parallel_loop3A_512 : i1 to vector<16xi1>
      %parallel_loop3A_514 = tpu.scan <sum>, %parallel_loop3A_489 masked %parallel_loop3A_513 : vector<16xf32>, vector<16xi1> -> vector<16xf32>
      %parallel_loop3A_515 = arith.addf %parallel_loop3A_514, %parallel_loop3A_485 : vector<16xf32>
      %parallel_loop3A_516 = arith.cmpi ne, %parallel_loop3A_495, %parallel_loop3A_503 : vector<16xi32>
      %parallel_loop3A_517 = arith.cmpi ne, %parallel_loop3A_495, %parallel_loop3A_511 : vector<16xi32>
      %parallel_loop3A_518 = arith.constant 0.000000e+00 : f32
      %parallel_loop3A_519 = vector.broadcast %parallel_loop3A_518 : f32 to vector<16xf32>
      %parallel_loop3A_520 = arith.select %parallel_loop3A_516, %parallel_loop3A_515, %parallel_loop3A_519 : vector<16xi1>, vector<16xf32>
      %parallel_loop3A_521 = arith.subf %parallel_loop3A_515, %parallel_loop3A_489 : vector<16xf32>
      %parallel_loop3A_522 = arith.constant 0.000000e+00 : f32
      %parallel_loop3A_523 = vector.broadcast %parallel_loop3A_522 : f32 to vector<16xf32>
      %parallel_loop3A_524 = arith.select %parallel_loop3A_517, %parallel_loop3A_521, %parallel_loop3A_523 : vector<16xi1>, vector<16xf32>
      %parallel_loop3A_525 = arith.subf %parallel_loop3A_520, %parallel_loop3A_524 : vector<16xf32>
      %parallel_loop3A_526 = arith.ori %parallel_loop3A_516, %parallel_loop3A_517 : vector<16xi1>
      tpu.vector_store_idx %arg9[%parallel_loop3A_495], %parallel_loop3A_525 masked %parallel_loop3A_526 {add = true} : memref<16384xf32, #tpu.memory_space<vmem>>[vector<16xi32>], vector<16xf32>, vector<16xi1>
      %parallel_loop3A_527 = arith.constant true
      %parallel_loop3A_528 = vector.broadcast %parallel_loop3A_527 : i1 to vector<16xi1>
      %parallel_loop3A_529 = tpu.scan <sum>, %parallel_loop3A_489 masked %parallel_loop3A_528 : vector<16xf32>, vector<16xi1> -> vector<16xf32>
      %parallel_loop3A_530 = vector.extract %parallel_loop3A_529[15] : f32 from vector<16xf32>
      %parallel_loop3A_531 = vector.broadcast %parallel_loop3A_530 : f32 to vector<16xf32>
      %parallel_loop3A_532 = arith.addf %parallel_loop3A_485, %parallel_loop3A_531 : vector<16xf32>
      scf.yield %parallel_loop3A_532 : vector<16xf32>
    } {sc.loop_unroll_factor = 5 : i64, sc.parallel_access}
    %dma_wait3A_462 = tpu.memref_slice %arg2[%add3A_421] : memref<3200000xf32, #tpu.memory_space<hbm>> -> memref<10000xf32, #tpu.memory_space<hbm>>
    %dma_wait3A_463 = tpu.memref_slice %arg2[%add3A_421] : memref<3200000xf32, #tpu.memory_space<hbm>> -> memref<10000xf32, #tpu.memory_space<hbm>>
    tpu.wait_dma2 semaphore(%arg11 : memref<!tpu.dma_semaphore, #tpu.memory_space<semaphore_mem>>) src(%dma_wait3A_463 : memref<10000xf32, #tpu.memory_space<hbm>>) dst(%arg6 : memref<10000xf32, #tpu.memory_space<vmem>>)
    %dma_wait3A_464 = arith.constant 16 : i32
    %dma_wait3A_465 = tpu.memref_slice %arg8[%dma_wait3A_464] : memref<10032xi32, #tpu.memory_space<vmem>> -> memref<10000xi32, #tpu.memory_space<vmem>>
    %dma_wait3A_466 = tpu.memref_slice %arg3[%add3A_421] : memref<3200000xi32, #tpu.memory_space<hbm>> -> memref<10000xi32, #tpu.memory_space<hbm>>
    %dma_wait3A_467 = arith.constant 16 : i32
    %dma_wait3A_468 = tpu.memref_slice %arg8[%dma_wait3A_467] : memref<10032xi32, #tpu.memory_space<vmem>> -> memref<10000xi32, #tpu.memory_space<vmem>>
    %dma_wait3A_469 = tpu.memref_slice %arg3[%add3A_421] : memref<3200000xi32, #tpu.memory_space<hbm>> -> memref<10000xi32, #tpu.memory_space<hbm>>
    tpu.wait_dma2 semaphore(%arg11 : memref<!tpu.dma_semaphore, #tpu.memory_space<semaphore_mem>>) src(%dma_wait3A_469 : memref<10000xi32, #tpu.memory_space<hbm>>) dst(%dma_wait3A_468 : memref<10000xi32, #tpu.memory_space<vmem>>)
    %dma_wait3A_470 = arith.constant 0 : i32
    %dma_wait3A_471 = tpu.memref_slice %arg8[%dma_wait3A_470] : memref<10032xi32, #tpu.memory_space<vmem>> -> memref<16xi32, #tpu.memory_space<vmem>>
    %dma_wait3A_472 = tpu.memref_slice %arg3[%sub3A_431] : memref<3200000xi32, #tpu.memory_space<hbm>> -> memref<16xi32, #tpu.memory_space<hbm>>
    %dma_wait3A_473 = arith.constant 0 : i32
    %dma_wait3A_474 = tpu.memref_slice %arg8[%dma_wait3A_473] : memref<10032xi32, #tpu.memory_space<vmem>> -> memref<16xi32, #tpu.memory_space<vmem>>
    %dma_wait3A_475 = tpu.memref_slice %arg3[%sub3A_431] : memref<3200000xi32, #tpu.memory_space<hbm>> -> memref<16xi32, #tpu.memory_space<hbm>>
    tpu.wait_dma2 semaphore(%arg11 : memref<!tpu.dma_semaphore, #tpu.memory_space<semaphore_mem>>) src(%dma_wait3A_475 : memref<16xi32, #tpu.memory_space<hbm>>) dst(%dma_wait3A_474 : memref<16xi32, #tpu.memory_space<vmem>>)
    %broadcast_in_dim3A_476 = arith.constant -1 : i32
    %broadcast_in_dim3A_477 = vector.broadcast %broadcast_in_dim3A_476 : i32 to vector<16xi32>
    %swap3A_478 = arith.constant 10016 : index
    %swap3A_479 = tpu.vector_load %arg8[%swap3A_478] {strides = array<i32>} : memref<10032xi32, #tpu.memory_space<vmem>>, vector<16xi32>,
    tpu.vector_store %arg8[%swap3A_478], %broadcast_in_dim3A_477 {strides = array<i32>} : memref<10032xi32, #tpu.memory_space<vmem>>, vector<16xi32>,
    %parallel_loop3A_480 = arith.constant 0 : i32
    %parallel_loop3A_481 = arith.constant 625 : i32
    %parallel_loop3A_482 = arith.constant 1 : i32
    %parallel_loop3A_483 = scf.for %parallel_loop3A_484 = %parallel_loop3A_480 to %parallel_loop3A_481 step %parallel_loop3A_482 iter_args(%parallel_loop3A_485 = %parallel_loop3A_461) -> (vector<16xf32>)  : i32 {
      %parallel_loop3A_486 = arith.constant 16 : i32
      %parallel_loop3A_487 = arith.muli %parallel_loop3A_484, %parallel_loop3A_486 : i32
      %parallel_loop3A_488 = arith.index_cast %parallel_loop3A_487 : i32 to index
      %parallel_loop3A_489 = tpu.vector_load %arg6[%parallel_loop3A_488] {strides = array<i32>} : memref<10000xf32, #tpu.memory_space<vmem>>, vector<16xf32>,
      %parallel_loop3A_490 = arith.constant 16 : i32
      %parallel_loop3A_491 = arith.muli %parallel_loop3A_484, %parallel_loop3A_490 : i32
      %parallel_loop3A_492 = arith.constant 16 : i32
      %parallel_loop3A_493 = arith.addi %parallel_loop3A_492, %parallel_loop3A_491 : i32
      %parallel_loop3A_494 = arith.index_cast %parallel_loop3A_493 : i32 to index
      %parallel_loop3A_495 = tpu.vector_load %arg8[%parallel_loop3A_494] {strides = array<i32>} : memref<10032xi32, #tpu.memory_space<vmem>>, vector<16xi32>,
      %parallel_loop3A_496 = arith.constant 16 : i32
      %parallel_loop3A_497 = arith.muli %parallel_loop3A_484, %parallel_loop3A_496 : i32
      %parallel_loop3A_498 = arith.constant 16 : i32
      %parallel_loop3A_499 = arith.addi %parallel_loop3A_498, %parallel_loop3A_497 : i32
      %parallel_loop3A_500 = arith.constant 1 : i32
      %parallel_loop3A_501 = arith.addi %parallel_loop3A_499, %parallel_loop3A_500 : i32
      %parallel_loop3A_502 = arith.index_cast %parallel_loop3A_501 : i32 to index
      %parallel_loop3A_503 = tpu.vector_load %arg8[%parallel_loop3A_502] {strides = array<i32>} : memref<10032xi32, #tpu.memory_space<vmem>>, vector<16xi32>,
      %parallel_loop3A_504 = arith.constant 16 : i32
      %parallel_loop3A_505 = arith.muli %parallel_loop3A_484, %parallel_loop3A_504 : i32
      %parallel_loop3A_506 = arith.constant 16 : i32
      %parallel_loop3A_507 = arith.addi %parallel_loop3A_506, %parallel_loop3A_505 : i32
      %parallel_loop3A_508 = arith.constant 1 : i32
      %parallel_loop3A_509 = arith.subi %parallel_loop3A_507, %parallel_loop3A_508 : i32
      %parallel_loop3A_510 = arith.index_cast %parallel_loop3A_509 : i32 to index
      %parallel_loop3A_511 = tpu.vector_load %arg8[%parallel_loop3A_510] {strides = array<i32>} : memref<10032xi32, #tpu.memory_space<vmem>>, vector<16xi32>,
      %parallel_loop3A_512 = arith.constant true
      %parallel_loop3A_513 = vector.broadcast %parallel_loop3A_512 : i1 to vector<16xi1>
      %parallel_loop3A_514 = tpu.scan <sum>, %parallel_loop3A_489 masked %parallel_loop3A_513 : vector<16xf32>, vector<16xi1> -> vector<16xf32>
      %parallel_loop3A_515 = arith.addf %parallel_loop3A_514, %parallel_loop3A_485 : vector<16xf32>
      %parallel_loop3A_516 = arith.cmpi ne, %parallel_loop3A_495, %parallel_loop3A_503 : vector<16xi32>
      %parallel_loop3A_517 = arith.cmpi ne, %parallel_loop3A_495, %parallel_loop3A_511 : vector<16xi32>
      %parallel_loop3A_518 = arith.constant 0.000000e+00 : f32
      %parallel_loop3A_519 = vector.broadcast %parallel_loop3A_518 : f32 to vector<16xf32>
      %parallel_loop3A_520 = arith.select %parallel_loop3A_516, %parallel_loop3A_515, %parallel_loop3A_519 : vector<16xi1>, vector<16xf32>
      %parallel_loop3A_521 = arith.subf %parallel_loop3A_515, %parallel_loop3A_489 : vector<16xf32>
      %parallel_loop3A_522 = arith.constant 0.000000e+00 : f32
      %parallel_loop3A_523 = vector.broadcast %parallel_loop3A_522 : f32 to vector<16xf32>
      %parallel_loop3A_524 = arith.select %parallel_loop3A_517, %parallel_loop3A_521, %parallel_loop3A_523 : vector<16xi1>, vector<16xf32>
      %parallel_loop3A_525 = arith.subf %parallel_loop3A_520, %parallel_loop3A_524 : vector<16xf32>
      %parallel_loop3A_526 = arith.ori %parallel_loop3A_516, %parallel_loop3A_517 : vector<16xi1>
      tpu.vector_store_idx %arg9[%parallel_loop3A_495], %parallel_loop3A_525 masked %parallel_loop3A_526 {add = true} : memref<16384xf32, #tpu.memory_space<vmem>>[vector<16xi32>], vector<16xf32>, vector<16xi1>
      %parallel_loop3A_527 = arith.constant true
      %parallel_loop3A_528 = vector.broadcast %parallel_loop3A_527 : i1 to vector<16xi1>
      %parallel_loop3A_529 = tpu.scan <sum>, %parallel_loop3A_489 masked %parallel_loop3A_528 : vector<16xf32>, vector<16xi1> -> vector<16xf32>
      %parallel_loop3A_530 = vector.extract %parallel_loop3A_529[15] : f32 from vector<16xf32>
      %parallel_loop3A_531 = vector.broadcast %parallel_loop3A_530 : f32 to vector<16xf32>
      %parallel_loop3A_532 = arith.addf %parallel_loop3A_485, %parallel_loop3A_531 : vector<16xf32>
      scf.yield %parallel_loop3A_532 : vector<16xf32>
    } {sc.loop_unroll_factor = 5 : i64, sc.parallel_access}
    "tpu.region"() ({
      %run_scoped3A = tpu.sem_alloc : memref<!tpu.dma_semaphore, #tpu.memory_space<semaphore_mem>>
      %dma_start3A_484 = arith.constant 0 : i32
      %dma_start3A_485 = tpu.memref_slice %arg4[%add3A, %dma_start3A_484] : memref<32x16384xf32, #tpu.memory_space<hbm>> -> memref<1x16384xf32, #tpu.memory_space<hbm>>
      %dma_start3A_486 = tpu.memref_squeeze %dma_start3A_485 : memref<1x16384xf32, #tpu.memory_space<hbm>> -> memref<16384xf32, #tpu.memory_space<hbm>>
      %dma_start3A_487 = arith.constant 0 : i32
      %dma_start3A_488 = tpu.memref_slice %arg4[%add3A, %dma_start3A_487] : memref<32x16384xf32, #tpu.memory_space<hbm>> -> memref<1x16384xf32, #tpu.memory_space<hbm>>
      %dma_start3A_489 = tpu.memref_squeeze %dma_start3A_488 : memref<1x16384xf32, #tpu.memory_space<hbm>> -> memref<16384xf32, #tpu.memory_space<hbm>>
      tpu.enqueue_dma source(%arg9 : memref<16384xf32, #tpu.memory_space<vmem>>) target(%dma_start3A_489 : memref<16384xf32, #tpu.memory_space<hbm>>) target_semaphore(%run_scoped3A : memref<!tpu.dma_semaphore, #tpu.memory_space<semaphore_mem>>)
      %dma_wait3A_490 = arith.constant 0 : i32
      %dma_wait3A_491 = tpu.memref_slice %arg4[%add3A, %dma_wait3A_490] : memref<32x16384xf32, #tpu.memory_space<hbm>> -> memref<1x16384xf32, #tpu.memory_space<hbm>>
      %dma_wait3A_492 = tpu.memref_squeeze %dma_wait3A_491 : memref<1x16384xf32, #tpu.memory_space<hbm>> -> memref<16384xf32, #tpu.memory_space<hbm>>
      %dma_wait3A_493 = arith.constant 0 : i32
      %dma_wait3A_494 = tpu.memref_slice %arg4[%add3A, %dma_wait3A_493] : memref<32x16384xf32, #tpu.memory_space<hbm>> -> memref<1x16384xf32, #tpu.memory_space<hbm>>
      %dma_wait3A_495 = tpu.memref_squeeze %dma_wait3A_494 : memref<1x16384xf32, #tpu.memory_space<hbm>> -> memref<16384xf32, #tpu.memory_space<hbm>>
      tpu.wait_dma2 semaphore(%run_scoped3A : memref<!tpu.dma_semaphore, #tpu.memory_space<semaphore_mem>>) src(%arg9 : memref<16384xf32, #tpu.memory_space<vmem>>) dst(%dma_wait3A_495 : memref<16384xf32, #tpu.memory_space<hbm>>)
      tpu.yield
    }) : () -> ()
    return
  }
}

module attributes {stable_mosaic.version = 14 : i64} {
  func.func @_combine_body(%arg0: memref<32x16384xf32, #tpu.memory_space<vmem>>, %arg1: memref<16384xf32, #tpu.memory_space<vmem>>) attributes {dimension_semantics = [], scalar_prefetch = 0 : i64, scratch_operands = 0 : i64, tpu.core_type = #tpu.core_type<tc>} {
    %get3A = arith.constant 0 : index
    %get3A_0 = arith.constant 0 : index
    %get3A_1 = vector.load %arg0[%get3A, %get3A_0] : memref<32x16384xf32, #tpu.memory_space<vmem>>, vector<32x16384xf32>
    %reduce_sum3A = arith.constant dense<0.000000e+00> : vector<16384xf32>
    %reduce_sum3A_2 = vector.multi_reduction <add>, %get3A_1, %reduce_sum3A [0] : vector<32x16384xf32> to vector<16384xf32>
    %swap3A = arith.constant 0 : index
    %swap3A_3 = vector.load %arg1[%swap3A] : memref<16384xf32, #tpu.memory_space<vmem>>, vector<16384xf32>
    tpu.vector_store %arg1[%swap3A], %reduce_sum3A_2 {strides = array<i32>} : memref<16384xf32, #tpu.memory_space<vmem>>, vector<16384xf32>,
    return
  }
}

module attributes {stable_mosaic.version = 14 : i64} {
  func.func @_add_body(%arg0: i32, %arg1: memref<1000x128xf32, #tpu.memory_space<vmem>>, %arg2: memref<1000x128xf32, #tpu.memory_space<vmem>>, %arg3: memref<1000x128xf32, #tpu.memory_space<vmem>>) attributes {dimension_semantics = [#tpu.dimension_semantics<arbitrary>], iteration_bounds = array<i64: 25>, scalar_prefetch = 0 : i64, scratch_operands = 0 : i64, tpu.core_type = #tpu.core_type<tc>, window_params = [{transform_indices = @transform_0, window_bounds = array<i64: 1000, 128>}, {transform_indices = @transform_1, window_bounds = array<i64: 1000, 128>}, {transform_indices = @transform_2, window_bounds = array<i64: 1000, 128>}]} {
    %get3A = arith.constant 0 : index
    %get3A_0 = arith.constant 0 : index
    %get3A_1 = vector.load %arg1[%get3A, %get3A_0] : memref<1000x128xf32, #tpu.memory_space<vmem>>, vector<1000x128xf32>
    %get3A_2 = arith.constant 0 : index
    %get3A_3 = arith.constant 0 : index
    %get3A_4 = vector.load %arg2[%get3A_2, %get3A_3] : memref<1000x128xf32, #tpu.memory_space<vmem>>, vector<1000x128xf32>
    %add3A = arith.addf %get3A_1, %get3A_4 : vector<1000x128xf32>
    %swap3A = arith.constant 0 : index
    %swap3A_5 = arith.constant 0 : index
    %swap3A_6 = vector.load %arg3[%swap3A, %swap3A_5] : memref<1000x128xf32, #tpu.memory_space<vmem>>, vector<1000x128xf32>
    tpu.vector_store %arg3[%swap3A, %swap3A_5], %add3A {strides = array<i32>} : memref<1000x128xf32, #tpu.memory_space<vmem>>, vector<1000x128xf32>,
    return
  }
  func.func @transform_0(%arg0: i32) -> (i32, i32) {
    %c0_i32 = arith.constant 0 : i32
    %c0_i32_0 = arith.constant 0 : i32
    return %arg0, %c0_i32 : i32, i32
  }
  func.func @transform_1(%arg0: i32) -> (i32, i32) {
    %c0_i32 = arith.constant 0 : i32
    %c0_i32_0 = arith.constant 0 : i32
    return %arg0, %c0_i32 : i32, i32
  }
  func.func @transform_2(%arg0: i32) -> (i32, i32) {
    %c0_i32 = arith.constant 0 : i32
    %c0_i32_0 = arith.constant 0 : i32
    return %arg0, %c0_i32 : i32, i32
  }
}

</mosaic_0001>

<sc_bundles>
// kernel: kernel.5.cloned.1.call-start
scs
__scs_entry_jumppad:
0x0: {  	(pc) =	sbr.rel $0x88, $3  }
0x1: {  	(tag) =	ssettag $0x0;
	lr =	simm.s32 $0x1  }
0x2: {  	[smem:$0x3F9E] =	sst lr;
	_ =	strace $0xD0000000  }
0x3: {  	_ = 	snop  }
0x4: {  	_ = 	snop  }
0x5: {  	_ = 	snop  }
0x6: {  	_ = 	snop  }
0x7: {  	_ = 	snop  }
__scs_overlays_trampoline_lowered:
0x8: {  	[smem:$0x3FAD] =	sst s0  }
0x9: {  	[smem:$0x3FAE] =	sst s1  }
0xa: {  	[smem:$0x3FAF] =	sst s2  }
0xb: {  	[smem:$0x3FB0] =	sst s3  }
0xc: {  	[smem:$0x3FB1] =	sst s4  }
0xd: {  	[smem:$0x3FB2] =	sst s5  }
0xe: {  	[smem:$0x3FB3] =	sst s6  }
0xf: {  	[smem:$0x3FB4] =	sst s7  }
0x10: {  	[smem:$0x3FB5] =	sst s8  }
0x11: {  	[smem:$0x3FB6] =	sst s9;
	s0 =	simm.s32 @!p0 $0x0  }
0x12: {  	s1 =	sld [smem:$0x3F9C];
	s0 =	simm.s32 @p0 $0x1  }
0x13: {  	[smem:$0x3FB7] =	sst s0;
	s0 =	simm.s32 @!p1 $0x0  }
0x14: {  	s2 =	sld [smem:$0x3F9B];
	s0 =	simm.s32 @p1 $0x1  }
0x15: {  	[smem:$0x3FB8] =	sst s0;
	s0 =	simm.s32 @!p2 $0x0  }
0x16: {  	s3 =	sld [smem:$0x3FDB];
	s0 =	simm.s32 @p2 $0x1  }
0x17: {  	s4 =	simm.s32 $0x1BF5;
	[smem:$0x3FBA] =	sst s0  }
0x18: {  	s0 =	sld [smem:$0x3F9D];
	_ =	swait.ge [sflag:s4], $0x0  }
0x19: {  	s7 =	sld [smem:$0x3F9E]  }
0x1a: {  	s8 =	sadd.s32 $0xFFFFE003, lr  }
0x1b: {  	s9 =	sadd.s32 $0xFFFFFEF7, lr;
	s5 =	simm.s32 $0xFFFFFFFF;
	p2 =	slt.u32 s8, $0xFFFFF086  }
0x1c: {  	p1 =	slt.u32 s9, $0xF7A;
	s5 =	simm.s32 @!p2 $0x0  }
0x1d: {  	s5 =	simm.s32 @p1 $0x1;
	p0 =	seq.s32 s7, s2  }
0x1e: {  	s7 =	smul.u32 @!p0 $0xF7A, s2;
	p2 =	seq.s32 @!p0 s5, $0x0  }
0x1f: {  	s9 =	smul.u32 $0xF7A, s1;
	s8 =	simm.s32 @!p0 $0x1BF5;
	p2 =	por !p2, p0  }
0x20: {  	[sflag:s8] =	ssyncset.s32 @!p0 $0xFFFFF086;
	s6 =	sadd.s32 @!p0 s3, s7;
	s7 =	simm.s32 @!p0 $0x108  }
0x21: {  	s3 =	sadd.s32 s3, s9;
	s6 =	sadd.s32 @!p0 $0x88, s6;
	s7 =	simm.s32 @p2 $0x1082  }
0x22: {  	[simem:s7], [sflag:s8] =	dma.local @!p0 [hbm:s6], $0xF7A  }
0x23: {  	s9 =	sor.u32 $0xD0000000, s2;
	s6 =	simm.s32 $0x108;
	_ =	swait.ge @!p0 [sflag:s8], $0x0  }
0x24: {  	s3 =	sadd.s32 $0x88, s3;
	s6 =	simm.s32 @!p1 $0x1082;
	[sflag:s4] =	ssyncset.s32 $0xFFFFF086  }
0x25: {  	[simem:s6], [sflag:s4] =	dma.local [hbm:s3], $0xF7A  }
0x26: {  	[smem:$0x3F9E] =	sst s1;
	(tag) =	ssettag s2;
	_ =	strace s9  }
0x27: {  	s1 =	sld [smem:$0x3FAE]  }
0x28: {  	s2 =	sld [smem:$0x3FAF]  }
0x29: {  	s4 =	sld [smem:$0x3FB1]  }
0x2a: {  	p0 =	seq.s32 s5, $0x0;
	s5 =	sld [smem:$0x3FB2]  }
0x2b: {  	s6 =	sld [smem:$0x3FB3]  }
0x2c: {  	s7 =	sld [smem:$0x3FB4]  }
0x2d: {  	s3 =	simm.s32 $0x108;
	s8 =	sld [smem:$0x3FB5]  }
0x2e: {  	s3 =	simm.s32 @!p0 $0x1082;
	s9 =	sld [smem:$0x3FB6]  }
0x2f: {  	lr =	sadd.s32 s0, s3;
	s0 =	sld [smem:$0x3FAD]  }
0x30: {  	s3 =	sld [smem:$0x3FB0]  }
0x31: {  	[smem:$0x3FB9] =	sst s10  }
0x32: {  	s10 =	sld [smem:$0x3FB7];
	_ =	sdelay $0x3  }
0x33: {  	p0 =	seq.s32 s10, $0x1;
	s10 =	sld [smem:$0x3FB9];
	_ =	sdelay $0x3  }
0x34: {  	[smem:$0x3FB9] =	sst s10  }
0x35: {  	s10 =	sld [smem:$0x3FB8];
	_ =	sdelay $0x3  }
0x36: {  	p1 =	seq.s32 s10, $0x1;
	s10 =	sld [smem:$0x3FB9];
	_ =	sdelay $0x3  }
0x37: {  	[smem:$0x3FB9] =	sst s10  }
0x38: {  	s10 =	sld [smem:$0x3FBA]  }
0x39: {  	_ = 	snop;
	(pc) =	sbr.ind lr, $3  }
0x3a: {  	_ = 	snop  }
0x3b: {  	_ = 	snop  }
0x3c: {  	p2 =	seq.s32 s10, $0x1;
	s10 =	sld [smem:$0x3FB9]  }
0x3d: {  	_ =	shalt  }
0x3e: {  	_ =	shalt  }
0x3f: {  	_ =	shalt  }
0x40: {  	_ =	shalt  }
0x41: {  	_ =	shalt  }
0x42: {  	_ =	shalt  }
0x43: {  	_ =	shalt  }
0x44: {  	_ =	shalt  }
0x45: {  	_ =	shalt  }
0x46: {  	_ =	shalt  }
0x47: {  	_ =	shalt  }
0x48: {  	_ =	shalt  }
0x49: {  	_ =	shalt  }
0x4a: {  	_ =	shalt  }
0x4b: {  	_ =	shalt  }
0x4c: {  	_ =	shalt  }
0x4d: {  	_ =	shalt  }
0x4e: {  	_ =	shalt  }
0x4f: {  	_ =	shalt  }
0x50: {  	_ =	shalt  }
0x51: {  	_ =	shalt  }
0x52: {  	_ =	shalt  }
0x53: {  	_ =	shalt  }
0x54: {  	_ =	shalt  }
0x55: {  	_ =	shalt  }
0x56: {  	_ =	shalt  }
0x57: {  	_ =	shalt  }
0x58: {  	_ =	shalt  }
0x59: {  	_ =	shalt  }
0x5a: {  	_ =	shalt  }
0x5b: {  	_ =	shalt  }
0x5c: {  	_ =	shalt  }
0x5d: {  	_ =	shalt  }
0x5e: {  	_ =	shalt  }
0x5f: {  	_ =	shalt  }
0x60: {  	_ =	shalt  }
0x61: {  	_ =	shalt  }
0x62: {  	_ =	shalt  }
0x63: {  	_ =	shalt  }
0x64: {  	_ =	shalt  }
0x65: {  	_ =	shalt  }
0x66: {  	_ =	shalt  }
0x67: {  	_ =	shalt  }
0x68: {  	_ =	shalt  }
0x69: {  	_ =	shalt  }
0x6a: {  	_ =	shalt  }
0x6b: {  	_ =	shalt  }
0x6c: {  	_ =	shalt  }
0x6d: {  	_ =	shalt  }
0x6e: {  	_ =	shalt  }
0x6f: {  	_ =	shalt  }
0x70: {  	_ =	shalt  }
0x71: {  	_ =	shalt  }
0x72: {  	_ =	shalt  }
0x73: {  	_ =	shalt  }
0x74: {  	_ =	shalt  }
0x75: {  	_ =	shalt  }
0x76: {  	_ =	shalt  }
0x77: {  	_ =	shalt  }
0x78: {  	_ =	shalt  }
0x79: {  	_ =	shalt  }
0x7a: {  	_ =	shalt  }
0x7b: {  	_ =	shalt  }
0x7c: {  	_ =	shalt  }
0x7d: {  	_ =	shalt  }
0x7e: {  	_ =	shalt  }
0x7f: {  	_ =	shalt  }
0x80: {  	_ =	shalt  }
0x81: {  	_ =	shalt  }
0x82: {  	_ =	shalt  }
0x83: {  	_ =	shalt  }
0x84: {  	_ =	shalt  }
0x85: {  	_ =	shalt  }
0x86: {  	_ =	shalt  }
0x87: {  	_ =	shalt  }
.Lfunc_end0:
.L_simem_size_0:
called_computation_lowered:
.L_overlay_start_0:
0x88: {  	s2 =	sld [smem:$0x3FD9]  }
0x89: {  	s3 =	sld [smem:$0x3FFE];
	_ =	sdelay $0x1  }
0x8a: {  	s1 =	srdreg.scid  }
0x8b: {  	s0 =	sand.u32 $0x1, s1  }
0x8c: {  	s17 =	sshll.u32 s0, $0xA;
	s2 =	sadd.s32 s3, s2  }
0x8d: {  	s2 =	sadd.s32 s2, s17  }
0x8e: {  	[smem:$0x3FC5] =	sst s2  }
0x8f: {  	_ = 	snop  }
0x90: {  	s2 =	sld [smem:$0x3FC9]  }
0x91: {  	s18 =	sld [smem:$0x3FC7];
	(tm) =	ssettm $0x1  }
0x92: {  	s4 =	sld [smem:$0x3FFB];
	_ =	sdelay $0x3  }
0x93: {  	_ =	strace s4  }
0x94: {  	s4 =	sld [smem:$0x3FFC];
	_ =	sdelay $0x3  }
0x95: {  	_ =	strace s4  }
0x96: {  	s4 =	sld [smem:$0x3FFD];
	_ =	sdelay $0x3  }
0x97: {  	_ =	strace s4  }
0x98: {  	_ =	strace $0x8FFFFFFF  }
0x99: {  	s19 =	sld [smem:$0x3FDB];
	_ =	sdelay $0x1  }
0x9a: {  	s5 =	simm.s32 $_scs_section_size  }
0x9b: {  	s6 =	simm.s32 $_size__tile_overlayer_lowered;
	s7 =	simm.s32 $_tile_overlayer_lowered  }
0x9c: {  	s22 =	simm.s32 $0x1BFF;
	s21 =	sshll.u32 s7, $0x1;
	s4 =	sadd.s32 s5, s19  }
0x9d: {  	s8 =	simm.s32 $0x0;
	s20 =	sshll.u32 s6, $0x1;
	s6 =	sadd.s32 s21, s4  }
0x9e: {  	[timem:s8], [sflag:s22] =	dma.local [hbm:s6], s20  }
0x9f: {  	_ =	swait.ge [sflag:s22], s20  }
0xa0: {  	s5 =	ssub.s32 $0x0, s20;
	[sflag:s22] =	ssyncset.done $0x0  }
0xa1: {  	[sflag:s22] =	ssyncadd.s32 s5;
	_ =	sdelay $0x1  }
0xa2: {  	s23 =	simm.s32 $0x1B8B  }
0xa3: {  	_ =	swait.ge [sflag:s23], $0x1  }
0xa4: {  	[sflag:s23] =	ssyncset.done $0x0  }
0xa5: {  	s25 =	simm.s32 $0x1B8E;
	s24 =	sld [smem:$0x3FFE];
	[sflag:s23] =	ssyncadd.s32 $0xFFFFFFFF  }
0xa6: {  	s26 =	simm.s32 $execute0_lowered;
	[smem:$0x3FD2] =	sst s25  }
0xa7: {  	s6 =	sshll.u32 s26, $0x1;
	_ =	strace $0x80000046;
	[dreg:$0x1] =	wrdreg $0xFFFFFFFF  }
0xa8: {  	s28 =	simm.s32 $_size_execute0_lowered;
	s4 =	sadd.s32 s4, s6;
	[dreg:$0x0] =	wrdreg $0x0  }
0xa9: {  	s6 =	sshll.u32 s28, $0x1;
	[dreg:$0x2] =	wrdreg s4  }
0xaa: {  	[dreg:$0x3] =	wrdreg s6  }
0xab: {  	[dreg:$0x4] =	wrdreg $0xC0  }
0xac: {  	_ =	task [dreg:s8], $0x5FFFF  }
0xad: {  	[dreg:$0x1] =	wrdreg $0xFFFFFFFF  }
0xae: {  	[dreg:$0x0] =	wrdreg $0x60  }
0xaf: {  	[dreg:$0x2] =	wrdreg s2  }
0xb0: {  	[dreg:$0x3] =	wrdreg s18  }
0xb1: {  	[dreg:$0x4] =	wrdreg s24  }
0xb2: {  	[dreg:$0x5] =	wrdreg $0x9  }
0xb3: {  	_ =	task.clear_ibuf [dreg:s8], $0x6FFFF;
	_ =	strace $0x90000046  }
0xb4: {  	s29 =	simm.s32 $0x9;
	_ =	strace $0x80000048  }
0xb5: {  	_ =	swait.ge [sflag:s29], $0x1  }
0xb6: {  	[sflag:s29] =	ssyncadd.s32 $0xFFFFFFFF  }
0xb7: {  	_ =	strace $0x90000048  }
0xb8: {  	_ =	sfence  }
0xb9: {  	s30 =	sld [smem:$0x0];
	_ =	sdelay $0x2  }
0xba: {  	s31 =	sshll.u32 s1, $0xD;
	s1 =	sshrl.u32 s1, $0x2  }
0xbb: {  	s3 =	sand.u32 $0x4000, s31;
	s1 =	sadd.s32 s1, s30  }
0xbc: {  	s0 =	sor.u32 s3, s0;
	s1 =	sshll.u32 s1, $0x11  }
0xbd: {  	s0 =	sor.u32 s1, s0  }
0xbe: {  	s0 =	sadd.s32 $0x8F2B, s0  }
0xbf: {  	[sflag:s0] =	ssyncadd.remote.s32 $0x1  }
0xc0: {  	_ =	sfence.sel $0xFFFF  }
0xc1: {  	[dreg:$0x0] =	wrdreg $0xFFFFFFFF;
	(pc) =	sbr.abs _section_cstart, $3  }
0xc2: {  	[dreg:$0x1] =	wrdreg $0xFFFFFFFF  }
0xc3: {  	_ =	task.clear_ibuf [dreg:s8], $0x2FFFF;
	_ =	strace $0x9FFFFFFF  }
0xc4: {  	(tm) =	ssettm $0x7FFFFFFF  }
0xc5: {  	_ =	shalt  }
tec
execute0_lowered:
.L_overlay_start_1:
0x0: {  	(tag) =	ssettag $0x1  }
0x1: {  	s0 =	rddreg [dreg:$0x0]  }
0x2: {  	s6 =	stileid.u32;
	s1 =	srdreg.scid  }
0x3: {  	s2 =	rddreg [dreg:$0x1];
	s1 =	sand.u32 $0x1, s1;
	s3 =	sshll.u32 s6, $0x1  }
0x4: {  	s4 =	rddreg [dreg:$0x2];
	s13 =	sshll.u32 s6, $0xC;
	s5 =	sor.u32 s1, s3  }
0x5: {  	s1 =	ssub.s32 $0x2, s1;
	s3 =	sand.u32 $0xC000, s13;
	s13 =	simm.s32 $0x9DA0  }
0x6: {  	s14 =	smul.u32 $0x186A0, s5;
	s7 =	sshrl.u32 s1, $0x1;
	s9 =	sadd.s32 s3, s4  }
0x7: {  	s22 =	sshll.u32 s5, $0x4;
	s5 =	simm.s32 $0x4F10;
	s1 =	ssub.s32 s1, s7  }
0x8: {  	s23 =	sand.u32 $0x70, s22;
	s22 =	simm.s32 $0x4F00;
	s15 =	sshrl.u32 s14, $0x3  }
0x9: {  	s25 =	smax.u32 s1, $0x1;
	s17 =	sadd.s32 s0, s15;
	s3 =	sadd.s32 s2, s15  }
0xa: {  	s6 =	sadd.s32 $0x4E2, s15;
	s8 =	sadd.s32 $0x9C4, s15;
	s10 =	sadd.s32 $0xEA6, s15  }
0xb: {  	s11 =	sadd.s32 $0x1388, s15;
	s18 =	sadd.s32 $0x186A, s15;
	s19 =	sadd.s32 $0x1D4C, s15  }
0xc: {  	s20 =	sadd.s32 $0x222E, s15;
	s21 =	sadd.s32 $0x2710, s15;
	s7 =	sadd.s32 $0x2BF2, s15  }
0xd: {  	s15 =	simm.s32 $0x7680;
	[dreg:$0x4] =	wrdreg s17;
	s4 =	sadd.s32 s2, s6  }
0xe: {  	s6 =	sadd.s32 s0, s6;
	s12 =	sadd.s32 s2, s18;
	s14 =	sadd.s32 s2, s19  }
0xf: {  	s16 =	sadd.s32 s2, s20;
	s24 =	sadd.s32 $0x4E0, s3;
	s26 =	sadd.s32 $0x9C2, s3  }
0x10: {  	[dreg:$0x5] =	wrdreg s6;
	s6 =	sadd.s32 s2, s8;
	s8 =	sadd.s32 s0, s8  }
0x11: {  	[dreg:$0x6] =	wrdreg s8;
	s8 =	sadd.s32 s2, s10;
	s10 =	sadd.s32 s0, s10  }
0x12: {  	[dreg:$0x7] =	wrdreg s10;
	s10 =	sadd.s32 s2, s11;
	s11 =	sadd.s32 s0, s11  }
0x13: {  	s28 =	sadd.s32 $0xEA4, s3;
	[dreg:$0x8] =	wrdreg s11;
	s11 =	sadd.s32 s0, s18  }
0x14: {  	s29 =	sadd.s32 $0x1386, s3;
	[dreg:$0x9] =	wrdreg s11;
	s11 =	sadd.s32 s0, s19  }
0x15: {  	s30 =	sadd.s32 $0x1868, s3;
	[dreg:$0xa] =	wrdreg s11;
	s11 =	sadd.s32 s0, s20  }
0x16: {  	s31 =	sadd.s32 $0x1D4A, s3;
	[dreg:$0xb] =	wrdreg s11;
	s11 =	sadd.s32 s0, s21  }
0x17: {  	s1 =	sadd.s32 $0x222C, s3;
	s0 =	sadd.s32 s0, s7;
	[dreg:$0xc] =	wrdreg s11  }
0x18: {  	s18 =	sadd.s32 s2, s21;
	s21 =	simm.s32 $0x0;
	[dreg:$0xd] =	wrdreg s0  }
0x19: {  	s17 =	simm.s32 $0x1;
	s19 =	simm.s32 $0x9E00;
	[smem:$0x7FF] =	sst s21  }
0x1a: {  	s20 =	sadd.s32 s2, s7;
	_ =	strace $0x80000047;
	[dreg:$0xe] =	wrdreg s24  }
0x1b: {  	s2 =	sadd.s32 $0x2BF0, s3;
	s7 =	simm.s32 $0x7620;
	[dreg:$0x10] =	wrdreg s25  }
0x1c: {  	s0 =	sadd.s32 s23, s9;
	s9 =	simm.s32 $0x2780;
	[dreg:$0x11] =	wrdreg s26  }
0x1d: {  	s11 =	simm.s32 $0x7690;
	s23 =	simm.s32 $0x2;
	[dreg:$0x12] =	wrdreg s28  }
0x1e: {  	s0 =	sadd.s32 $0x800, s0;
	[dreg:$0x13] =	wrdreg s29;
	s24 =	simm.s32 $0x3  }
0x1f: {  	v0 =	vimm.f32 $0.0e+00;
	v1 =	vimm.s32 $0xFFFFFFFE;
	v2 =	vimm.s32 $0xFFFFFFFF;
	s25 =	simm.s32 $0x0;
	[dreg:$0xf] =	wrdreg s0;
	s0 =	sadd.s32 $0x270E, s3  }
.LBB2_1:
0x20: {  	s26 =	simm.s32 $0x0;
	s28 =	simm.s32 $0x400  }
.LBB2_2:
0x21: {  	p0 =	sne.s32 s28, $0xFC00;
	[tilespmem:s26+$0x9EF0] =	vst v0  }
0x22: {  	[tilespmem:s26+$0x9E00] =	vst v0  }
0x23: {  	[tilespmem:s26+$0x9E10] =	vst v0  }
0x24: {  	[tilespmem:s26+$0x9E20] =	vst v0  }
0x25: {  	[tilespmem:s26+$0x9E30] =	vst v0  }
0x26: {  	[tilespmem:s26+$0x9E40] =	vst v0  }
0x27: {  	[tilespmem:s26+$0x9E50] =	vst v0  }
0x28: {  	[tilespmem:s26+$0x9E60] =	vst v0  }
0x29: {  	[tilespmem:s26+$0x9E70] =	vst v0  }
0x2a: {  	[tilespmem:s26+$0x9E80] =	vst v0  }
0x2b: {  	[tilespmem:s26+$0x9E90] =	vst v0  }
.Ltmp0:
0x2c: {  	[tilespmem:s26+$0x9EA0] =	vst v0;
	(pc) =	sbr.rel @p0 .LBB2_2-.Ltmp0, $4  }
0x2d: {  	[tilespmem:s26+$0x9EB0] =	vst v0  }
0x2e: {  	[tilespmem:s26+$0x9EC0] =	vst v0  }
0x2f: {  	[tilespmem:s26+$0x9ED0] =	vst v0  }
0x30: {  	[tilespmem:s26+$0x9EE0] =	vst v0;
	s26 =	sshra.s32 s28, $0x2;
	s28 =	sadd.s32 $0x400, s28  }
0x31: {  	[tilespmem:s26+$0x9EF0] =	vst v0  }
0x32: {  	[tilespmem:s26+$0x9E00] =	vst v0  }
0x33: {  	[tilespmem:s26+$0x9E10] =	vst v0  }
0x34: {  	[tilespmem:s26+$0x9E20] =	vst v0  }
0x35: {  	[tilespmem:s26+$0x9E30] =	vst v0  }
0x36: {  	[tilespmem:s26+$0x9E40] =	vst v0  }
0x37: {  	[tilespmem:s26+$0x9E50] =	vst v0  }
0x38: {  	[tilespmem:s26+$0x9E60] =	vst v0  }
0x39: {  	[tilespmem:s26+$0x9E70] =	vst v0  }
0x3a: {  	[tilespmem:s26+$0x9E80] =	vst v0  }
0x3b: {  	[tilespmem:s26+$0x9E90] =	vst v0  }
0x3c: {  	[tilespmem:s26+$0x9EA0] =	vst v0  }
0x3d: {  	[tilespmem:s26+$0x9EB0] =	vst v0  }
0x3e: {  	[tilespmem:s26+$0x9EC0] =	vst v0  }
0x3f: {  	[tilespmem:s26+$0x9ED0] =	vst v0  }
0x40: {  	[tilespmem:s26+$0x9EE0] =	vst v0;
	s26 =	rddreg [dreg:$0x4]  }
0x41: {  	[tilespmem:s21], [sflag:$0x1] =	stream.linear.gather [hbm4b:s26+s21], $0x2710, $0x38;
	[tilespmem:$0xDE00] =	vst v63  }
0x42: {  	_ = 	snop  }
0x43: {  	[tilespmem:s5], [sflag:$0x1] =	stream.linear.gather [hbm4b:s3+s21], $0x2710, $0x38;
	[tilespmem:$0xDE00] =	vst v63  }
0x44: {  	_ = 	snop  }
0x45: {  	[tilespmem:s7], [sflag:$0x1] =	stream.linear.gather [hbm4b:s4+s21], $0x10, $0x38;
	[tilespmem:$0xDE00] =	vst v63  }
0x46: {  	s26 =	rddreg [dreg:$0x5]  }
0x47: {  	[tilespmem:s9], [sflag:$0x2] =	stream.linear.gather [hbm4b:s26+s21], $0x2710, $0x38;
	[tilespmem:$0xDE00] =	vst v63  }
0x48: {  	_ = 	snop  }
0x49: {  	[tilespmem:s11], [sflag:$0x2] =	stream.linear.gather [hbm4b:s4+s21], $0x2710, $0x38;
	[tilespmem:$0xDE00] =	vst v63  }
0x4a: {  	_ = 	snop  }
0x4b: {  	[tilespmem:s13], [sflag:$0x2] =	stream.linear.gather [hbm4b:s6+s21], $0x10, $0x38;
	[tilespmem:$0xDE00] =	vst v63  }
0x4c: {  	s26 =	rddreg [dreg:$0xe]  }
0x4d: {  	[tilespmem:s15], [sflag:$0x2] =	stream.linear.gather [hbm4b:s26+s21], $0x10, $0x38;
	[tilespmem:$0xDE00] =	vst v63  }
0x4e: {  	_ =	swait.ge [sflag:s17], $0x2710  }
0x4f: {  	[sflag:s17] =	ssyncset.done $0x0  }
0x50: {  	[sflag:s17] =	ssyncadd.s32 $0xFFFFD8F0  }
0x51: {  	_ =	swait.ge [sflag:s17], $0x2710  }
0x52: {  	[sflag:s17] =	ssyncset.done $0x0  }
0x53: {  	[sflag:s17] =	ssyncadd.s32 $0xFFFFD8F0  }
0x54: {  	_ =	swait.ge [sflag:s17], $0x10  }
0x55: {  	[sflag:s17] =	ssyncset.done $0x0  }
0x56: {  	[sflag:s17] =	ssyncadd.s32 $0xFFFFFFF0  }
0x57: {  	s29 =	simm.s32 $0x4F2F;
	[tilespmem:$0x4F00] =	vst v1  }
0x58: {  	s26 =	simm.s32 $0x20;
	v6 =	vld [tilespmem:s29+$0xFFFFFFE1]  }
0x59: {  	v8 =	vld [tilespmem:s26+$0x10]  }
0x5a: {  	v12 =	vld [tilespmem:s29+$0xFFFFFFE2]  }
0x5b: {  	v13 =	vld [tilespmem:s29+$0xFFFFFFE0]  }
0x5c: {  	v10 =	vld [tilespmem:s26+$0xFFFFFFF0]  }
0x5d: {  	v3 =	vld [tilespmem:s29+$0xFFFFFFF1]  }
0x5e: {  	v14 =	vld [tilespmem:s29+$0xFFFFFFF2];
	(xrf2) =	vadd.scan.msk.f32 $0xffff, v8  }
0x5f: {  	v16 =	vld [tilespmem:s26+$0xFFFFFFE0]  }
0x60: {  	v15 =	vld [tilespmem:s29+$0xFFFFFFF0]  }
0x61: {  	v5 =	vld [tilespmem:s29+$0x1];
	(xrf2) =	vadd.scan.msk.f32 $0xffff, v10  }
0x62: {  	v18 =	vld [tilespmem:s29+$0x2]  }
0x63: {  	v11 =	vld [tilespmem:s26+$0x0]  }
0x64: {  	v19 =	vld [tilespmem:s29+$0x0];
	(xrf2) =	vadd.scan.msk.f32 $0xffff, v16  }
0x65: {  	v4 =	vld [tilespmem:s29+$0x11]  }
0x66: {  	v22 =	vld [tilespmem:s29+$0x12]  }
0x67: {  	v9 =	vld [tilespmem:s26+$0x20]  }
0x68: {  	v21 =	vld [tilespmem:s29+$0x10];
	v17, _, _ =	vpop (xrf2);
	(xrf2) =	vadd.scan.msk.f32 $0xffff, v11  }
0x69: {  	v7 =	vld [tilespmem:s29+$0x21]  }
0x6a: {  	v24 =	vld [tilespmem:s29+$0x22]  }
0x6b: {  	v20 =	vimm.f32 $0.0e+00;
	s28 =	simm.s32 $0x0;
	v25 =	vld [tilespmem:s29+$0x20];
	s29 =	simm.s32 $0x4F7F;
	v23, _, _ =	vpop (xrf2)  }
.LBB2_4:
0x6c: {  	v26 =	vld [tilespmem:s29+$0xFFFFFFE1];
	vm3 =	vne.s32 v6, v12;
	(xrf2) =	vadd.scan.msk.f32 $0xffff, v9  }
0x6d: {  	vm5 =	vne.s32 v6, v13;
	vm12 =	vne.s32 v3, v14;
	vm6 =	vne.s32 v3, v15;
	v12 =	vld [tilespmem:s29+$0xFFFFFFE2]  }
0x6e: {  	vm8 =	vne.s32 v5, v18;
	vm2 =	vne.s32 v5, v19;
	vm7 =	vne.s32 v4, v22;
	v13 =	vld [tilespmem:s29+$0xFFFFFFE0];
	v14, _, _ =	vpop (xrf2)  }
0x6f: {  	vm0 =	vne.s32 v4, v21;
	v27 =	vld [tilespmem:s29+$0xFFFFFFF1];
	v18 =	vadd.f32 v14, v20;
	v19 =	vbroadcast v14, $0xF  }
0x70: {  	vm11 =	vmor vm3, vm5;
	vm4 =	vne.s32 v7, v24;
	v14 =	vld [tilespmem:s29+$0xFFFFFFF2];
	vm1 =	vne.s32 v7, v25  }
0x71: {  	s28 =	sadd.s32 $0x5, s28;
	s26 =	sadd.s32 $0x50, s26;
	v15 =	vld [tilespmem:s29+$0xFFFFFFF0];
	v16 =	vsub.f32 v18, v16;
	v19 =	vadd.f32 v19, v20;
	v20 =	vbroadcast v23, $0xF  }
0x72: {  	p0 =	slt.u32 s28, $0x26C;
	vm9 =	vmor vm8, vm2;
	v21 =	vnsel vm3, $0x0, v18;
	vm3 =	vmor vm12, vm6;
	v24 =	vld [tilespmem:s26+$0x10];
	v22, _, _ =	vpop (xrf2)  }
0x73: {  	v25 =	vld [tilespmem:s29+$0x1];
	v31 =	vadd.f32 v23, v19;
	v19 =	vadd.f32 v20, v19;
	v20 =	vbroadcast v22, $0xF  }
0x74: {  	vm10 =	vmor vm7, vm0;
	v16 =	vnsel vm5, $0x0, v16;
	vm5 =	vmor vm4, vm1;
	v18 =	vld [tilespmem:s29+$0x2]  }
0x75: {  	v29 =	vbroadcast v17, $0xF;
	v28 =	vld [tilespmem:s26+$0xFFFFFFF0];
	v22 =	vadd.f32 v22, v19;
	v20 =	vadd.f32 v20, v19  }
0x76: {  	v21 =	vsub.f32 v21, v16;
	v30 =	vnsel vm12, $0x0, v31;
	v10 =	vsub.f32 v31, v10;
	v19 =	vld [tilespmem:s29+$0x0];
	v23, _, _ =	vpop (xrf2)  }
0x77: {  	v31 =	vld [tilespmem:s29+$0x11];
	(xrf2) =	vadd.scan.msk.f32 $0xffff, v24;
	v17 =	vadd.f32 v17, v20;
	v20 =	vadd.f32 v29, v20;
	v29 =	vbroadcast v23, $0xF  }
0x78: {  	v10 =	vnsel vm6, $0x0, v10;
	v32 =	vnsel vm8, $0x0, v22;
	v11 =	vsub.f32 v22, v11;
	v16 =	vld [tilespmem:s26+$0xFFFFFFE0]  }
0x79: {  	[tilespmem:v6+s19+$0x0] =	vst.idx.add.f32.msk vm11, v21;
	v33 =	vnsel vm7, $0x0, v17;
	v23 =	vadd.f32 v23, v20;
	v20 =	vadd.f32 v29, v20  }
0x7a: {  	v29 =	vsub.f32 v30, v10;
	v11 =	vnsel vm2, $0x0, v11;
	v17 =	vsub.f32 v17, v8;
	v6 =	vmovc v26;
	v22 =	vld [tilespmem:s29+$0x12];
	(xrf2) =	vadd.scan.msk.f32 $0xffff, v28  }
0x7b: {  	v8 =	vmovc v24;
	v26 =	vsub.f32 v32, v11;
	v10 =	vmovc v28;
	v21 =	vld [tilespmem:s29+$0x10];
	v30 =	vnsel vm4, $0x0, v23;
	v9 =	vsub.f32 v23, v9  }
0x7c: {  	v17 =	vnsel vm0, $0x0, v17;
	v11 =	vld [tilespmem:s26+$0x0]  }
0x7d: {  	v17 =	vsub.f32 v33, v17;
	(xrf2) =	vadd.scan.msk.f32 $0xffff, v16;
	[tilespmem:v5+s19+$0x0] =	vst.idx.add.f32.msk vm9, v26;
	v9 =	vnsel vm1, $0x0, v9;
	v5 =	vmovc v25  }
0x7e: {  	[tilespmem:v3+s19+$0x0] =	vst.idx.add.f32.msk vm3, v29;
	v23 =	vsub.f32 v30, v9;
	v3 =	vmov v27  }
0x7f: {  	[tilespmem:v4+s19+$0x0] =	vst.idx.add.f32.msk vm10, v17;
	v4 =	vmov v31  }
.Ltmp1:
0x80: {  	v9 =	vld [tilespmem:s26+$0x20];
	(pc) =	sbr.rel @p0 .LBB2_4-.Ltmp1, $4  }
0x81: {  	(xrf2) =	vadd.scan.msk.f32 $0xffff, v11;
	v17, _, _ =	vpop (xrf2);
	[tilespmem:v7+s19+$0x0] =	vst.idx.add.f32.msk vm5, v23  }
0x82: {  	v7 =	vld [tilespmem:s29+$0x21]  }
0x83: {  	v24 =	vld [tilespmem:s29+$0x22]  }
0x84: {  	v25 =	vld [tilespmem:s29+$0x20];
	s29 =	sadd.s32 $0x50, s29;
	v23, _, _ =	vpop (xrf2)  }
0x85: {  	_ =	sdelay $0x1  }
0x86: {  	vm5 =	vne.s32 v6, v12;
	(xrf2) =	vadd.scan.msk.f32 $0xffff, v9;
	vm6 =	vne.s32 v6, v13;
	v12, _, _ =	vpop (xrf2)  }
0x87: {  	vm7 =	vne.s32 v3, v14;
	vm0 =	vne.s32 v3, v15;
	v13 =	vbroadcast v12, $0xF  }
0x88: {  	vm8 =	vne.s32 v5, v18;
	vm9 =	vne.s32 v5, v19;
	vm1 =	vne.s32 v4, v22  }
0x89: {  	v14 =	vbroadcast v23, $0xF;
	vm2 =	vne.s32 v4, v21;
	v13 =	vadd.f32 v13, v20  }
0x8a: {  	v19 =	vbroadcast v17, $0xF;
	vm10 =	vmor vm5, vm6;
	v12 =	vadd.f32 v12, v20;
	v15, _, _ =	vpop (xrf2)  }
0x8b: {  	vm11 =	vmor vm8, vm9;
	v14 =	vadd.f32 v14, v13;
	v18 =	vbroadcast v15, $0xF  }
0x8c: {  	vm4 =	vne.s32 v7, v24;
	vm3 =	vne.s32 v7, v25;
	v16 =	vsub.f32 v12, v16  }
0x8d: {  	v12 =	vnsel vm5, $0x0, v12;
	vm5 =	vmor vm7, vm0;
	v18 =	vadd.f32 v18, v14  }
0x8e: {  	v13 =	vadd.f32 v23, v13;
	v16 =	vnsel vm6, $0x0, v16;
	v14 =	vadd.f32 v15, v14  }
0x8f: {  	vm12 =	vmor vm4, vm3;
	v12 =	vsub.f32 v12, v16;
	v20 =	vadd.f32 v19, v18  }
0x90: {  	vm6 =	vmor vm1, vm2;
	v23, _, _ =	vpop (xrf2);
	v15 =	vadd.f32 v17, v18;
	v11 =	vsub.f32 v14, v11  }
0x91: {  	v16 =	vnsel vm7, $0x0, v13;
	v10 =	vsub.f32 v13, v10;
	v13 =	vadd.f32 v23, v20  }
0x92: {  	v14 =	vnsel vm8, $0x0, v14;
	v11 =	vnsel vm9, $0x0, v11;
	v8 =	vsub.f32 v15, v8  }
0x93: {  	v10 =	vnsel vm0, $0x0, v10;
	v11 =	vsub.f32 v14, v11;
	v9 =	vsub.f32 v13, v9  }
0x94: {  	[tilespmem:v6+s19+$0x0] =	vst.idx.add.f32.msk vm10, v12;
	v10 =	vsub.f32 v16, v10;
	v6 =	vnsel vm1, $0x0, v15;
	v8 =	vnsel vm2, $0x0, v8  }
0x95: {  	v12 =	vnsel vm4, $0x0, v13;
	[tilespmem:v5+s19+$0x0] =	vst.idx.add.f32.msk vm11, v11;
	v5 =	vsub.f32 v6, v8;
	v6 =	vnsel vm3, $0x0, v9  }
0x96: {  	[tilespmem:v3+s19+$0x0] =	vst.idx.add.f32.msk vm5, v10;
	v3 =	vsub.f32 v12, v6  }
0x97: {  	[tilespmem:v4+s19+$0x0] =	vst.idx.add.f32.msk vm6, v5  }
0x98: {  	[tilespmem:v7+s19+$0x0] =	vst.idx.add.f32.msk vm12, v3  }
0x99: {  	s26 =	rddreg [dreg:$0x6]  }
0x9a: {  	[tilespmem:s21], [sflag:$0x1] =	stream.linear.gather [hbm4b:s26+s21], $0x2710, $0x38;
	[tilespmem:$0xDE00] =	vst v63  }
0x9b: {  	_ = 	snop  }
0x9c: {  	[tilespmem:s5], [sflag:$0x1] =	stream.linear.gather [hbm4b:s6+s21], $0x2710, $0x38;
	[tilespmem:$0xDE00] =	vst v63  }
0x9d: {  	_ = 	snop  }
0x9e: {  	[tilespmem:s7], [sflag:$0x1] =	stream.linear.gather [hbm4b:s8+s21], $0x10, $0x38;
	[tilespmem:$0xDE00] =	vst v63  }
0x9f: {  	s26 =	rddreg [dreg:$0x11]  }
0xa0: {  	[tilespmem:s22], [sflag:$0x1] =	stream.linear.gather [hbm4b:s26+s21], $0x10, $0x38;
	[tilespmem:$0xDE00] =	vst v63  }
0xa1: {  	_ =	swait.ge [sflag:s23], $0x2710  }
0xa2: {  	[sflag:s23] =	ssyncset.done $0x0  }
0xa3: {  	[sflag:s23] =	ssyncadd.s32 $0xFFFFD8F0  }
0xa4: {  	_ =	swait.ge [sflag:s23], $0x2710  }
0xa5: {  	[sflag:s23] =	ssyncset.done $0x0  }
0xa6: {  	[sflag:s23] =	ssyncadd.s32 $0xFFFFD8F0  }
0xa7: {  	_ =	swait.ge [sflag:s23], $0x10  }
0xa8: {  	[sflag:s23] =	ssyncset.done $0x0  }
0xa9: {  	[sflag:s23] =	ssyncadd.s32 $0xFFFFFFF0  }
0xaa: {  	_ =	swait.ge [sflag:s23], $0x10  }
0xab: {  	[sflag:s23] =	ssyncset.done $0x0  }
0xac: {  	s29 =	simm.s32 $0x76AF;
	[sflag:s23] =	ssyncadd.s32 $0xFFFFFFF0  }
0xad: {  	s26 =	simm.s32 $0x27A0;
	v6 =	vld [tilespmem:s29+$0xFFFFFFE1]  }
0xae: {  	v8 =	vld [tilespmem:s26+$0x10]  }
0xaf: {  	v12 =	vld [tilespmem:s29+$0xFFFFFFE2]  }
0xb0: {  	v13 =	vld [tilespmem:s29+$0xFFFFFFE0]  }
0xb1: {  	v10 =	vld [tilespmem:s26+$0xFFFFFFF0]  }
0xb2: {  	v3 =	vld [tilespmem:s29+$0xFFFFFFF1]  }
0xb3: {  	v14 =	vld [tilespmem:s29+$0xFFFFFFF2];
	(xrf2) =	vadd.scan.msk.f32 $0xffff, v8  }
0xb4: {  	v16 =	vld [tilespmem:s26+$0xFFFFFFE0]  }
0xb5: {  	v15 =	vld [tilespmem:s29+$0xFFFFFFF0]  }
0xb6: {  	v5 =	vld [tilespmem:s29+$0x1];
	(xrf2) =	vadd.scan.msk.f32 $0xffff, v10  }
0xb7: {  	v18 =	vld [tilespmem:s29+$0x2]  }
0xb8: {  	v11 =	vld [tilespmem:s26+$0x0]  }
0xb9: {  	v19 =	vld [tilespmem:s29+$0x0];
	(xrf2) =	vadd.scan.msk.f32 $0xffff, v16  }
0xba: {  	v4 =	vld [tilespmem:s29+$0x11]  }
0xbb: {  	v22 =	vld [tilespmem:s29+$0x12]  }
0xbc: {  	v23 =	vbroadcast v23, $0xF;
	v9 =	vld [tilespmem:s26+$0x20]  }
0xbd: {  	v21 =	vld [tilespmem:s29+$0x10];
	v17, _, _ =	vpop (xrf2);
	(xrf2) =	vadd.scan.msk.f32 $0xffff, v11  }
0xbe: {  	v7 =	vld [tilespmem:s29+$0x21]  }
0xbf: {  	v24 =	vld [tilespmem:s29+$0x22]  }
0xc0: {  	s28 =	simm.s32 $0x0;
	v20 =	vadd.f32 v23, v20;
	v25 =	vld [tilespmem:s29+$0x20];
	s29 =	simm.s32 $0x76FF;
	v23, _, _ =	vpop (xrf2)  }
.LBB2_6:
0xc1: {  	v26 =	vld [tilespmem:s29+$0xFFFFFFE1];
	vm3 =	vne.s32 v6, v12;
	(xrf2) =	vadd.scan.msk.f32 $0xffff, v9  }
0xc2: {  	vm5 =	vne.s32 v6, v13;
	vm12 =	vne.s32 v3, v14;
	vm6 =	vne.s32 v3, v15;
	v12 =	vld [tilespmem:s29+$0xFFFFFFE2]  }
0xc3: {  	vm8 =	vne.s32 v5, v18;
	vm2 =	vne.s32 v5, v19;
	vm7 =	vne.s32 v4, v22;
	v13 =	vld [tilespmem:s29+$0xFFFFFFE0];
	v14, _, _ =	vpop (xrf2)  }
0xc4: {  	vm0 =	vne.s32 v4, v21;
	v27 =	vld [tilespmem:s29+$0xFFFFFFF1];
	v18 =	vadd.f32 v14, v20;
	v19 =	vbroadcast v14, $0xF  }
0xc5: {  	vm11 =	vmor vm3, vm5;
	vm4 =	vne.s32 v7, v24;
	v14 =	vld [tilespmem:s29+$0xFFFFFFF2];
	vm1 =	vne.s32 v7, v25  }
0xc6: {  	s28 =	sadd.s32 $0x5, s28;
	s26 =	sadd.s32 $0x50, s26;
	v15 =	vld [tilespmem:s29+$0xFFFFFFF0];
	v16 =	vsub.f32 v18, v16;
	v19 =	vadd.f32 v19, v20;
	v20 =	vbroadcast v23, $0xF  }
0xc7: {  	p0 =	slt.u32 s28, $0x26C;
	vm9 =	vmor vm8, vm2;
	v21 =	vnsel vm3, $0x0, v18;
	vm3 =	vmor vm12, vm6;
	v24 =	vld [tilespmem:s26+$0x10];
	v22, _, _ =	vpop (xrf2)  }
0xc8: {  	v25 =	vld [tilespmem:s29+$0x1];
	v31 =	vadd.f32 v23, v19;
	v19 =	vadd.f32 v20, v19;
	v20 =	vbroadcast v22, $0xF  }
0xc9: {  	vm10 =	vmor vm7, vm0;
	v16 =	vnsel vm5, $0x0, v16;
	vm5 =	vmor vm4, vm1;
	v18 =	vld [tilespmem:s29+$0x2]  }
0xca: {  	v29 =	vbroadcast v17, $0xF;
	v28 =	vld [tilespmem:s26+$0xFFFFFFF0];
	v22 =	vadd.f32 v22, v19;
	v20 =	vadd.f32 v20, v19  }
0xcb: {  	v21 =	vsub.f32 v21, v16;
	v30 =	vnsel vm12, $0x0, v31;
	v10 =	vsub.f32 v31, v10;
	v19 =	vld [tilespmem:s29+$0x0];
	v23, _, _ =	vpop (xrf2)  }
0xcc: {  	v31 =	vld [tilespmem:s29+$0x11];
	(xrf2) =	vadd.scan.msk.f32 $0xffff, v24;
	v17 =	vadd.f32 v17, v20;
	v20 =	vadd.f32 v29, v20;
	v29 =	vbroadcast v23, $0xF  }
0xcd: {  	v10 =	vnsel vm6, $0x0, v10;
	v32 =	vnsel vm8, $0x0, v22;
	v11 =	vsub.f32 v22, v11;
	v16 =	vld [tilespmem:s26+$0xFFFFFFE0]  }
0xce: {  	[tilespmem:v6+s19+$0x0] =	vst.idx.add.f32.msk vm11, v21;
	v33 =	vnsel vm7, $0x0, v17;
	v23 =	vadd.f32 v23, v20;
	v20 =	vadd.f32 v29, v20  }
0xcf: {  	v29 =	vsub.f32 v30, v10;
	v11 =	vnsel vm2, $0x0, v11;
	v17 =	vsub.f32 v17, v8;
	v6 =	vmovc v26;
	v22 =	vld [tilespmem:s29+$0x12];
	(xrf2) =	vadd.scan.msk.f32 $0xffff, v28  }
0xd0: {  	v8 =	vmovc v24;
	v26 =	vsub.f32 v32, v11;
	v10 =	vmovc v28;
	v21 =	vld [tilespmem:s29+$0x10];
	v30 =	vnsel vm4, $0x0, v23;
	v9 =	vsub.f32 v23, v9  }
0xd1: {  	v17 =	vnsel vm0, $0x0, v17;
	v11 =	vld [tilespmem:s26+$0x0]  }
0xd2: {  	v17 =	vsub.f32 v33, v17;
	(xrf2) =	vadd.scan.msk.f32 $0xffff, v16;
	[tilespmem:v5+s19+$0x0] =	vst.idx.add.f32.msk vm9, v26;
	v9 =	vnsel vm1, $0x0, v9;
	v5 =	vmovc v25  }
0xd3: {  	[tilespmem:v3+s19+$0x0] =	vst.idx.add.f32.msk vm3, v29;
	v23 =	vsub.f32 v30, v9;
	v3 =	vmov v27  }
0xd4: {  	[tilespmem:v4+s19+$0x0] =	vst.idx.add.f32.msk vm10, v17;
	v4 =	vmov v31  }
.Ltmp2:
0xd5: {  	v9 =	vld [tilespmem:s26+$0x20];
	(pc) =	sbr.rel @p0 .LBB2_6-.Ltmp2, $4  }
0xd6: {  	(xrf2) =	vadd.scan.msk.f32 $0xffff, v11;
	v17, _, _ =	vpop (xrf2);
	[tilespmem:v7+s19+$0x0] =	vst.idx.add.f32.msk vm5, v23  }
0xd7: {  	v7 =	vld [tilespmem:s29+$0x21]  }
0xd8: {  	v24 =	vld [tilespmem:s29+$0x22]  }
0xd9: {  	v25 =	vld [tilespmem:s29+$0x20];
	s29 =	sadd.s32 $0x50, s29;
	v23, _, _ =	vpop (xrf2)  }
0xda: {  	_ =	sdelay $0x1  }
0xdb: {  	vm5 =	vne.s32 v6, v12;
	(xrf2) =	vadd.scan.msk.f32 $0xffff, v9;
	vm6 =	vne.s32 v6, v13;
	v12, _, _ =	vpop (xrf2)  }
0xdc: {  	vm7 =	vne.s32 v3, v14;
	vm0 =	vne.s32 v3, v15;
	v13 =	vbroadcast v12, $0xF  }
0xdd: {  	vm8 =	vne.s32 v5, v18;
	vm9 =	vne.s32 v5, v19;
	vm1 =	vne.s32 v4, v22  }
0xde: {  	v14 =	vbroadcast v23, $0xF;
	vm2 =	vne.s32 v4, v21;
	v13 =	vadd.f32 v13, v20  }
0xdf: {  	v19 =	vbroadcast v17, $0xF;
	vm10 =	vmor vm5, vm6;
	v12 =	vadd.f32 v12, v20;
	v15, _, _ =	vpop (xrf2)  }
0xe0: {  	vm11 =	vmor vm8, vm9;
	v14 =	vadd.f32 v14, v13;
	v18 =	vbroadcast v15, $0xF  }
0xe1: {  	vm4 =	vne.s32 v7, v24;
	vm3 =	vne.s32 v7, v25;
	v16 =	vsub.f32 v12, v16  }
0xe2: {  	v12 =	vnsel vm5, $0x0, v12;
	vm5 =	vmor vm7, vm0;
	v18 =	vadd.f32 v18, v14  }
0xe3: {  	v13 =	vadd.f32 v23, v13;
	v16 =	vnsel vm6, $0x0, v16;
	v14 =	vadd.f32 v15, v14  }
0xe4: {  	vm12 =	vmor vm4, vm3;
	v12 =	vsub.f32 v12, v16;
	v20 =	vadd.f32 v19, v18  }
0xe5: {  	vm6 =	vmor vm1, vm2;
	v23, _, _ =	vpop (xrf2);
	v15 =	vadd.f32 v17, v18;
	v11 =	vsub.f32 v14, v11  }
0xe6: {  	v16 =	vnsel vm7, $0x0, v13;
	v10 =	vsub.f32 v13, v10;
	v13 =	vadd.f32 v23, v20  }
0xe7: {  	v14 =	vnsel vm8, $0x0, v14;
	v11 =	vnsel vm9, $0x0, v11;
	v8 =	vsub.f32 v15, v8  }
0xe8: {  	v10 =	vnsel vm0, $0x0, v10;
	v11 =	vsub.f32 v14, v11;
	v9 =	vsub.f32 v13, v9  }
0xe9: {  	[tilespmem:v6+s19+$0x0] =	vst.idx.add.f32.msk vm10, v12;
	v10 =	vsub.f32 v16, v10;
	v6 =	vnsel vm1, $0x0, v15;
	v8 =	vnsel vm2, $0x0, v8  }
0xea: {  	v12 =	vnsel vm4, $0x0, v13;
	[tilespmem:v5+s19+$0x0] =	vst.idx.add.f32.msk vm11, v11;
	v5 =	vsub.f32 v6, v8;
	v6 =	vnsel vm3, $0x0, v9  }
0xeb: {  	[tilespmem:v3+s19+$0x0] =	vst.idx.add.f32.msk vm5, v10;
	v3 =	vsub.f32 v12, v6  }
0xec: {  	[tilespmem:v4+s19+$0x0] =	vst.idx.add.f32.msk vm6, v5  }
0xed: {  	[tilespmem:v7+s19+$0x0] =	vst.idx.add.f32.msk vm12, v3  }
0xee: {  	s26 =	rddreg [dreg:$0x7]  }
0xef: {  	[tilespmem:s9], [sflag:$0x2] =	stream.linear.gather [hbm4b:s26+s21], $0x2710, $0x38;
	[tilespmem:$0xDE00] =	vst v63  }
0xf0: {  	_ = 	snop  }
0xf1: {  	[tilespmem:s11], [sflag:$0x2] =	stream.linear.gather [hbm4b:s8+s21], $0x2710, $0x38;
	[tilespmem:$0xDE00] =	vst v63  }
0xf2: {  	_ = 	snop  }
0xf3: {  	[tilespmem:s13], [sflag:$0x2] =	stream.linear.gather [hbm4b:s10+s21], $0x10, $0x38;
	[tilespmem:$0xDE00] =	vst v63  }
0xf4: {  	s26 =	rddreg [dreg:$0x12]  }
0xf5: {  	[tilespmem:s15], [sflag:$0x2] =	stream.linear.gather [hbm4b:s26+s21], $0x10, $0x38;
	[tilespmem:$0xDE00] =	vst v63  }
0xf6: {  	_ =	swait.ge [sflag:s17], $0x2710  }
0xf7: {  	[sflag:s17] =	ssyncset.done $0x0  }
0xf8: {  	[sflag:s17] =	ssyncadd.s32 $0xFFFFD8F0  }
0xf9: {  	_ =	swait.ge [sflag:s17], $0x2710  }
0xfa: {  	[sflag:s17] =	ssyncset.done $0x0  }
0xfb: {  	[sflag:s17] =	ssyncadd.s32 $0xFFFFD8F0  }
0xfc: {  	_ =	swait.ge [sflag:s17], $0x10  }
0xfd: {  	[sflag:s17] =	ssyncset.done $0x0  }
0xfe: {  	[sflag:s17] =	ssyncadd.s32 $0xFFFFFFF0  }
0xff: {  	_ =	swait.ge [sflag:s17], $0x10  }
0x100: {  	[sflag:s17] =	ssyncset.done $0x0  }
0x101: {  	s29 =	simm.s32 $0x4F2F;
	[sflag:s17] =	ssyncadd.s32 $0xFFFFFFF0  }
0x102: {  	s26 =	simm.s32 $0x20;
	v6 =	vld [tilespmem:s29+$0xFFFFFFE1]  }
0x103: {  	v8 =	vld [tilespmem:s26+$0x10]  }
0x104: {  	v12 =	vld [tilespmem:s29+$0xFFFFFFE2]  }
0x105: {  	v13 =	vld [tilespmem:s29+$0xFFFFFFE0]  }
0x106: {  	v10 =	vld [tilespmem:s26+$0xFFFFFFF0]  }
0x107: {  	v3 =	vld [tilespmem:s29+$0xFFFFFFF1]  }
0x108: {  	v14 =	vld [tilespmem:s29+$0xFFFFFFF2];
	(xrf2) =	vadd.scan.msk.f32 $0xffff, v8  }
0x109: {  	v16 =	vld [tilespmem:s26+$0xFFFFFFE0]  }
0x10a: {  	v15 =	vld [tilespmem:s29+$0xFFFFFFF0]  }
0x10b: {  	v5 =	vld [tilespmem:s29+$0x1];
	(xrf2) =	vadd.scan.msk.f32 $0xffff, v10  }
0x10c: {  	v18 =	vld [tilespmem:s29+$0x2]  }
0x10d: {  	v11 =	vld [tilespmem:s26+$0x0]  }
0x10e: {  	v19 =	vld [tilespmem:s29+$0x0];
	(xrf2) =	vadd.scan.msk.f32 $0xffff, v16  }
0x10f: {  	v4 =	vld [tilespmem:s29+$0x11]  }
0x110: {  	v22 =	vld [tilespmem:s29+$0x12]  }
0x111: {  	v23 =	vbroadcast v23, $0xF;
	v9 =	vld [tilespmem:s26+$0x20]  }
0x112: {  	v21 =	vld [tilespmem:s29+$0x10];
	v17, _, _ =	vpop (xrf2);
	(xrf2) =	vadd.scan.msk.f32 $0xffff, v11  }
0x113: {  	v7 =	vld [tilespmem:s29+$0x21]  }
0x114: {  	v24 =	vld [tilespmem:s29+$0x22]  }
0x115: {  	s28 =	simm.s32 $0x0;
	v20 =	vadd.f32 v23, v20;
	v25 =	vld [tilespmem:s29+$0x20];
	s29 =	simm.s32 $0x4F7F;
	v23, _, _ =	vpop (xrf2)  }
.LBB2_8:
0x116: {  	v26 =	vld [tilespmem:s29+$0xFFFFFFE1];
	vm3 =	vne.s32 v6, v12;
	(xrf2) =	vadd.scan.msk.f32 $0xffff, v9  }
0x117: {  	vm5 =	vne.s32 v6, v13;
	vm12 =	vne.s32 v3, v14;
	vm6 =	vne.s32 v3, v15;
	v12 =	vld [tilespmem:s29+$0xFFFFFFE2]  }
0x118: {  	vm8 =	vne.s32 v5, v18;
	vm2 =	vne.s32 v5, v19;
	vm7 =	vne.s32 v4, v22;
	v13 =	vld [tilespmem:s29+$0xFFFFFFE0];
	v14, _, _ =	vpop (xrf2)  }
0x119: {  	vm0 =	vne.s32 v4, v21;
	v27 =	vld [tilespmem:s29+$0xFFFFFFF1];
	v18 =	vadd.f32 v14, v20;
	v19 =	vbroadcast v14, $0xF  }
0x11a: {  	vm11 =	vmor vm3, vm5;
	vm4 =	vne.s32 v7, v24;
	v14 =	vld [tilespmem:s29+$0xFFFFFFF2];
	vm1 =	vne.s32 v7, v25  }
0x11b: {  	s28 =	sadd.s32 $0x5, s28;
	s26 =	sadd.s32 $0x50, s26;
	v15 =	vld [tilespmem:s29+$0xFFFFFFF0];
	v16 =	vsub.f32 v18, v16;
	v19 =	vadd.f32 v19, v20;
	v20 =	vbroadcast v23, $0xF  }
0x11c: {  	p0 =	slt.u32 s28, $0x26C;
	vm9 =	vmor vm8, vm2;
	v21 =	vnsel vm3, $0x0, v18;
	vm3 =	vmor vm12, vm6;
	v24 =	vld [tilespmem:s26+$0x10];
	v22, _, _ =	vpop (xrf2)  }
0x11d: {  	v25 =	vld [tilespmem:s29+$0x1];
	v31 =	vadd.f32 v23, v19;
	v19 =	vadd.f32 v20, v19;
	v20 =	vbroadcast v22, $0xF  }
0x11e: {  	vm10 =	vmor vm7, vm0;
	v16 =	vnsel vm5, $0x0, v16;
	vm5 =	vmor vm4, vm1;
	v18 =	vld [tilespmem:s29+$0x2]  }
0x11f: {  	v29 =	vbroadcast v17, $0xF;
	v28 =	vld [tilespmem:s26+$0xFFFFFFF0];
	v22 =	vadd.f32 v22, v19;
	v20 =	vadd.f32 v20, v19  }
0x120: {  	v21 =	vsub.f32 v21, v16;
	v30 =	vnsel vm12, $0x0, v31;
	v10 =	vsub.f32 v31, v10;
	v19 =	vld [tilespmem:s29+$0x0];
	v23, _, _ =	vpop (xrf2)  }
0x121: {  	v31 =	vld [tilespmem:s29+$0x11];
	(xrf2) =	vadd.scan.msk.f32 $0xffff, v24;
	v17 =	vadd.f32 v17, v20;
	v20 =	vadd.f32 v29, v20;
	v29 =	vbroadcast v23, $0xF  }
0x122: {  	v10 =	vnsel vm6, $0x0, v10;
	v32 =	vnsel vm8, $0x0, v22;
	v11 =	vsub.f32 v22, v11;
	v16 =	vld [tilespmem:s26+$0xFFFFFFE0]  }
0x123: {  	[tilespmem:v6+s19+$0x0] =	vst.idx.add.f32.msk vm11, v21;
	v33 =	vnsel vm7, $0x0, v17;
	v23 =	vadd.f32 v23, v20;
	v20 =	vadd.f32 v29, v20  }
0x124: {  	v29 =	vsub.f32 v30, v10;
	v11 =	vnsel vm2, $0x0, v11;
	v17 =	vsub.f32 v17, v8;
	v6 =	vmovc v26;
	v22 =	vld [tilespmem:s29+$0x12];
	(xrf2) =	vadd.scan.msk.f32 $0xffff, v28  }
0x125: {  	v8 =	vmovc v24;
	v26 =	vsub.f32 v32, v11;
	v10 =	vmovc v28;
	v21 =	vld [tilespmem:s29+$0x10];
	v30 =	vnsel vm4, $0x0, v23;
	v9 =	vsub.f32 v23, v9  }
0x126: {  	v17 =	vnsel vm0, $0x0, v17;
	v11 =	vld [tilespmem:s26+$0x0]  }
0x127: {  	v17 =	vsub.f32 v33, v17;
	(xrf2) =	vadd.scan.msk.f32 $0xffff, v16;
	[tilespmem:v5+s19+$0x0] =	vst.idx.add.f32.msk vm9, v26;
	v9 =	vnsel vm1, $0x0, v9;
	v5 =	vmovc v25  }
0x128: {  	[tilespmem:v3+s19+$0x0] =	vst.idx.add.f32.msk vm3, v29;
	v23 =	vsub.f32 v30, v9;
	v3 =	vmov v27  }
0x129: {  	[tilespmem:v4+s19+$0x0] =	vst.idx.add.f32.msk vm10, v17;
	v4 =	vmov v31  }
.Ltmp3:
0x12a: {  	v9 =	vld [tilespmem:s26+$0x20];
	(pc) =	sbr.rel @p0 .LBB2_8-.Ltmp3, $4  }
0x12b: {  	(xrf2) =	vadd.scan.msk.f32 $0xffff, v11;
	v17, _, _ =	vpop (xrf2);
	[tilespmem:v7+s19+$0x0] =	vst.idx.add.f32.msk vm5, v23  }
0x12c: {  	v7 =	vld [tilespmem:s29+$0x21]  }
0x12d: {  	v24 =	vld [tilespmem:s29+$0x22]  }
0x12e: {  	v25 =	vld [tilespmem:s29+$0x20];
	s29 =	sadd.s32 $0x50, s29;
	v23, _, _ =	vpop (xrf2)  }
0x12f: {  	_ =	sdelay $0x1  }
0x130: {  	vm5 =	vne.s32 v6, v12;
	(xrf2) =	vadd.scan.msk.f32 $0xffff, v9;
	vm6 =	vne.s32 v6, v13;
	v12, _, _ =	vpop (xrf2)  }
0x131: {  	vm7 =	vne.s32 v3, v14;
	vm0 =	vne.s32 v3, v15;
	v13 =	vbroadcast v12, $0xF  }
0x132: {  	vm8 =	vne.s32 v5, v18;
	vm9 =	vne.s32 v5, v19;
	vm1 =	vne.s32 v4, v22  }
0x133: {  	v14 =	vbroadcast v23, $0xF;
	vm2 =	vne.s32 v4, v21;
	v13 =	vadd.f32 v13, v20  }
0x134: {  	v19 =	vbroadcast v17, $0xF;
	vm10 =	vmor vm5, vm6;
	v12 =	vadd.f32 v12, v20;
	v15, _, _ =	vpop (xrf2)  }
0x135: {  	vm11 =	vmor vm8, vm9;
	v14 =	vadd.f32 v14, v13;
	v18 =	vbroadcast v15, $0xF  }
0x136: {  	vm4 =	vne.s32 v7, v24;
	vm3 =	vne.s32 v7, v25;
	v16 =	vsub.f32 v12, v16  }
0x137: {  	v12 =	vnsel vm5, $0x0, v12;
	vm5 =	vmor vm7, vm0;
	v18 =	vadd.f32 v18, v14  }
0x138: {  	v13 =	vadd.f32 v23, v13;
	v16 =	vnsel vm6, $0x0, v16;
	v14 =	vadd.f32 v15, v14  }
0x139: {  	vm12 =	vmor vm4, vm3;
	v12 =	vsub.f32 v12, v16;
	v20 =	vadd.f32 v19, v18  }
0x13a: {  	vm6 =	vmor vm1, vm2;
	v23, _, _ =	vpop (xrf2);
	v15 =	vadd.f32 v17, v18;
	v11 =	vsub.f32 v14, v11  }
0x13b: {  	v16 =	vnsel vm7, $0x0, v13;
	v10 =	vsub.f32 v13, v10;
	v13 =	vadd.f32 v23, v20  }
0x13c: {  	v14 =	vnsel vm8, $0x0, v14;
	v11 =	vnsel vm9, $0x0, v11;
	v8 =	vsub.f32 v15, v8  }
0x13d: {  	v10 =	vnsel vm0, $0x0, v10;
	v11 =	vsub.f32 v14, v11;
	v9 =	vsub.f32 v13, v9  }
0x13e: {  	[tilespmem:v6+s19+$0x0] =	vst.idx.add.f32.msk vm10, v12;
	v10 =	vsub.f32 v16, v10;
	v6 =	vnsel vm1, $0x0, v15;
	v8 =	vnsel vm2, $0x0, v8  }
0x13f: {  	v12 =	vnsel vm4, $0x0, v13;
	[tilespmem:v5+s19+$0x0] =	vst.idx.add.f32.msk vm11, v11;
	v5 =	vsub.f32 v6, v8;
	v6 =	vnsel vm3, $0x0, v9  }
0x140: {  	[tilespmem:v3+s19+$0x0] =	vst.idx.add.f32.msk vm5, v10;
	v3 =	vsub.f32 v12, v6  }
0x141: {  	[tilespmem:v4+s19+$0x0] =	vst.idx.add.f32.msk vm6, v5  }
0x142: {  	[tilespmem:v7+s19+$0x0] =	vst.idx.add.f32.msk vm12, v3  }
0x143: {  	s26 =	rddreg [dreg:$0x8]  }
0x144: {  	[tilespmem:s21], [sflag:$0x1] =	stream.linear.gather [hbm4b:s26+s21], $0x2710, $0x38;
	[tilespmem:$0xDE00] =	vst v63  }
0x145: {  	_ = 	snop  }
0x146: {  	[tilespmem:s5], [sflag:$0x1] =	stream.linear.gather [hbm4b:s10+s21], $0x2710, $0x38;
	[tilespmem:$0xDE00] =	vst v63  }
0x147: {  	_ = 	snop  }
0x148: {  	[tilespmem:s7], [sflag:$0x1] =	stream.linear.gather [hbm4b:s12+s21], $0x10, $0x38;
	[tilespmem:$0xDE00] =	vst v63  }
0x149: {  	s26 =	rddreg [dreg:$0x13]  }
0x14a: {  	[tilespmem:s22], [sflag:$0x1] =	stream.linear.gather [hbm4b:s26+s21], $0x10, $0x38;
	[tilespmem:$0xDE00] =	vst v63  }
0x14b: {  	_ =	swait.ge [sflag:s23], $0x2710  }
0x14c: {  	[sflag:s23] =	ssyncset.done $0x0  }
0x14d: {  	[sflag:s23] =	ssyncadd.s32 $0xFFFFD8F0  }
0x14e: {  	_ =	swait.ge [sflag:s23], $0x2710  }
0x14f: {  	[sflag:s23] =	ssyncset.done $0x0  }
0x150: {  	[sflag:s23] =	ssyncadd.s32 $0xFFFFD8F0  }
0x151: {  	_ =	swait.ge [sflag:s23], $0x10  }
0x152: {  	[sflag:s23] =	ssyncset.done $0x0  }
0x153: {  	[sflag:s23] =	ssyncadd.s32 $0xFFFFFFF0  }
0x154: {  	_ =	swait.ge [sflag:s23], $0x10  }
0x155: {  	[sflag:s23] =	ssyncset.done $0x0  }
0x156: {  	s29 =	simm.s32 $0x76AF;
	[sflag:s23] =	ssyncadd.s32 $0xFFFFFFF0  }
0x157: {  	s26 =	simm.s32 $0x27A0;
	v6 =	vld [tilespmem:s29+$0xFFFFFFE1]  }
0x158: {  	v8 =	vld [tilespmem:s26+$0x10]  }
0x159: {  	v12 =	vld [tilespmem:s29+$0xFFFFFFE2]  }
0x15a: {  	v13 =	vld [tilespmem:s29+$0xFFFFFFE0]  }
0x15b: {  	v10 =	vld [tilespmem:s26+$0xFFFFFFF0]  }
0x15c: {  	v3 =	vld [tilespmem:s29+$0xFFFFFFF1]  }
0x15d: {  	v14 =	vld [tilespmem:s29+$0xFFFFFFF2];
	(xrf2) =	vadd.scan.msk.f32 $0xffff, v8  }
0x15e: {  	v16 =	vld [tilespmem:s26+$0xFFFFFFE0]  }
0x15f: {  	v15 =	vld [tilespmem:s29+$0xFFFFFFF0]  }
0x160: {  	v5 =	vld [tilespmem:s29+$0x1];
	(xrf2) =	vadd.scan.msk.f32 $0xffff, v10  }
0x161: {  	v18 =	vld [tilespmem:s29+$0x2]  }
0x162: {  	v11 =	vld [tilespmem:s26+$0x0]  }
0x163: {  	v19 =	vld [tilespmem:s29+$0x0];
	(xrf2) =	vadd.scan.msk.f32 $0xffff, v16  }
0x164: {  	v4 =	vld [tilespmem:s29+$0x11]  }
0x165: {  	v22 =	vld [tilespmem:s29+$0x12]  }
0x166: {  	v23 =	vbroadcast v23, $0xF;
	v9 =	vld [tilespmem:s26+$0x20]  }
0x167: {  	v21 =	vld [tilespmem:s29+$0x10];
	v17, _, _ =	vpop (xrf2);
	(xrf2) =	vadd.scan.msk.f32 $0xffff, v11  }
0x168: {  	v7 =	vld [tilespmem:s29+$0x21]  }
0x169: {  	v24 =	vld [tilespmem:s29+$0x22]  }
0x16a: {  	s28 =	simm.s32 $0x0;
	v20 =	vadd.f32 v23, v20;
	v25 =	vld [tilespmem:s29+$0x20];
	s29 =	simm.s32 $0x76FF;
	v23, _, _ =	vpop (xrf2)  }
.LBB2_10:
0x16b: {  	v26 =	vld [tilespmem:s29+$0xFFFFFFE1];
	vm3 =	vne.s32 v6, v12;
	(xrf2) =	vadd.scan.msk.f32 $0xffff, v9  }
0x16c: {  	vm5 =	vne.s32 v6, v13;
	vm12 =	vne.s32 v3, v14;
	vm6 =	vne.s32 v3, v15;
	v12 =	vld [tilespmem:s29+$0xFFFFFFE2]  }
0x16d: {  	vm8 =	vne.s32 v5, v18;
	vm2 =	vne.s32 v5, v19;
	vm7 =	vne.s32 v4, v22;
	v13 =	vld [tilespmem:s29+$0xFFFFFFE0];
	v14, _, _ =	vpop (xrf2)  }
0x16e: {  	vm0 =	vne.s32 v4, v21;
	v27 =	vld [tilespmem:s29+$0xFFFFFFF1];
	v18 =	vadd.f32 v14, v20;
	v19 =	vbroadcast v14, $0xF  }
0x16f: {  	vm11 =	vmor vm3, vm5;
	vm4 =	vne.s32 v7, v24;
	v14 =	vld [tilespmem:s29+$0xFFFFFFF2];
	vm1 =	vne.s32 v7, v25  }
0x170: {  	s28 =	sadd.s32 $0x5, s28;
	s26 =	sadd.s32 $0x50, s26;
	v15 =	vld [tilespmem:s29+$0xFFFFFFF0];
	v16 =	vsub.f32 v18, v16;
	v19 =	vadd.f32 v19, v20;
	v20 =	vbroadcast v23, $0xF  }
0x171: {  	p0 =	slt.u32 s28, $0x26C;
	vm9 =	vmor vm8, vm2;
	v21 =	vnsel vm3, $0x0, v18;
	vm3 =	vmor vm12, vm6;
	v24 =	vld [tilespmem:s26+$0x10];
	v22, _, _ =	vpop (xrf2)  }
0x172: {  	v25 =	vld [tilespmem:s29+$0x1];
	v31 =	vadd.f32 v23, v19;
	v19 =	vadd.f32 v20, v19;
	v20 =	vbroadcast v22, $0xF  }
0x173: {  	vm10 =	vmor vm7, vm0;
	v16 =	vnsel vm5, $0x0, v16;
	vm5 =	vmor vm4, vm1;
	v18 =	vld [tilespmem:s29+$0x2]  }
0x174: {  	v29 =	vbroadcast v17, $0xF;
	v28 =	vld [tilespmem:s26+$0xFFFFFFF0];
	v22 =	vadd.f32 v22, v19;
	v20 =	vadd.f32 v20, v19  }
0x175: {  	v21 =	vsub.f32 v21, v16;
	v30 =	vnsel vm12, $0x0, v31;
	v10 =	vsub.f32 v31, v10;
	v19 =	vld [tilespmem:s29+$0x0];
	v23, _, _ =	vpop (xrf2)  }
0x176: {  	v31 =	vld [tilespmem:s29+$0x11];
	(xrf2) =	vadd.scan.msk.f32 $0xffff, v24;
	v17 =	vadd.f32 v17, v20;
	v20 =	vadd.f32 v29, v20;
	v29 =	vbroadcast v23, $0xF  }
0x177: {  	v10 =	vnsel vm6, $0x0, v10;
	v32 =	vnsel vm8, $0x0, v22;
	v11 =	vsub.f32 v22, v11;
	v16 =	vld [tilespmem:s26+$0xFFFFFFE0]  }
0x178: {  	[tilespmem:v6+s19+$0x0] =	vst.idx.add.f32.msk vm11, v21;
	v33 =	vnsel vm7, $0x0, v17;
	v23 =	vadd.f32 v23, v20;
	v20 =	vadd.f32 v29, v20  }
0x179: {  	v29 =	vsub.f32 v30, v10;
	v11 =	vnsel vm2, $0x0, v11;
	v17 =	vsub.f32 v17, v8;
	v6 =	vmovc v26;
	v22 =	vld [tilespmem:s29+$0x12];
	(xrf2) =	vadd.scan.msk.f32 $0xffff, v28  }
0x17a: {  	v8 =	vmovc v24;
	v26 =	vsub.f32 v32, v11;
	v10 =	vmovc v28;
	v21 =	vld [tilespmem:s29+$0x10];
	v30 =	vnsel vm4, $0x0, v23;
	v9 =	vsub.f32 v23, v9  }
0x17b: {  	v17 =	vnsel vm0, $0x0, v17;
	v11 =	vld [tilespmem:s26+$0x0]  }
0x17c: {  	v17 =	vsub.f32 v33, v17;
	(xrf2) =	vadd.scan.msk.f32 $0xffff, v16;
	[tilespmem:v5+s19+$0x0] =	vst.idx.add.f32.msk vm9, v26;
	v9 =	vnsel vm1, $0x0, v9;
	v5 =	vmovc v25  }
0x17d: {  	[tilespmem:v3+s19+$0x0] =	vst.idx.add.f32.msk vm3, v29;
	v23 =	vsub.f32 v30, v9;
	v3 =	vmov v27  }
0x17e: {  	[tilespmem:v4+s19+$0x0] =	vst.idx.add.f32.msk vm10, v17;
	v4 =	vmov v31  }
.Ltmp4:
0x17f: {  	v9 =	vld [tilespmem:s26+$0x20];
	(pc) =	sbr.rel @p0 .LBB2_10-.Ltmp4, $4  }
0x180: {  	(xrf2) =	vadd.scan.msk.f32 $0xffff, v11;
	v17, _, _ =	vpop (xrf2);
	[tilespmem:v7+s19+$0x0] =	vst.idx.add.f32.msk vm5, v23  }
0x181: {  	v7 =	vld [tilespmem:s29+$0x21]  }
0x182: {  	v24 =	vld [tilespmem:s29+$0x22]  }
0x183: {  	v25 =	vld [tilespmem:s29+$0x20];
	s29 =	sadd.s32 $0x50, s29;
	v23, _, _ =	vpop (xrf2)  }
0x184: {  	_ =	sdelay $0x1  }
0x185: {  	vm5 =	vne.s32 v6, v12;
	(xrf2) =	vadd.scan.msk.f32 $0xffff, v9;
	vm6 =	vne.s32 v6, v13;
	v12, _, _ =	vpop (xrf2)  }
0x186: {  	vm7 =	vne.s32 v3, v14;
	vm0 =	vne.s32 v3, v15;
	v13 =	vbroadcast v12, $0xF  }
0x187: {  	vm8 =	vne.s32 v5, v18;
	vm9 =	vne.s32 v5, v19;
	vm1 =	vne.s32 v4, v22  }
0x188: {  	v14 =	vbroadcast v23, $0xF;
	vm2 =	vne.s32 v4, v21;
	v13 =	vadd.f32 v13, v20  }
0x189: {  	v19 =	vbroadcast v17, $0xF;
	vm10 =	vmor vm5, vm6;
	v12 =	vadd.f32 v12, v20;
	v15, _, _ =	vpop (xrf2)  }
0x18a: {  	vm11 =	vmor vm8, vm9;
	v14 =	vadd.f32 v14, v13;
	v18 =	vbroadcast v15, $0xF  }
0x18b: {  	vm4 =	vne.s32 v7, v24;
	vm3 =	vne.s32 v7, v25;
	v16 =	vsub.f32 v12, v16  }
0x18c: {  	v12 =	vnsel vm5, $0x0, v12;
	vm5 =	vmor vm7, vm0;
	v18 =	vadd.f32 v18, v14  }
0x18d: {  	v13 =	vadd.f32 v23, v13;
	v16 =	vnsel vm6, $0x0, v16;
	v14 =	vadd.f32 v15, v14  }
0x18e: {  	vm12 =	vmor vm4, vm3;
	v12 =	vsub.f32 v12, v16;
	v20 =	vadd.f32 v19, v18  }
0x18f: {  	vm6 =	vmor vm1, vm2;
	v23, _, _ =	vpop (xrf2);
	v15 =	vadd.f32 v17, v18;
	v11 =	vsub.f32 v14, v11  }
0x190: {  	v16 =	vnsel vm7, $0x0, v13;
	v10 =	vsub.f32 v13, v10;
	v13 =	vadd.f32 v23, v20  }
0x191: {  	v14 =	vnsel vm8, $0x0, v14;
	v11 =	vnsel vm9, $0x0, v11;
	v8 =	vsub.f32 v15, v8  }
0x192: {  	v10 =	vnsel vm0, $0x0, v10;
	v11 =	vsub.f32 v14, v11;
	v9 =	vsub.f32 v13, v9  }
0x193: {  	[tilespmem:v6+s19+$0x0] =	vst.idx.add.f32.msk vm10, v12;
	v10 =	vsub.f32 v16, v10;
	v6 =	vnsel vm1, $0x0, v15;
	v8 =	vnsel vm2, $0x0, v8  }
0x194: {  	v12 =	vnsel vm4, $0x0, v13;
	[tilespmem:v5+s19+$0x0] =	vst.idx.add.f32.msk vm11, v11;
	v5 =	vsub.f32 v6, v8;
	v6 =	vnsel vm3, $0x0, v9  }
0x195: {  	[tilespmem:v3+s19+$0x0] =	vst.idx.add.f32.msk vm5, v10;
	v3 =	vsub.f32 v12, v6  }
0x196: {  	[tilespmem:v4+s19+$0x0] =	vst.idx.add.f32.msk vm6, v5  }
0x197: {  	[tilespmem:v7+s19+$0x0] =	vst.idx.add.f32.msk vm12, v3  }
0x198: {  	s26 =	rddreg [dreg:$0x9]  }
0x199: {  	[tilespmem:s9], [sflag:$0x2] =	stream.linear.gather [hbm4b:s26+s21], $0x2710, $0x38;
	[tilespmem:$0xDE00] =	vst v63  }
0x19a: {  	_ = 	snop  }
0x19b: {  	[tilespmem:s11], [sflag:$0x2] =	stream.linear.gather [hbm4b:s12+s21], $0x2710, $0x38;
	[tilespmem:$0xDE00] =	vst v63  }
0x19c: {  	_ = 	snop  }
0x19d: {  	[tilespmem:s13], [sflag:$0x2] =	stream.linear.gather [hbm4b:s14+s21], $0x10, $0x38;
	[tilespmem:$0xDE00] =	vst v63  }
0x19e: {  	_ = 	snop  }
0x19f: {  	[tilespmem:s15], [sflag:$0x2] =	stream.linear.gather [hbm4b:s30+s21], $0x10, $0x38;
	[tilespmem:$0xDE00] =	vst v63  }
0x1a0: {  	_ =	swait.ge [sflag:s17], $0x2710  }
0x1a1: {  	[sflag:s17] =	ssyncset.done $0x0  }
0x1a2: {  	[sflag:s17] =	ssyncadd.s32 $0xFFFFD8F0  }
0x1a3: {  	_ =	swait.ge [sflag:s17], $0x2710  }
0x1a4: {  	[sflag:s17] =	ssyncset.done $0x0  }
0x1a5: {  	[sflag:s17] =	ssyncadd.s32 $0xFFFFD8F0  }
0x1a6: {  	_ =	swait.ge [sflag:s17], $0x10  }
0x1a7: {  	[sflag:s17] =	ssyncset.done $0x0  }
0x1a8: {  	[sflag:s17] =	ssyncadd.s32 $0xFFFFFFF0  }
0x1a9: {  	_ =	swait.ge [sflag:s17], $0x10  }
0x1aa: {  	[sflag:s17] =	ssyncset.done $0x0  }
0x1ab: {  	s29 =	simm.s32 $0x4F2F;
	[sflag:s17] =	ssyncadd.s32 $0xFFFFFFF0  }
0x1ac: {  	s26 =	simm.s32 $0x20;
	v6 =	vld [tilespmem:s29+$0xFFFFFFE1]  }
0x1ad: {  	v8 =	vld [tilespmem:s26+$0x10]  }
0x1ae: {  	v12 =	vld [tilespmem:s29+$0xFFFFFFE2]  }
0x1af: {  	v13 =	vld [tilespmem:s29+$0xFFFFFFE0]  }
0x1b0: {  	v10 =	vld [tilespmem:s26+$0xFFFFFFF0]  }
0x1b1: {  	v3 =	vld [tilespmem:s29+$0xFFFFFFF1]  }
0x1b2: {  	v14 =	vld [tilespmem:s29+$0xFFFFFFF2];
	(xrf2) =	vadd.scan.msk.f32 $0xffff, v8  }
0x1b3: {  	v16 =	vld [tilespmem:s26+$0xFFFFFFE0]  }
0x1b4: {  	v15 =	vld [tilespmem:s29+$0xFFFFFFF0]  }
0x1b5: {  	v5 =	vld [tilespmem:s29+$0x1];
	(xrf2) =	vadd.scan.msk.f32 $0xffff, v10  }
0x1b6: {  	v18 =	vld [tilespmem:s29+$0x2]  }
0x1b7: {  	v11 =	vld [tilespmem:s26+$0x0]  }
0x1b8: {  	v19 =	vld [tilespmem:s29+$0x0];
	(xrf2) =	vadd.scan.msk.f32 $0xffff, v16  }
0x1b9: {  	v4 =	vld [tilespmem:s29+$0x11]  }
0x1ba: {  	v22 =	vld [tilespmem:s29+$0x12]  }
0x1bb: {  	v23 =	vbroadcast v23, $0xF;
	v9 =	vld [tilespmem:s26+$0x20]  }
0x1bc: {  	v21 =	vld [tilespmem:s29+$0x10];
	v17, _, _ =	vpop (xrf2);
	(xrf2) =	vadd.scan.msk.f32 $0xffff, v11  }
0x1bd: {  	v7 =	vld [tilespmem:s29+$0x21]  }
0x1be: {  	v24 =	vld [tilespmem:s29+$0x22]  }
0x1bf: {  	s28 =	simm.s32 $0x0;
	v20 =	vadd.f32 v23, v20;
	v25 =	vld [tilespmem:s29+$0x20];
	s29 =	simm.s32 $0x4F7F;
	v23, _, _ =	vpop (xrf2)  }
.LBB2_12:
0x1c0: {  	v26 =	vld [tilespmem:s29+$0xFFFFFFE1];
	vm3 =	vne.s32 v6, v12;
	(xrf2) =	vadd.scan.msk.f32 $0xffff, v9  }
0x1c1: {  	vm5 =	vne.s32 v6, v13;
	vm12 =	vne.s32 v3, v14;
	vm6 =	vne.s32 v3, v15;
	v12 =	vld [tilespmem:s29+$0xFFFFFFE2]  }
0x1c2: {  	vm8 =	vne.s32 v5, v18;
	vm2 =	vne.s32 v5, v19;
	vm7 =	vne.s32 v4, v22;
	v13 =	vld [tilespmem:s29+$0xFFFFFFE0];
	v14, _, _ =	vpop (xrf2)  }
0x1c3: {  	vm0 =	vne.s32 v4, v21;
	v27 =	vld [tilespmem:s29+$0xFFFFFFF1];
	v18 =	vadd.f32 v14, v20;
	v19 =	vbroadcast v14, $0xF  }
0x1c4: {  	vm11 =	vmor vm3, vm5;
	vm4 =	vne.s32 v7, v24;
	v14 =	vld [tilespmem:s29+$0xFFFFFFF2];
	vm1 =	vne.s32 v7, v25  }
0x1c5: {  	s28 =	sadd.s32 $0x5, s28;
	s26 =	sadd.s32 $0x50, s26;
	v15 =	vld [tilespmem:s29+$0xFFFFFFF0];
	v16 =	vsub.f32 v18, v16;
	v19 =	vadd.f32 v19, v20;
	v20 =	vbroadcast v23, $0xF  }
0x1c6: {  	p0 =	slt.u32 s28, $0x26C;
	vm9 =	vmor vm8, vm2;
	v21 =	vnsel vm3, $0x0, v18;
	vm3 =	vmor vm12, vm6;
	v24 =	vld [tilespmem:s26+$0x10];
	v22, _, _ =	vpop (xrf2)  }
0x1c7: {  	v25 =	vld [tilespmem:s29+$0x1];
	v31 =	vadd.f32 v23, v19;
	v19 =	vadd.f32 v20, v19;
	v20 =	vbroadcast v22, $0xF  }
0x1c8: {  	vm10 =	vmor vm7, vm0;
	v16 =	vnsel vm5, $0x0, v16;
	vm5 =	vmor vm4, vm1;
	v18 =	vld [tilespmem:s29+$0x2]  }
0x1c9: {  	v29 =	vbroadcast v17, $0xF;
	v28 =	vld [tilespmem:s26+$0xFFFFFFF0];
	v22 =	vadd.f32 v22, v19;
	v20 =	vadd.f32 v20, v19  }
0x1ca: {  	v21 =	vsub.f32 v21, v16;
	v30 =	vnsel vm12, $0x0, v31;
	v10 =	vsub.f32 v31, v10;
	v19 =	vld [tilespmem:s29+$0x0];
	v23, _, _ =	vpop (xrf2)  }
0x1cb: {  	v31 =	vld [tilespmem:s29+$0x11];
	(xrf2) =	vadd.scan.msk.f32 $0xffff, v24;
	v17 =	vadd.f32 v17, v20;
	v20 =	vadd.f32 v29, v20;
	v29 =	vbroadcast v23, $0xF  }
0x1cc: {  	v10 =	vnsel vm6, $0x0, v10;
	v32 =	vnsel vm8, $0x0, v22;
	v11 =	vsub.f32 v22, v11;
	v16 =	vld [tilespmem:s26+$0xFFFFFFE0]  }
0x1cd: {  	[tilespmem:v6+s19+$0x0] =	vst.idx.add.f32.msk vm11, v21;
	v33 =	vnsel vm7, $0x0, v17;
	v23 =	vadd.f32 v23, v20;
	v20 =	vadd.f32 v29, v20  }
0x1ce: {  	v29 =	vsub.f32 v30, v10;
	v11 =	vnsel vm2, $0x0, v11;
	v17 =	vsub.f32 v17, v8;
	v6 =	vmovc v26;
	v22 =	vld [tilespmem:s29+$0x12];
	(xrf2) =	vadd.scan.msk.f32 $0xffff, v28  }
0x1cf: {  	v8 =	vmovc v24;
	v26 =	vsub.f32 v32, v11;
	v10 =	vmovc v28;
	v21 =	vld [tilespmem:s29+$0x10];
	v30 =	vnsel vm4, $0x0, v23;
	v9 =	vsub.f32 v23, v9  }
0x1d0: {  	v17 =	vnsel vm0, $0x0, v17;
	v11 =	vld [tilespmem:s26+$0x0]  }
0x1d1: {  	v17 =	vsub.f32 v33, v17;
	(xrf2) =	vadd.scan.msk.f32 $0xffff, v16;
	[tilespmem:v5+s19+$0x0] =	vst.idx.add.f32.msk vm9, v26;
	v9 =	vnsel vm1, $0x0, v9;
	v5 =	vmovc v25  }
0x1d2: {  	[tilespmem:v3+s19+$0x0] =	vst.idx.add.f32.msk vm3, v29;
	v23 =	vsub.f32 v30, v9;
	v3 =	vmov v27  }
0x1d3: {  	[tilespmem:v4+s19+$0x0] =	vst.idx.add.f32.msk vm10, v17;
	v4 =	vmov v31  }
.Ltmp5:
0x1d4: {  	v9 =	vld [tilespmem:s26+$0x20];
	(pc) =	sbr.rel @p0 .LBB2_12-.Ltmp5, $4  }
0x1d5: {  	(xrf2) =	vadd.scan.msk.f32 $0xffff, v11;
	v17, _, _ =	vpop (xrf2);
	[tilespmem:v7+s19+$0x0] =	vst.idx.add.f32.msk vm5, v23  }
0x1d6: {  	v7 =	vld [tilespmem:s29+$0x21]  }
0x1d7: {  	v24 =	vld [tilespmem:s29+$0x22]  }
0x1d8: {  	v25 =	vld [tilespmem:s29+$0x20];
	s29 =	sadd.s32 $0x50, s29;
	v23, _, _ =	vpop (xrf2)  }
0x1d9: {  	_ =	sdelay $0x1  }
0x1da: {  	vm5 =	vne.s32 v6, v12;
	(xrf2) =	vadd.scan.msk.f32 $0xffff, v9;
	vm6 =	vne.s32 v6, v13;
	v12, _, _ =	vpop (xrf2)  }
0x1db: {  	vm7 =	vne.s32 v3, v14;
	vm0 =	vne.s32 v3, v15;
	v13 =	vbroadcast v12, $0xF  }
0x1dc: {  	vm8 =	vne.s32 v5, v18;
	vm9 =	vne.s32 v5, v19;
	vm1 =	vne.s32 v4, v22  }
0x1dd: {  	v14 =	vbroadcast v23, $0xF;
	vm2 =	vne.s32 v4, v21;
	v13 =	vadd.f32 v13, v20  }
0x1de: {  	v19 =	vbroadcast v17, $0xF;
	vm10 =	vmor vm5, vm6;
	v12 =	vadd.f32 v12, v20;
	v15, _, _ =	vpop (xrf2)  }
0x1df: {  	vm11 =	vmor vm8, vm9;
	v14 =	vadd.f32 v14, v13;
	v18 =	vbroadcast v15, $0xF  }
0x1e0: {  	vm4 =	vne.s32 v7, v24;
	vm3 =	vne.s32 v7, v25;
	v16 =	vsub.f32 v12, v16  }
0x1e1: {  	v12 =	vnsel vm5, $0x0, v12;
	vm5 =	vmor vm7, vm0;
	v18 =	vadd.f32 v18, v14  }
0x1e2: {  	v13 =	vadd.f32 v23, v13;
	v16 =	vnsel vm6, $0x0, v16;
	v14 =	vadd.f32 v15, v14  }
0x1e3: {  	vm12 =	vmor vm4, vm3;
	v12 =	vsub.f32 v12, v16;
	v20 =	vadd.f32 v19, v18  }
0x1e4: {  	vm6 =	vmor vm1, vm2;
	v23, _, _ =	vpop (xrf2);
	v15 =	vadd.f32 v17, v18;
	v11 =	vsub.f32 v14, v11  }
0x1e5: {  	v16 =	vnsel vm7, $0x0, v13;
	v10 =	vsub.f32 v13, v10;
	v13 =	vadd.f32 v23, v20  }
0x1e6: {  	v14 =	vnsel vm8, $0x0, v14;
	v11 =	vnsel vm9, $0x0, v11;
	v8 =	vsub.f32 v15, v8  }
0x1e7: {  	v10 =	vnsel vm0, $0x0, v10;
	v11 =	vsub.f32 v14, v11;
	v9 =	vsub.f32 v13, v9  }
0x1e8: {  	[tilespmem:v6+s19+$0x0] =	vst.idx.add.f32.msk vm10, v12;
	v10 =	vsub.f32 v16, v10;
	v6 =	vnsel vm1, $0x0, v15;
	v8 =	vnsel vm2, $0x0, v8  }
0x1e9: {  	v12 =	vnsel vm4, $0x0, v13;
	[tilespmem:v5+s19+$0x0] =	vst.idx.add.f32.msk vm11, v11;
	v5 =	vsub.f32 v6, v8;
	v6 =	vnsel vm3, $0x0, v9  }
0x1ea: {  	[tilespmem:v3+s19+$0x0] =	vst.idx.add.f32.msk vm5, v10;
	v3 =	vsub.f32 v12, v6  }
0x1eb: {  	[tilespmem:v4+s19+$0x0] =	vst.idx.add.f32.msk vm6, v5  }
0x1ec: {  	[tilespmem:v7+s19+$0x0] =	vst.idx.add.f32.msk vm12, v3  }
0x1ed: {  	s26 =	rddreg [dreg:$0xa]  }
0x1ee: {  	[tilespmem:s21], [sflag:$0x1] =	stream.linear.gather [hbm4b:s26+s21], $0x2710, $0x38;
	[tilespmem:$0xDE00] =	vst v63  }
0x1ef: {  	_ = 	snop  }
0x1f0: {  	[tilespmem:s5], [sflag:$0x1] =	stream.linear.gather [hbm4b:s14+s21], $0x2710, $0x38;
	[tilespmem:$0xDE00] =	vst v63  }
0x1f1: {  	_ = 	snop  }
0x1f2: {  	[tilespmem:s7], [sflag:$0x1] =	stream.linear.gather [hbm4b:s16+s21], $0x10, $0x38;
	[tilespmem:$0xDE00] =	vst v63  }
0x1f3: {  	_ = 	snop  }
0x1f4: {  	[tilespmem:s22], [sflag:$0x1] =	stream.linear.gather [hbm4b:s31+s21], $0x10, $0x38;
	[tilespmem:$0xDE00] =	vst v63  }
0x1f5: {  	_ =	swait.ge [sflag:s23], $0x2710  }
0x1f6: {  	[sflag:s23] =	ssyncset.done $0x0  }
0x1f7: {  	[sflag:s23] =	ssyncadd.s32 $0xFFFFD8F0  }
0x1f8: {  	_ =	swait.ge [sflag:s23], $0x2710  }
0x1f9: {  	[sflag:s23] =	ssyncset.done $0x0  }
0x1fa: {  	[sflag:s23] =	ssyncadd.s32 $0xFFFFD8F0  }
0x1fb: {  	_ =	swait.ge [sflag:s23], $0x10  }
0x1fc: {  	[sflag:s23] =	ssyncset.done $0x0  }
0x1fd: {  	[sflag:s23] =	ssyncadd.s32 $0xFFFFFFF0  }
0x1fe: {  	_ =	swait.ge [sflag:s23], $0x10  }
0x1ff: {  	[sflag:s23] =	ssyncset.done $0x0  }
0x200: {  	s29 =	simm.s32 $0x76AF;
	[sflag:s23] =	ssyncadd.s32 $0xFFFFFFF0  }
0x201: {  	s26 =	simm.s32 $0x27A0;
	v6 =	vld [tilespmem:s29+$0xFFFFFFE1]  }
0x202: {  	v8 =	vld [tilespmem:s26+$0x10]  }
0x203: {  	v12 =	vld [tilespmem:s29+$0xFFFFFFE2]  }
0x204: {  	v13 =	vld [tilespmem:s29+$0xFFFFFFE0]  }
0x205: {  	v10 =	vld [tilespmem:s26+$0xFFFFFFF0]  }
0x206: {  	v3 =	vld [tilespmem:s29+$0xFFFFFFF1]  }
0x207: {  	v14 =	vld [tilespmem:s29+$0xFFFFFFF2];
	(xrf2) =	vadd.scan.msk.f32 $0xffff, v8  }
0x208: {  	v16 =	vld [tilespmem:s26+$0xFFFFFFE0]  }
0x209: {  	v15 =	vld [tilespmem:s29+$0xFFFFFFF0]  }
0x20a: {  	v5 =	vld [tilespmem:s29+$0x1];
	(xrf2) =	vadd.scan.msk.f32 $0xffff, v10  }
0x20b: {  	v18 =	vld [tilespmem:s29+$0x2]  }
0x20c: {  	v11 =	vld [tilespmem:s26+$0x0]  }
0x20d: {  	v19 =	vld [tilespmem:s29+$0x0];
	(xrf2) =	vadd.scan.msk.f32 $0xffff, v16  }
0x20e: {  	v4 =	vld [tilespmem:s29+$0x11]  }
0x20f: {  	v22 =	vld [tilespmem:s29+$0x12]  }
0x210: {  	v23 =	vbroadcast v23, $0xF;
	v9 =	vld [tilespmem:s26+$0x20]  }
0x211: {  	v21 =	vld [tilespmem:s29+$0x10];
	v17, _, _ =	vpop (xrf2);
	(xrf2) =	vadd.scan.msk.f32 $0xffff, v11  }
0x212: {  	v7 =	vld [tilespmem:s29+$0x21]  }
0x213: {  	v24 =	vld [tilespmem:s29+$0x22]  }
0x214: {  	s28 =	simm.s32 $0x0;
	v20 =	vadd.f32 v23, v20;
	v25 =	vld [tilespmem:s29+$0x20];
	s29 =	simm.s32 $0x76FF;
	v23, _, _ =	vpop (xrf2)  }
.LBB2_14:
0x215: {  	v26 =	vld [tilespmem:s29+$0xFFFFFFE1];
	vm3 =	vne.s32 v6, v12;
	(xrf2) =	vadd.scan.msk.f32 $0xffff, v9  }
0x216: {  	vm5 =	vne.s32 v6, v13;
	vm12 =	vne.s32 v3, v14;
	vm6 =	vne.s32 v3, v15;
	v12 =	vld [tilespmem:s29+$0xFFFFFFE2]  }
0x217: {  	vm8 =	vne.s32 v5, v18;
	vm2 =	vne.s32 v5, v19;
	vm7 =	vne.s32 v4, v22;
	v13 =	vld [tilespmem:s29+$0xFFFFFFE0];
	v14, _, _ =	vpop (xrf2)  }
0x218: {  	vm0 =	vne.s32 v4, v21;
	v27 =	vld [tilespmem:s29+$0xFFFFFFF1];
	v18 =	vadd.f32 v14, v20;
	v19 =	vbroadcast v14, $0xF  }
0x219: {  	vm11 =	vmor vm3, vm5;
	vm4 =	vne.s32 v7, v24;
	v14 =	vld [tilespmem:s29+$0xFFFFFFF2];
	vm1 =	vne.s32 v7, v25  }
0x21a: {  	s28 =	sadd.s32 $0x5, s28;
	s26 =	sadd.s32 $0x50, s26;
	v15 =	vld [tilespmem:s29+$0xFFFFFFF0];
	v16 =	vsub.f32 v18, v16;
	v19 =	vadd.f32 v19, v20;
	v20 =	vbroadcast v23, $0xF  }
0x21b: {  	p0 =	slt.u32 s28, $0x26C;
	vm9 =	vmor vm8, vm2;
	v21 =	vnsel vm3, $0x0, v18;
	vm3 =	vmor vm12, vm6;
	v24 =	vld [tilespmem:s26+$0x10];
	v22, _, _ =	vpop (xrf2)  }
0x21c: {  	v25 =	vld [tilespmem:s29+$0x1];
	v31 =	vadd.f32 v23, v19;
	v19 =	vadd.f32 v20, v19;
	v20 =	vbroadcast v22, $0xF  }
0x21d: {  	vm10 =	vmor vm7, vm0;
	v16 =	vnsel vm5, $0x0, v16;
	vm5 =	vmor vm4, vm1;
	v18 =	vld [tilespmem:s29+$0x2]  }
0x21e: {  	v29 =	vbroadcast v17, $0xF;
	v28 =	vld [tilespmem:s26+$0xFFFFFFF0];
	v22 =	vadd.f32 v22, v19;
	v20 =	vadd.f32 v20, v19  }
0x21f: {  	v21 =	vsub.f32 v21, v16;
	v30 =	vnsel vm12, $0x0, v31;
	v10 =	vsub.f32 v31, v10;
	v19 =	vld [tilespmem:s29+$0x0];
	v23, _, _ =	vpop (xrf2)  }
0x220: {  	v31 =	vld [tilespmem:s29+$0x11];
	(xrf2) =	vadd.scan.msk.f32 $0xffff, v24;
	v17 =	vadd.f32 v17, v20;
	v20 =	vadd.f32 v29, v20;
	v29 =	vbroadcast v23, $0xF  }
0x221: {  	v10 =	vnsel vm6, $0x0, v10;
	v32 =	vnsel vm8, $0x0, v22;
	v11 =	vsub.f32 v22, v11;
	v16 =	vld [tilespmem:s26+$0xFFFFFFE0]  }
0x222: {  	[tilespmem:v6+s19+$0x0] =	vst.idx.add.f32.msk vm11, v21;
	v33 =	vnsel vm7, $0x0, v17;
	v23 =	vadd.f32 v23, v20;
	v20 =	vadd.f32 v29, v20  }
0x223: {  	v29 =	vsub.f32 v30, v10;
	v11 =	vnsel vm2, $0x0, v11;
	v17 =	vsub.f32 v17, v8;
	v6 =	vmovc v26;
	v22 =	vld [tilespmem:s29+$0x12];
	(xrf2) =	vadd.scan.msk.f32 $0xffff, v28  }
0x224: {  	v8 =	vmovc v24;
	v26 =	vsub.f32 v32, v11;
	v10 =	vmovc v28;
	v21 =	vld [tilespmem:s29+$0x10];
	v30 =	vnsel vm4, $0x0, v23;
	v9 =	vsub.f32 v23, v9  }
0x225: {  	v17 =	vnsel vm0, $0x0, v17;
	v11 =	vld [tilespmem:s26+$0x0]  }
0x226: {  	v17 =	vsub.f32 v33, v17;
	(xrf2) =	vadd.scan.msk.f32 $0xffff, v16;
	[tilespmem:v5+s19+$0x0] =	vst.idx.add.f32.msk vm9, v26;
	v9 =	vnsel vm1, $0x0, v9;
	v5 =	vmovc v25  }
0x227: {  	[tilespmem:v3+s19+$0x0] =	vst.idx.add.f32.msk vm3, v29;
	v23 =	vsub.f32 v30, v9;
	v3 =	vmov v27  }
0x228: {  	[tilespmem:v4+s19+$0x0] =	vst.idx.add.f32.msk vm10, v17;
	v4 =	vmov v31  }
.Ltmp6:
0x229: {  	v9 =	vld [tilespmem:s26+$0x20];
	(pc) =	sbr.rel @p0 .LBB2_14-.Ltmp6, $4  }
0x22a: {  	(xrf2) =	vadd.scan.msk.f32 $0xffff, v11;
	v17, _, _ =	vpop (xrf2);
	[tilespmem:v7+s19+$0x0] =	vst.idx.add.f32.msk vm5, v23  }
0x22b: {  	v7 =	vld [tilespmem:s29+$0x21]  }
0x22c: {  	v24 =	vld [tilespmem:s29+$0x22]  }
0x22d: {  	v25 =	vld [tilespmem:s29+$0x20];
	s29 =	sadd.s32 $0x50, s29;
	v23, _, _ =	vpop (xrf2)  }
0x22e: {  	_ =	sdelay $0x1  }
0x22f: {  	vm5 =	vne.s32 v6, v12;
	(xrf2) =	vadd.scan.msk.f32 $0xffff, v9;
	vm6 =	vne.s32 v6, v13;
	v12, _, _ =	vpop (xrf2)  }
0x230: {  	vm7 =	vne.s32 v3, v14;
	vm0 =	vne.s32 v3, v15;
	v13 =	vbroadcast v12, $0xF  }
0x231: {  	vm8 =	vne.s32 v5, v18;
	vm9 =	vne.s32 v5, v19;
	vm1 =	vne.s32 v4, v22  }
0x232: {  	v14 =	vbroadcast v23, $0xF;
	vm2 =	vne.s32 v4, v21;
	v13 =	vadd.f32 v13, v20  }
0x233: {  	v19 =	vbroadcast v17, $0xF;
	vm10 =	vmor vm5, vm6;
	v12 =	vadd.f32 v12, v20;
	v15, _, _ =	vpop (xrf2)  }
0x234: {  	vm11 =	vmor vm8, vm9;
	v14 =	vadd.f32 v14, v13;
	v18 =	vbroadcast v15, $0xF  }
0x235: {  	vm4 =	vne.s32 v7, v24;
	vm3 =	vne.s32 v7, v25;
	v16 =	vsub.f32 v12, v16  }
0x236: {  	v12 =	vnsel vm5, $0x0, v12;
	vm5 =	vmor vm7, vm0;
	v18 =	vadd.f32 v18, v14  }
0x237: {  	v13 =	vadd.f32 v23, v13;
	v16 =	vnsel vm6, $0x0, v16;
	v14 =	vadd.f32 v15, v14  }
0x238: {  	vm12 =	vmor vm4, vm3;
	v12 =	vsub.f32 v12, v16;
	v20 =	vadd.f32 v19, v18  }
0x239: {  	vm6 =	vmor vm1, vm2;
	v23, _, _ =	vpop (xrf2);
	v15 =	vadd.f32 v17, v18;
	v11 =	vsub.f32 v14, v11  }
0x23a: {  	v16 =	vnsel vm7, $0x0, v13;
	v10 =	vsub.f32 v13, v10;
	v13 =	vadd.f32 v23, v20  }
0x23b: {  	v14 =	vnsel vm8, $0x0, v14;
	v11 =	vnsel vm9, $0x0, v11;
	v8 =	vsub.f32 v15, v8  }
0x23c: {  	v10 =	vnsel vm0, $0x0, v10;
	v11 =	vsub.f32 v14, v11;
	v9 =	vsub.f32 v13, v9  }
0x23d: {  	[tilespmem:v6+s19+$0x0] =	vst.idx.add.f32.msk vm10, v12;
	v10 =	vsub.f32 v16, v10;
	v6 =	vnsel vm1, $0x0, v15;
	v8 =	vnsel vm2, $0x0, v8  }
0x23e: {  	v12 =	vnsel vm4, $0x0, v13;
	[tilespmem:v5+s19+$0x0] =	vst.idx.add.f32.msk vm11, v11;
	v5 =	vsub.f32 v6, v8;
	v6 =	vnsel vm3, $0x0, v9  }
0x23f: {  	[tilespmem:v3+s19+$0x0] =	vst.idx.add.f32.msk vm5, v10;
	v3 =	vsub.f32 v12, v6  }
0x240: {  	[tilespmem:v4+s19+$0x0] =	vst.idx.add.f32.msk vm6, v5  }
0x241: {  	[tilespmem:v7+s19+$0x0] =	vst.idx.add.f32.msk vm12, v3  }
0x242: {  	s26 =	rddreg [dreg:$0xb]  }
0x243: {  	[tilespmem:s9], [sflag:$0x2] =	stream.linear.gather [hbm4b:s26+s21], $0x2710, $0x38;
	[tilespmem:$0xDE00] =	vst v63  }
0x244: {  	_ = 	snop  }
0x245: {  	[tilespmem:s11], [sflag:$0x2] =	stream.linear.gather [hbm4b:s16+s21], $0x2710, $0x38;
	[tilespmem:$0xDE00] =	vst v63  }
0x246: {  	_ = 	snop  }
0x247: {  	[tilespmem:s13], [sflag:$0x2] =	stream.linear.gather [hbm4b:s18+s21], $0x10, $0x38;
	[tilespmem:$0xDE00] =	vst v63  }
0x248: {  	_ = 	snop  }
0x249: {  	[tilespmem:s15], [sflag:$0x2] =	stream.linear.gather [hbm4b:s1+s21], $0x10, $0x38;
	[tilespmem:$0xDE00] =	vst v63  }
0x24a: {  	_ =	swait.ge [sflag:s17], $0x2710  }
0x24b: {  	[sflag:s17] =	ssyncset.done $0x0  }
0x24c: {  	[sflag:s17] =	ssyncadd.s32 $0xFFFFD8F0  }
0x24d: {  	_ =	swait.ge [sflag:s17], $0x2710  }
0x24e: {  	[sflag:s17] =	ssyncset.done $0x0  }
0x24f: {  	[sflag:s17] =	ssyncadd.s32 $0xFFFFD8F0  }
0x250: {  	_ =	swait.ge [sflag:s17], $0x10  }
0x251: {  	[sflag:s17] =	ssyncset.done $0x0  }
0x252: {  	[sflag:s17] =	ssyncadd.s32 $0xFFFFFFF0  }
0x253: {  	_ =	swait.ge [sflag:s17], $0x10  }
0x254: {  	[sflag:s17] =	ssyncset.done $0x0  }
0x255: {  	s29 =	simm.s32 $0x4F2F;
	[sflag:s17] =	ssyncadd.s32 $0xFFFFFFF0  }
0x256: {  	s26 =	simm.s32 $0x20;
	v6 =	vld [tilespmem:s29+$0xFFFFFFE1]  }
0x257: {  	v8 =	vld [tilespmem:s26+$0x10]  }
0x258: {  	v12 =	vld [tilespmem:s29+$0xFFFFFFE2]  }
0x259: {  	v13 =	vld [tilespmem:s29+$0xFFFFFFE0]  }
0x25a: {  	v10 =	vld [tilespmem:s26+$0xFFFFFFF0]  }
0x25b: {  	v3 =	vld [tilespmem:s29+$0xFFFFFFF1]  }
0x25c: {  	v14 =	vld [tilespmem:s29+$0xFFFFFFF2];
	(xrf2) =	vadd.scan.msk.f32 $0xffff, v8  }
0x25d: {  	v16 =	vld [tilespmem:s26+$0xFFFFFFE0]  }
0x25e: {  	v15 =	vld [tilespmem:s29+$0xFFFFFFF0]  }
0x25f: {  	v5 =	vld [tilespmem:s29+$0x1];
	(xrf2) =	vadd.scan.msk.f32 $0xffff, v10  }
0x260: {  	v18 =	vld [tilespmem:s29+$0x2]  }
0x261: {  	v11 =	vld [tilespmem:s26+$0x0]  }
0x262: {  	v19 =	vld [tilespmem:s29+$0x0];
	(xrf2) =	vadd.scan.msk.f32 $0xffff, v16  }
0x263: {  	v4 =	vld [tilespmem:s29+$0x11]  }
0x264: {  	v22 =	vld [tilespmem:s29+$0x12]  }
0x265: {  	v23 =	vbroadcast v23, $0xF;
	v9 =	vld [tilespmem:s26+$0x20]  }
0x266: {  	v21 =	vld [tilespmem:s29+$0x10];
	v17, _, _ =	vpop (xrf2);
	(xrf2) =	vadd.scan.msk.f32 $0xffff, v11  }
0x267: {  	v7 =	vld [tilespmem:s29+$0x21]  }
0x268: {  	v24 =	vld [tilespmem:s29+$0x22]  }
0x269: {  	s28 =	simm.s32 $0x0;
	v20 =	vadd.f32 v23, v20;
	v25 =	vld [tilespmem:s29+$0x20];
	s29 =	simm.s32 $0x4F7F;
	v23, _, _ =	vpop (xrf2)  }
.LBB2_16:
0x26a: {  	v26 =	vld [tilespmem:s29+$0xFFFFFFE1];
	vm3 =	vne.s32 v6, v12;
	(xrf2) =	vadd.scan.msk.f32 $0xffff, v9  }
0x26b: {  	vm5 =	vne.s32 v6, v13;
	vm12 =	vne.s32 v3, v14;
	vm6 =	vne.s32 v3, v15;
	v12 =	vld [tilespmem:s29+$0xFFFFFFE2]  }
0x26c: {  	vm8 =	vne.s32 v5, v18;
	vm2 =	vne.s32 v5, v19;
	vm7 =	vne.s32 v4, v22;
	v13 =	vld [tilespmem:s29+$0xFFFFFFE0];
	v14, _, _ =	vpop (xrf2)  }
0x26d: {  	vm0 =	vne.s32 v4, v21;
	v27 =	vld [tilespmem:s29+$0xFFFFFFF1];
	v18 =	vadd.f32 v14, v20;
	v19 =	vbroadcast v14, $0xF  }
0x26e: {  	vm11 =	vmor vm3, vm5;
	vm4 =	vne.s32 v7, v24;
	v14 =	vld [tilespmem:s29+$0xFFFFFFF2];
	vm1 =	vne.s32 v7, v25  }
0x26f: {  	s28 =	sadd.s32 $0x5, s28;
	s26 =	sadd.s32 $0x50, s26;
	v15 =	vld [tilespmem:s29+$0xFFFFFFF0];
	v16 =	vsub.f32 v18, v16;
	v19 =	vadd.f32 v19, v20;
	v20 =	vbroadcast v23, $0xF  }
0x270: {  	p0 =	slt.u32 s28, $0x26C;
	vm9 =	vmor vm8, vm2;
	v21 =	vnsel vm3, $0x0, v18;
	vm3 =	vmor vm12, vm6;
	v24 =	vld [tilespmem:s26+$0x10];
	v22, _, _ =	vpop (xrf2)  }
0x271: {  	v25 =	vld [tilespmem:s29+$0x1];
	v31 =	vadd.f32 v23, v19;
	v19 =	vadd.f32 v20, v19;
	v20 =	vbroadcast v22, $0xF  }
0x272: {  	vm10 =	vmor vm7, vm0;
	v16 =	vnsel vm5, $0x0, v16;
	vm5 =	vmor vm4, vm1;
	v18 =	vld [tilespmem:s29+$0x2]  }
0x273: {  	v29 =	vbroadcast v17, $0xF;
	v28 =	vld [tilespmem:s26+$0xFFFFFFF0];
	v22 =	vadd.f32 v22, v19;
	v20 =	vadd.f32 v20, v19  }
0x274: {  	v21 =	vsub.f32 v21, v16;
	v30 =	vnsel vm12, $0x0, v31;
	v10 =	vsub.f32 v31, v10;
	v19 =	vld [tilespmem:s29+$0x0];
	v23, _, _ =	vpop (xrf2)  }
0x275: {  	v31 =	vld [tilespmem:s29+$0x11];
	(xrf2) =	vadd.scan.msk.f32 $0xffff, v24;
	v17 =	vadd.f32 v17, v20;
	v20 =	vadd.f32 v29, v20;
	v29 =	vbroadcast v23, $0xF  }
0x276: {  	v10 =	vnsel vm6, $0x0, v10;
	v32 =	vnsel vm8, $0x0, v22;
	v11 =	vsub.f32 v22, v11;
	v16 =	vld [tilespmem:s26+$0xFFFFFFE0]  }
0x277: {  	[tilespmem:v6+s19+$0x0] =	vst.idx.add.f32.msk vm11, v21;
	v33 =	vnsel vm7, $0x0, v17;
	v23 =	vadd.f32 v23, v20;
	v20 =	vadd.f32 v29, v20  }
0x278: {  	v29 =	vsub.f32 v30, v10;
	v11 =	vnsel vm2, $0x0, v11;
	v17 =	vsub.f32 v17, v8;
	v6 =	vmovc v26;
	v22 =	vld [tilespmem:s29+$0x12];
	(xrf2) =	vadd.scan.msk.f32 $0xffff, v28  }
0x279: {  	v8 =	vmovc v24;
	v26 =	vsub.f32 v32, v11;
	v10 =	vmovc v28;
	v21 =	vld [tilespmem:s29+$0x10];
	v30 =	vnsel vm4, $0x0, v23;
	v9 =	vsub.f32 v23, v9  }
0x27a: {  	v17 =	vnsel vm0, $0x0, v17;
	v11 =	vld [tilespmem:s26+$0x0]  }
0x27b: {  	v17 =	vsub.f32 v33, v17;
	(xrf2) =	vadd.scan.msk.f32 $0xffff, v16;
	[tilespmem:v5+s19+$0x0] =	vst.idx.add.f32.msk vm9, v26;
	v9 =	vnsel vm1, $0x0, v9;
	v5 =	vmovc v25  }
0x27c: {  	[tilespmem:v3+s19+$0x0] =	vst.idx.add.f32.msk vm3, v29;
	v23 =	vsub.f32 v30, v9;
	v3 =	vmov v27  }
0x27d: {  	[tilespmem:v4+s19+$0x0] =	vst.idx.add.f32.msk vm10, v17;
	v4 =	vmov v31  }
.Ltmp7:
0x27e: {  	v9 =	vld [tilespmem:s26+$0x20];
	(pc) =	sbr.rel @p0 .LBB2_16-.Ltmp7, $4  }
0x27f: {  	(xrf2) =	vadd.scan.msk.f32 $0xffff, v11;
	v17, _, _ =	vpop (xrf2);
	[tilespmem:v7+s19+$0x0] =	vst.idx.add.f32.msk vm5, v23  }
0x280: {  	v7 =	vld [tilespmem:s29+$0x21]  }
0x281: {  	v24 =	vld [tilespmem:s29+$0x22]  }
0x282: {  	v25 =	vld [tilespmem:s29+$0x20];
	s29 =	sadd.s32 $0x50, s29;
	v23, _, _ =	vpop (xrf2)  }
0x283: {  	_ =	sdelay $0x1  }
0x284: {  	vm5 =	vne.s32 v6, v12;
	(xrf2) =	vadd.scan.msk.f32 $0xffff, v9;
	vm6 =	vne.s32 v6, v13;
	v12, _, _ =	vpop (xrf2)  }
0x285: {  	vm7 =	vne.s32 v3, v14;
	vm0 =	vne.s32 v3, v15;
	v13 =	vbroadcast v12, $0xF  }
0x286: {  	vm8 =	vne.s32 v5, v18;
	vm9 =	vne.s32 v5, v19;
	vm1 =	vne.s32 v4, v22  }
0x287: {  	v14 =	vbroadcast v23, $0xF;
	vm2 =	vne.s32 v4, v21;
	v13 =	vadd.f32 v13, v20  }
0x288: {  	v19 =	vbroadcast v17, $0xF;
	vm10 =	vmor vm5, vm6;
	v12 =	vadd.f32 v12, v20;
	v15, _, _ =	vpop (xrf2)  }
0x289: {  	vm11 =	vmor vm8, vm9;
	v14 =	vadd.f32 v14, v13;
	v18 =	vbroadcast v15, $0xF  }
0x28a: {  	vm4 =	vne.s32 v7, v24;
	vm3 =	vne.s32 v7, v25;
	v16 =	vsub.f32 v12, v16  }
0x28b: {  	v12 =	vnsel vm5, $0x0, v12;
	vm5 =	vmor vm7, vm0;
	v18 =	vadd.f32 v18, v14  }
0x28c: {  	v13 =	vadd.f32 v23, v13;
	v16 =	vnsel vm6, $0x0, v16;
	v14 =	vadd.f32 v15, v14  }
0x28d: {  	vm12 =	vmor vm4, vm3;
	v12 =	vsub.f32 v12, v16;
	v20 =	vadd.f32 v19, v18  }
0x28e: {  	vm6 =	vmor vm1, vm2;
	v23, _, _ =	vpop (xrf2);
	v15 =	vadd.f32 v17, v18;
	v11 =	vsub.f32 v14, v11  }
0x28f: {  	v16 =	vnsel vm7, $0x0, v13;
	v10 =	vsub.f32 v13, v10;
	v13 =	vadd.f32 v23, v20  }
0x290: {  	v14 =	vnsel vm8, $0x0, v14;
	v11 =	vnsel vm9, $0x0, v11;
	v8 =	vsub.f32 v15, v8  }
0x291: {  	v10 =	vnsel vm0, $0x0, v10;
	v11 =	vsub.f32 v14, v11;
	v9 =	vsub.f32 v13, v9  }
0x292: {  	[tilespmem:v6+s19+$0x0] =	vst.idx.add.f32.msk vm10, v12;
	v10 =	vsub.f32 v16, v10;
	v6 =	vnsel vm1, $0x0, v15;
	v8 =	vnsel vm2, $0x0, v8  }
0x293: {  	v12 =	vnsel vm4, $0x0, v13;
	[tilespmem:v5+s19+$0x0] =	vst.idx.add.f32.msk vm11, v11;
	v5 =	vsub.f32 v6, v8;
	v6 =	vnsel vm3, $0x0, v9  }
0x294: {  	[tilespmem:v3+s19+$0x0] =	vst.idx.add.f32.msk vm5, v10;
	v3 =	vsub.f32 v12, v6  }
0x295: {  	[tilespmem:v4+s19+$0x0] =	vst.idx.add.f32.msk vm6, v5  }
0x296: {  	[tilespmem:v7+s19+$0x0] =	vst.idx.add.f32.msk vm12, v3  }
0x297: {  	s26 =	rddreg [dreg:$0xc]  }
0x298: {  	[tilespmem:s21], [sflag:$0x1] =	stream.linear.gather [hbm4b:s26+s21], $0x2710, $0x38;
	[tilespmem:$0xDE00] =	vst v63  }
0x299: {  	_ = 	snop  }
0x29a: {  	[tilespmem:s5], [sflag:$0x1] =	stream.linear.gather [hbm4b:s18+s21], $0x2710, $0x38;
	[tilespmem:$0xDE00] =	vst v63  }
0x29b: {  	_ = 	snop  }
0x29c: {  	[tilespmem:s7], [sflag:$0x1] =	stream.linear.gather [hbm4b:s20+s21], $0x10, $0x38;
	[tilespmem:$0xDE00] =	vst v63  }
0x29d: {  	_ = 	snop  }
0x29e: {  	[tilespmem:s22], [sflag:$0x1] =	stream.linear.gather [hbm4b:s0+s21], $0x10, $0x38;
	[tilespmem:$0xDE00] =	vst v63  }
0x29f: {  	_ =	swait.ge [sflag:s23], $0x2710  }
0x2a0: {  	[sflag:s23] =	ssyncset.done $0x0  }
0x2a1: {  	[sflag:s23] =	ssyncadd.s32 $0xFFFFD8F0  }
0x2a2: {  	_ =	swait.ge [sflag:s23], $0x2710  }
0x2a3: {  	[sflag:s23] =	ssyncset.done $0x0  }
0x2a4: {  	[sflag:s23] =	ssyncadd.s32 $0xFFFFD8F0  }
0x2a5: {  	_ =	swait.ge [sflag:s23], $0x10  }
0x2a6: {  	[sflag:s23] =	ssyncset.done $0x0  }
0x2a7: {  	[sflag:s23] =	ssyncadd.s32 $0xFFFFFFF0  }
0x2a8: {  	_ =	swait.ge [sflag:s23], $0x10  }
0x2a9: {  	[sflag:s23] =	ssyncset.done $0x0  }
0x2aa: {  	s29 =	simm.s32 $0x76AF;
	[sflag:s23] =	ssyncadd.s32 $0xFFFFFFF0  }
0x2ab: {  	s26 =	simm.s32 $0x27A0;
	v6 =	vld [tilespmem:s29+$0xFFFFFFE1]  }
0x2ac: {  	v8 =	vld [tilespmem:s26+$0x10]  }
0x2ad: {  	v12 =	vld [tilespmem:s29+$0xFFFFFFE2]  }
0x2ae: {  	v13 =	vld [tilespmem:s29+$0xFFFFFFE0]  }
0x2af: {  	v10 =	vld [tilespmem:s26+$0xFFFFFFF0]  }
0x2b0: {  	v3 =	vld [tilespmem:s29+$0xFFFFFFF1]  }
0x2b1: {  	v14 =	vld [tilespmem:s29+$0xFFFFFFF2];
	(xrf2) =	vadd.scan.msk.f32 $0xffff, v8  }
0x2b2: {  	v16 =	vld [tilespmem:s26+$0xFFFFFFE0]  }
0x2b3: {  	v15 =	vld [tilespmem:s29+$0xFFFFFFF0]  }
0x2b4: {  	v5 =	vld [tilespmem:s29+$0x1];
	(xrf2) =	vadd.scan.msk.f32 $0xffff, v10  }
0x2b5: {  	v18 =	vld [tilespmem:s29+$0x2]  }
0x2b6: {  	v11 =	vld [tilespmem:s26+$0x0]  }
0x2b7: {  	v19 =	vld [tilespmem:s29+$0x0];
	(xrf2) =	vadd.scan.msk.f32 $0xffff, v16  }
0x2b8: {  	v4 =	vld [tilespmem:s29+$0x11]  }
0x2b9: {  	v22 =	vld [tilespmem:s29+$0x12]  }
0x2ba: {  	v23 =	vbroadcast v23, $0xF;
	v9 =	vld [tilespmem:s26+$0x20]  }
0x2bb: {  	v21 =	vld [tilespmem:s29+$0x10];
	v17, _, _ =	vpop (xrf2);
	(xrf2) =	vadd.scan.msk.f32 $0xffff, v11  }
0x2bc: {  	v7 =	vld [tilespmem:s29+$0x21]  }
0x2bd: {  	v24 =	vld [tilespmem:s29+$0x22]  }
0x2be: {  	s28 =	simm.s32 $0x0;
	v20 =	vadd.f32 v23, v20;
	v25 =	vld [tilespmem:s29+$0x20];
	s29 =	simm.s32 $0x76FF;
	v23, _, _ =	vpop (xrf2)  }
.LBB2_18:
0x2bf: {  	v26 =	vld [tilespmem:s29+$0xFFFFFFE1];
	vm3 =	vne.s32 v6, v12;
	(xrf2) =	vadd.scan.msk.f32 $0xffff, v9  }
0x2c0: {  	vm5 =	vne.s32 v6, v13;
	vm12 =	vne.s32 v3, v14;
	vm6 =	vne.s32 v3, v15;
	v12 =	vld [tilespmem:s29+$0xFFFFFFE2]  }
0x2c1: {  	vm8 =	vne.s32 v5, v18;
	vm2 =	vne.s32 v5, v19;
	vm7 =	vne.s32 v4, v22;
	v13 =	vld [tilespmem:s29+$0xFFFFFFE0];
	v14, _, _ =	vpop (xrf2)  }
0x2c2: {  	vm0 =	vne.s32 v4, v21;
	v27 =	vld [tilespmem:s29+$0xFFFFFFF1];
	v18 =	vadd.f32 v14, v20;
	v19 =	vbroadcast v14, $0xF  }
0x2c3: {  	vm11 =	vmor vm3, vm5;
	vm4 =	vne.s32 v7, v24;
	v14 =	vld [tilespmem:s29+$0xFFFFFFF2];
	vm1 =	vne.s32 v7, v25  }
0x2c4: {  	s28 =	sadd.s32 $0x5, s28;
	s26 =	sadd.s32 $0x50, s26;
	v15 =	vld [tilespmem:s29+$0xFFFFFFF0];
	v16 =	vsub.f32 v18, v16;
	v19 =	vadd.f32 v19, v20;
	v20 =	vbroadcast v23, $0xF  }
0x2c5: {  	p0 =	slt.u32 s28, $0x26C;
	vm9 =	vmor vm8, vm2;
	v21 =	vnsel vm3, $0x0, v18;
	vm3 =	vmor vm12, vm6;
	v24 =	vld [tilespmem:s26+$0x10];
	v22, _, _ =	vpop (xrf2)  }
0x2c6: {  	v25 =	vld [tilespmem:s29+$0x1];
	v31 =	vadd.f32 v23, v19;
	v19 =	vadd.f32 v20, v19;
	v20 =	vbroadcast v22, $0xF  }
0x2c7: {  	vm10 =	vmor vm7, vm0;
	v16 =	vnsel vm5, $0x0, v16;
	vm5 =	vmor vm4, vm1;
	v18 =	vld [tilespmem:s29+$0x2]  }
0x2c8: {  	v29 =	vbroadcast v17, $0xF;
	v28 =	vld [tilespmem:s26+$0xFFFFFFF0];
	v22 =	vadd.f32 v22, v19;
	v20 =	vadd.f32 v20, v19  }
0x2c9: {  	v21 =	vsub.f32 v21, v16;
	v30 =	vnsel vm12, $0x0, v31;
	v10 =	vsub.f32 v31, v10;
	v19 =	vld [tilespmem:s29+$0x0];
	v23, _, _ =	vpop (xrf2)  }
0x2ca: {  	v31 =	vld [tilespmem:s29+$0x11];
	(xrf2) =	vadd.scan.msk.f32 $0xffff, v24;
	v17 =	vadd.f32 v17, v20;
	v20 =	vadd.f32 v29, v20;
	v29 =	vbroadcast v23, $0xF  }
0x2cb: {  	v10 =	vnsel vm6, $0x0, v10;
	v32 =	vnsel vm8, $0x0, v22;
	v11 =	vsub.f32 v22, v11;
	v16 =	vld [tilespmem:s26+$0xFFFFFFE0]  }
0x2cc: {  	[tilespmem:v6+s19+$0x0] =	vst.idx.add.f32.msk vm11, v21;
	v33 =	vnsel vm7, $0x0, v17;
	v23 =	vadd.f32 v23, v20;
	v20 =	vadd.f32 v29, v20  }
0x2cd: {  	v29 =	vsub.f32 v30, v10;
	v11 =	vnsel vm2, $0x0, v11;
	v17 =	vsub.f32 v17, v8;
	v6 =	vmovc v26;
	v22 =	vld [tilespmem:s29+$0x12];
	(xrf2) =	vadd.scan.msk.f32 $0xffff, v28  }
0x2ce: {  	v8 =	vmovc v24;
	v26 =	vsub.f32 v32, v11;
	v10 =	vmovc v28;
	v21 =	vld [tilespmem:s29+$0x10];
	v30 =	vnsel vm4, $0x0, v23;
	v9 =	vsub.f32 v23, v9  }
0x2cf: {  	v17 =	vnsel vm0, $0x0, v17;
	v11 =	vld [tilespmem:s26+$0x0]  }
0x2d0: {  	v17 =	vsub.f32 v33, v17;
	(xrf2) =	vadd.scan.msk.f32 $0xffff, v16;
	[tilespmem:v5+s19+$0x0] =	vst.idx.add.f32.msk vm9, v26;
	v9 =	vnsel vm1, $0x0, v9;
	v5 =	vmovc v25  }
0x2d1: {  	[tilespmem:v3+s19+$0x0] =	vst.idx.add.f32.msk vm3, v29;
	v23 =	vsub.f32 v30, v9;
	v3 =	vmov v27  }
0x2d2: {  	[tilespmem:v4+s19+$0x0] =	vst.idx.add.f32.msk vm10, v17;
	v4 =	vmov v31  }
.Ltmp8:
0x2d3: {  	v9 =	vld [tilespmem:s26+$0x20];
	(pc) =	sbr.rel @p0 .LBB2_18-.Ltmp8, $4  }
0x2d4: {  	(xrf2) =	vadd.scan.msk.f32 $0xffff, v11;
	v17, _, _ =	vpop (xrf2);
	[tilespmem:v7+s19+$0x0] =	vst.idx.add.f32.msk vm5, v23  }
0x2d5: {  	v7 =	vld [tilespmem:s29+$0x21]  }
0x2d6: {  	v24 =	vld [tilespmem:s29+$0x22]  }
0x2d7: {  	v25 =	vld [tilespmem:s29+$0x20];
	s29 =	sadd.s32 $0x50, s29;
	v23, _, _ =	vpop (xrf2)  }
0x2d8: {  	_ =	sdelay $0x1  }
0x2d9: {  	vm5 =	vne.s32 v6, v12;
	(xrf2) =	vadd.scan.msk.f32 $0xffff, v9;
	vm6 =	vne.s32 v6, v13;
	v12, _, _ =	vpop (xrf2)  }
0x2da: {  	vm7 =	vne.s32 v3, v14;
	vm0 =	vne.s32 v3, v15;
	v13 =	vbroadcast v12, $0xF  }
0x2db: {  	vm8 =	vne.s32 v5, v18;
	vm9 =	vne.s32 v5, v19;
	vm1 =	vne.s32 v4, v22  }
0x2dc: {  	v14 =	vbroadcast v23, $0xF;
	vm2 =	vne.s32 v4, v21;
	v13 =	vadd.f32 v13, v20  }
0x2dd: {  	v19 =	vbroadcast v17, $0xF;
	vm10 =	vmor vm5, vm6;
	v12 =	vadd.f32 v12, v20;
	v15, _, _ =	vpop (xrf2)  }
0x2de: {  	vm11 =	vmor vm8, vm9;
	v14 =	vadd.f32 v14, v13;
	v18 =	vbroadcast v15, $0xF  }
0x2df: {  	vm4 =	vne.s32 v7, v24;
	vm3 =	vne.s32 v7, v25;
	v16 =	vsub.f32 v12, v16  }
0x2e0: {  	v12 =	vnsel vm5, $0x0, v12;
	vm5 =	vmor vm7, vm0;
	v18 =	vadd.f32 v18, v14  }
0x2e1: {  	v13 =	vadd.f32 v23, v13;
	v16 =	vnsel vm6, $0x0, v16;
	v14 =	vadd.f32 v15, v14  }
0x2e2: {  	vm12 =	vmor vm4, vm3;
	v12 =	vsub.f32 v12, v16;
	v20 =	vadd.f32 v19, v18  }
0x2e3: {  	vm6 =	vmor vm1, vm2;
	v23, _, _ =	vpop (xrf2);
	v15 =	vadd.f32 v17, v18;
	v11 =	vsub.f32 v14, v11  }
0x2e4: {  	v16 =	vnsel vm7, $0x0, v13;
	v10 =	vsub.f32 v13, v10;
	v13 =	vadd.f32 v23, v20  }
0x2e5: {  	v14 =	vnsel vm8, $0x0, v14;
	v11 =	vnsel vm9, $0x0, v11;
	v8 =	vsub.f32 v15, v8  }
0x2e6: {  	v10 =	vnsel vm0, $0x0, v10;
	v11 =	vsub.f32 v14, v11;
	v9 =	vsub.f32 v13, v9  }
0x2e7: {  	[tilespmem:v6+s19+$0x0] =	vst.idx.add.f32.msk vm10, v12;
	v10 =	vsub.f32 v16, v10;
	v6 =	vnsel vm1, $0x0, v15;
	v8 =	vnsel vm2, $0x0, v8  }
0x2e8: {  	v12 =	vnsel vm4, $0x0, v13;
	[tilespmem:v5+s19+$0x0] =	vst.idx.add.f32.msk vm11, v11;
	v5 =	vsub.f32 v6, v8;
	v6 =	vnsel vm3, $0x0, v9  }
0x2e9: {  	[tilespmem:v3+s19+$0x0] =	vst.idx.add.f32.msk vm5, v10;
	v3 =	vsub.f32 v12, v6  }
0x2ea: {  	[tilespmem:v4+s19+$0x0] =	vst.idx.add.f32.msk vm6, v5  }
0x2eb: {  	[tilespmem:v7+s19+$0x0] =	vst.idx.add.f32.msk vm12, v3  }
0x2ec: {  	s26 =	rddreg [dreg:$0xd]  }
0x2ed: {  	[tilespmem:s9], [sflag:$0x2] =	stream.linear.gather [hbm4b:s26+s21], $0x2710, $0x38;
	[tilespmem:$0xDE00] =	vst v63  }
0x2ee: {  	_ = 	snop  }
0x2ef: {  	[tilespmem:s11], [sflag:$0x2] =	stream.linear.gather [hbm4b:s20+s21], $0x2710, $0x38;
	[tilespmem:$0xDE00] =	vst v63  }
0x2f0: {  	_ = 	snop  }
0x2f1: {  	[tilespmem:s15], [sflag:$0x2] =	stream.linear.gather [hbm4b:s2+s21], $0x10, $0x38;
	[tilespmem:$0xDE00] =	vst v63  }
0x2f2: {  	_ =	swait.ge [sflag:s17], $0x2710  }
0x2f3: {  	[sflag:s17] =	ssyncset.done $0x0  }
0x2f4: {  	[sflag:s17] =	ssyncadd.s32 $0xFFFFD8F0  }
0x2f5: {  	_ =	swait.ge [sflag:s17], $0x2710  }
0x2f6: {  	[sflag:s17] =	ssyncset.done $0x0  }
0x2f7: {  	[sflag:s17] =	ssyncadd.s32 $0xFFFFD8F0  }
0x2f8: {  	_ =	swait.ge [sflag:s17], $0x10  }
0x2f9: {  	[sflag:s17] =	ssyncset.done $0x0  }
0x2fa: {  	[sflag:s17] =	ssyncadd.s32 $0xFFFFFFF0  }
0x2fb: {  	_ =	swait.ge [sflag:s17], $0x10  }
0x2fc: {  	[sflag:s17] =	ssyncset.done $0x0  }
0x2fd: {  	s29 =	simm.s32 $0x4F2F;
	[sflag:s17] =	ssyncadd.s32 $0xFFFFFFF0  }
0x2fe: {  	s26 =	simm.s32 $0x20;
	v6 =	vld [tilespmem:s29+$0xFFFFFFE1]  }
0x2ff: {  	v8 =	vld [tilespmem:s26+$0x10]  }
0x300: {  	v12 =	vld [tilespmem:s29+$0xFFFFFFE2]  }
0x301: {  	v13 =	vld [tilespmem:s29+$0xFFFFFFE0]  }
0x302: {  	v10 =	vld [tilespmem:s26+$0xFFFFFFF0]  }
0x303: {  	v3 =	vld [tilespmem:s29+$0xFFFFFFF1]  }
0x304: {  	v14 =	vld [tilespmem:s29+$0xFFFFFFF2];
	(xrf2) =	vadd.scan.msk.f32 $0xffff, v8  }
0x305: {  	v16 =	vld [tilespmem:s26+$0xFFFFFFE0]  }
0x306: {  	v15 =	vld [tilespmem:s29+$0xFFFFFFF0]  }
0x307: {  	v5 =	vld [tilespmem:s29+$0x1];
	(xrf2) =	vadd.scan.msk.f32 $0xffff, v10  }
0x308: {  	v18 =	vld [tilespmem:s29+$0x2]  }
0x309: {  	v11 =	vld [tilespmem:s26+$0x0]  }
0x30a: {  	v19 =	vld [tilespmem:s29+$0x0];
	(xrf2) =	vadd.scan.msk.f32 $0xffff, v16  }
0x30b: {  	v4 =	vld [tilespmem:s29+$0x11]  }
0x30c: {  	v22 =	vld [tilespmem:s29+$0x12]  }
0x30d: {  	v23 =	vbroadcast v23, $0xF;
	v9 =	vld [tilespmem:s26+$0x20]  }
0x30e: {  	v21 =	vld [tilespmem:s29+$0x10];
	v17, _, _ =	vpop (xrf2);
	(xrf2) =	vadd.scan.msk.f32 $0xffff, v11  }
0x30f: {  	v7 =	vld [tilespmem:s29+$0x21]  }
0x310: {  	v24 =	vld [tilespmem:s29+$0x22]  }
0x311: {  	s28 =	simm.s32 $0x0;
	v20 =	vadd.f32 v23, v20;
	v25 =	vld [tilespmem:s29+$0x20];
	s29 =	simm.s32 $0x4F7F;
	v23, _, _ =	vpop (xrf2)  }
.LBB2_20:
0x312: {  	v26 =	vld [tilespmem:s29+$0xFFFFFFE1];
	vm3 =	vne.s32 v6, v12;
	(xrf2) =	vadd.scan.msk.f32 $0xffff, v9  }
0x313: {  	vm5 =	vne.s32 v6, v13;
	vm12 =	vne.s32 v3, v14;
	vm6 =	vne.s32 v3, v15;
	v12 =	vld [tilespmem:s29+$0xFFFFFFE2]  }
0x314: {  	vm8 =	vne.s32 v5, v18;
	vm2 =	vne.s32 v5, v19;
	vm7 =	vne.s32 v4, v22;
	v13 =	vld [tilespmem:s29+$0xFFFFFFE0];
	v14, _, _ =	vpop (xrf2)  }
0x315: {  	vm0 =	vne.s32 v4, v21;
	v27 =	vld [tilespmem:s29+$0xFFFFFFF1];
	v18 =	vadd.f32 v14, v20;
	v19 =	vbroadcast v14, $0xF  }
0x316: {  	vm11 =	vmor vm3, vm5;
	vm4 =	vne.s32 v7, v24;
	v14 =	vld [tilespmem:s29+$0xFFFFFFF2];
	vm1 =	vne.s32 v7, v25  }
0x317: {  	s28 =	sadd.s32 $0x5, s28;
	s26 =	sadd.s32 $0x50, s26;
	v15 =	vld [tilespmem:s29+$0xFFFFFFF0];
	v16 =	vsub.f32 v18, v16;
	v19 =	vadd.f32 v19, v20;
	v20 =	vbroadcast v23, $0xF  }
0x318: {  	p0 =	slt.u32 s28, $0x26C;
	vm9 =	vmor vm8, vm2;
	v21 =	vnsel vm3, $0x0, v18;
	vm3 =	vmor vm12, vm6;
	v24 =	vld [tilespmem:s26+$0x10];
	v22, _, _ =	vpop (xrf2)  }
0x319: {  	v25 =	vld [tilespmem:s29+$0x1];
	v31 =	vadd.f32 v23, v19;
	v19 =	vadd.f32 v20, v19;
	v20 =	vbroadcast v22, $0xF  }
0x31a: {  	vm10 =	vmor vm7, vm0;
	v16 =	vnsel vm5, $0x0, v16;
	vm5 =	vmor vm4, vm1;
	v18 =	vld [tilespmem:s29+$0x2]  }
0x31b: {  	v29 =	vbroadcast v17, $0xF;
	v28 =	vld [tilespmem:s26+$0xFFFFFFF0];
	v22 =	vadd.f32 v22, v19;
	v20 =	vadd.f32 v20, v19  }
0x31c: {  	v21 =	vsub.f32 v21, v16;
	v30 =	vnsel vm12, $0x0, v31;
	v10 =	vsub.f32 v31, v10;
	v19 =	vld [tilespmem:s29+$0x0];
	v23, _, _ =	vpop (xrf2)  }
0x31d: {  	v31 =	vld [tilespmem:s29+$0x11];
	(xrf2) =	vadd.scan.msk.f32 $0xffff, v24;
	v17 =	vadd.f32 v17, v20;
	v20 =	vadd.f32 v29, v20;
	v29 =	vbroadcast v23, $0xF  }
0x31e: {  	v10 =	vnsel vm6, $0x0, v10;
	v32 =	vnsel vm8, $0x0, v22;
	v11 =	vsub.f32 v22, v11;
	v16 =	vld [tilespmem:s26+$0xFFFFFFE0]  }
0x31f: {  	[tilespmem:v6+s19+$0x0] =	vst.idx.add.f32.msk vm11, v21;
	v33 =	vnsel vm7, $0x0, v17;
	v23 =	vadd.f32 v23, v20;
	v20 =	vadd.f32 v29, v20  }
0x320: {  	v29 =	vsub.f32 v30, v10;
	v11 =	vnsel vm2, $0x0, v11;
	v17 =	vsub.f32 v17, v8;
	v6 =	vmovc v26;
	v22 =	vld [tilespmem:s29+$0x12];
	(xrf2) =	vadd.scan.msk.f32 $0xffff, v28  }
0x321: {  	v8 =	vmovc v24;
	v26 =	vsub.f32 v32, v11;
	v10 =	vmovc v28;
	v21 =	vld [tilespmem:s29+$0x10];
	v30 =	vnsel vm4, $0x0, v23;
	v9 =	vsub.f32 v23, v9  }
0x322: {  	v17 =	vnsel vm0, $0x0, v17;
	v11 =	vld [tilespmem:s26+$0x0]  }
0x323: {  	v17 =	vsub.f32 v33, v17;
	(xrf2) =	vadd.scan.msk.f32 $0xffff, v16;
	[tilespmem:v5+s19+$0x0] =	vst.idx.add.f32.msk vm9, v26;
	v9 =	vnsel vm1, $0x0, v9;
	v5 =	vmovc v25  }
0x324: {  	[tilespmem:v3+s19+$0x0] =	vst.idx.add.f32.msk vm3, v29;
	v23 =	vsub.f32 v30, v9;
	v3 =	vmov v27  }
0x325: {  	[tilespmem:v4+s19+$0x0] =	vst.idx.add.f32.msk vm10, v17;
	v4 =	vmov v31  }
.Ltmp9:
0x326: {  	v9 =	vld [tilespmem:s26+$0x20];
	(pc) =	sbr.rel @p0 .LBB2_20-.Ltmp9, $4  }
0x327: {  	(xrf2) =	vadd.scan.msk.f32 $0xffff, v11;
	v17, _, _ =	vpop (xrf2);
	[tilespmem:v7+s19+$0x0] =	vst.idx.add.f32.msk vm5, v23  }
0x328: {  	v7 =	vld [tilespmem:s29+$0x21]  }
0x329: {  	v24 =	vld [tilespmem:s29+$0x22]  }
0x32a: {  	v25 =	vld [tilespmem:s29+$0x20];
	s29 =	sadd.s32 $0x50, s29;
	v23, _, _ =	vpop (xrf2)  }
0x32b: {  	_ =	sdelay $0x1  }
0x32c: {  	vm5 =	vne.s32 v6, v12;
	(xrf2) =	vadd.scan.msk.f32 $0xffff, v9;
	vm6 =	vne.s32 v6, v13;
	v12, _, _ =	vpop (xrf2)  }
0x32d: {  	vm7 =	vne.s32 v3, v14;
	vm0 =	vne.s32 v3, v15;
	v13 =	vbroadcast v12, $0xF  }
0x32e: {  	vm8 =	vne.s32 v5, v18;
	vm9 =	vne.s32 v5, v19;
	vm1 =	vne.s32 v4, v22  }
0x32f: {  	v14 =	vbroadcast v23, $0xF;
	vm2 =	vne.s32 v4, v21;
	v13 =	vadd.f32 v13, v20  }
0x330: {  	v19 =	vbroadcast v17, $0xF;
	vm10 =	vmor vm5, vm6;
	v12 =	vadd.f32 v12, v20;
	v15, _, _ =	vpop (xrf2)  }
0x331: {  	vm11 =	vmor vm8, vm9;
	v14 =	vadd.f32 v14, v13;
	v18 =	vbroadcast v15, $0xF  }
0x332: {  	vm4 =	vne.s32 v7, v24;
	vm3 =	vne.s32 v7, v25;
	v16 =	vsub.f32 v12, v16  }
0x333: {  	v12 =	vnsel vm5, $0x0, v12;
	vm5 =	vmor vm7, vm0;
	v18 =	vadd.f32 v18, v14  }
0x334: {  	v13 =	vadd.f32 v23, v13;
	v16 =	vnsel vm6, $0x0, v16;
	v14 =	vadd.f32 v15, v14  }
0x335: {  	vm12 =	vmor vm4, vm3;
	v12 =	vsub.f32 v12, v16;
	v20 =	vadd.f32 v19, v18  }
0x336: {  	vm6 =	vmor vm1, vm2;
	v23, _, _ =	vpop (xrf2);
	v15 =	vadd.f32 v17, v18;
	v11 =	vsub.f32 v14, v11  }
0x337: {  	v16 =	vnsel vm7, $0x0, v13;
	v10 =	vsub.f32 v13, v10;
	v13 =	vadd.f32 v23, v20  }
0x338: {  	v14 =	vnsel vm8, $0x0, v14;
	v11 =	vnsel vm9, $0x0, v11;
	v8 =	vsub.f32 v15, v8  }
0x339: {  	v10 =	vnsel vm0, $0x0, v10;
	v11 =	vsub.f32 v14, v11;
	v9 =	vsub.f32 v13, v9  }
0x33a: {  	[tilespmem:v6+s19+$0x0] =	vst.idx.add.f32.msk vm10, v12;
	v10 =	vsub.f32 v16, v10;
	v6 =	vnsel vm1, $0x0, v15;
	v8 =	vnsel vm2, $0x0, v8  }
0x33b: {  	v12 =	vnsel vm4, $0x0, v13;
	[tilespmem:v5+s19+$0x0] =	vst.idx.add.f32.msk vm11, v11;
	v5 =	vsub.f32 v6, v8;
	v6 =	vnsel vm3, $0x0, v9  }
0x33c: {  	[tilespmem:v3+s19+$0x0] =	vst.idx.add.f32.msk vm5, v10;
	v3 =	vsub.f32 v12, v6  }
0x33d: {  	[tilespmem:v4+s19+$0x0] =	vst.idx.add.f32.msk vm6, v5  }
0x33e: {  	[tilespmem:v7+s19+$0x0] =	vst.idx.add.f32.msk vm12, v3  }
0x33f: {  	_ =	swait.ge [sflag:s23], $0x2710  }
0x340: {  	[sflag:s23] =	ssyncset.done $0x0  }
0x341: {  	[sflag:s23] =	ssyncadd.s32 $0xFFFFD8F0  }
0x342: {  	_ =	swait.ge [sflag:s23], $0x2710  }
0x343: {  	[sflag:s23] =	ssyncset.done $0x0  }
0x344: {  	[sflag:s23] =	ssyncadd.s32 $0xFFFFD8F0  }
0x345: {  	_ =	swait.ge [sflag:s23], $0x10  }
0x346: {  	[sflag:s23] =	ssyncset.done $0x0  }
0x347: {  	[sflag:s23] =	ssyncadd.s32 $0xFFFFFFF0  }
0x348: {  	s29 =	simm.s32 $0x76AF;
	[tilespmem:$0x9DA0] =	vst v2  }
0x349: {  	s26 =	simm.s32 $0x27A0;
	v6 =	vld [tilespmem:s29+$0xFFFFFFE1]  }
0x34a: {  	v8 =	vld [tilespmem:s26+$0x10]  }
0x34b: {  	v12 =	vld [tilespmem:s29+$0xFFFFFFE2]  }
0x34c: {  	v13 =	vld [tilespmem:s29+$0xFFFFFFE0]  }
0x34d: {  	v10 =	vld [tilespmem:s26+$0xFFFFFFF0]  }
0x34e: {  	v3 =	vld [tilespmem:s29+$0xFFFFFFF1]  }
0x34f: {  	v14 =	vld [tilespmem:s29+$0xFFFFFFF2];
	(xrf2) =	vadd.scan.msk.f32 $0xffff, v8  }
0x350: {  	v16 =	vld [tilespmem:s26+$0xFFFFFFE0]  }
0x351: {  	v15 =	vld [tilespmem:s29+$0xFFFFFFF0]  }
0x352: {  	v5 =	vld [tilespmem:s29+$0x1];
	(xrf2) =	vadd.scan.msk.f32 $0xffff, v10  }
0x353: {  	v18 =	vld [tilespmem:s29+$0x2]  }
0x354: {  	v11 =	vld [tilespmem:s26+$0x0]  }
0x355: {  	v19 =	vld [tilespmem:s29+$0x0];
	(xrf2) =	vadd.scan.msk.f32 $0xffff, v16  }
0x356: {  	v4 =	vld [tilespmem:s29+$0x11]  }
0x357: {  	v22 =	vld [tilespmem:s29+$0x12]  }
0x358: {  	v23 =	vbroadcast v23, $0xF;
	v9 =	vld [tilespmem:s26+$0x20]  }
0x359: {  	v21 =	vld [tilespmem:s29+$0x10];
	v17, _, _ =	vpop (xrf2);
	(xrf2) =	vadd.scan.msk.f32 $0xffff, v11  }
0x35a: {  	v7 =	vld [tilespmem:s29+$0x21]  }
0x35b: {  	v24 =	vld [tilespmem:s29+$0x22]  }
0x35c: {  	s28 =	simm.s32 $0x0;
	v20 =	vadd.f32 v23, v20;
	v25 =	vld [tilespmem:s29+$0x20];
	s29 =	simm.s32 $0x76FF;
	v23, _, _ =	vpop (xrf2)  }
.LBB2_22:
0x35d: {  	v26 =	vld [tilespmem:s29+$0xFFFFFFE1];
	vm3 =	vne.s32 v6, v12;
	(xrf2) =	vadd.scan.msk.f32 $0xffff, v9  }
0x35e: {  	vm5 =	vne.s32 v6, v13;
	vm12 =	vne.s32 v3, v14;
	vm6 =	vne.s32 v3, v15;
	v12 =	vld [tilespmem:s29+$0xFFFFFFE2]  }
0x35f: {  	vm8 =	vne.s32 v5, v18;
	vm2 =	vne.s32 v5, v19;
	vm7 =	vne.s32 v4, v22;
	v13 =	vld [tilespmem:s29+$0xFFFFFFE0];
	v14, _, _ =	vpop (xrf2)  }
0x360: {  	vm0 =	vne.s32 v4, v21;
	v27 =	vld [tilespmem:s29+$0xFFFFFFF1];
	v18 =	vadd.f32 v14, v20;
	v19 =	vbroadcast v14, $0xF  }
0x361: {  	vm11 =	vmor vm3, vm5;
	vm4 =	vne.s32 v7, v24;
	v14 =	vld [tilespmem:s29+$0xFFFFFFF2];
	vm1 =	vne.s32 v7, v25  }
0x362: {  	s28 =	sadd.s32 $0x5, s28;
	s26 =	sadd.s32 $0x50, s26;
	v15 =	vld [tilespmem:s29+$0xFFFFFFF0];
	v16 =	vsub.f32 v18, v16;
	v19 =	vadd.f32 v19, v20;
	v20 =	vbroadcast v23, $0xF  }
0x363: {  	p0 =	slt.u32 s28, $0x26C;
	vm9 =	vmor vm8, vm2;
	v21 =	vnsel vm3, $0x0, v18;
	vm3 =	vmor vm12, vm6;
	v24 =	vld [tilespmem:s26+$0x10];
	v22, _, _ =	vpop (xrf2)  }
0x364: {  	v25 =	vld [tilespmem:s29+$0x1];
	v31 =	vadd.f32 v23, v19;
	v19 =	vadd.f32 v20, v19;
	v20 =	vbroadcast v22, $0xF  }
0x365: {  	vm10 =	vmor vm7, vm0;
	v16 =	vnsel vm5, $0x0, v16;
	vm5 =	vmor vm4, vm1;
	v18 =	vld [tilespmem:s29+$0x2]  }
0x366: {  	v29 =	vbroadcast v17, $0xF;
	v28 =	vld [tilespmem:s26+$0xFFFFFFF0];
	v22 =	vadd.f32 v22, v19;
	v20 =	vadd.f32 v20, v19  }
0x367: {  	v21 =	vsub.f32 v21, v16;
	v30 =	vnsel vm12, $0x0, v31;
	v10 =	vsub.f32 v31, v10;
	v19 =	vld [tilespmem:s29+$0x0];
	v23, _, _ =	vpop (xrf2)  }
0x368: {  	v31 =	vld [tilespmem:s29+$0x11];
	(xrf2) =	vadd.scan.msk.f32 $0xffff, v24;
	v17 =	vadd.f32 v17, v20;
	v20 =	vadd.f32 v29, v20;
	v29 =	vbroadcast v23, $0xF  }
0x369: {  	v10 =	vnsel vm6, $0x0, v10;
	v32 =	vnsel vm8, $0x0, v22;
	v11 =	vsub.f32 v22, v11;
	v16 =	vld [tilespmem:s26+$0xFFFFFFE0]  }
0x36a: {  	[tilespmem:v6+s19+$0x0] =	vst.idx.add.f32.msk vm11, v21;
	v33 =	vnsel vm7, $0x0, v17;
	v23 =	vadd.f32 v23, v20;
	v20 =	vadd.f32 v29, v20  }
0x36b: {  	v29 =	vsub.f32 v30, v10;
	v11 =	vnsel vm2, $0x0, v11;
	v17 =	vsub.f32 v17, v8;
	v6 =	vmovc v26;
	v22 =	vld [tilespmem:s29+$0x12];
	(xrf2) =	vadd.scan.msk.f32 $0xffff, v28  }
0x36c: {  	v8 =	vmovc v24;
	v26 =	vsub.f32 v32, v11;
	v10 =	vmovc v28;
	v21 =	vld [tilespmem:s29+$0x10];
	v30 =	vnsel vm4, $0x0, v23;
	v9 =	vsub.f32 v23, v9  }
0x36d: {  	v17 =	vnsel vm0, $0x0, v17;
	v11 =	vld [tilespmem:s26+$0x0]  }
0x36e: {  	v17 =	vsub.f32 v33, v17;
	(xrf2) =	vadd.scan.msk.f32 $0xffff, v16;
	[tilespmem:v5+s19+$0x0] =	vst.idx.add.f32.msk vm9, v26;
	v9 =	vnsel vm1, $0x0, v9;
	v5 =	vmovc v25  }
0x36f: {  	[tilespmem:v3+s19+$0x0] =	vst.idx.add.f32.msk vm3, v29;
	v23 =	vsub.f32 v30, v9;
	v3 =	vmov v27  }
0x370: {  	[tilespmem:v4+s19+$0x0] =	vst.idx.add.f32.msk vm10, v17;
	v4 =	vmov v31  }
.Ltmp10:
0x371: {  	v9 =	vld [tilespmem:s26+$0x20];
	(pc) =	sbr.rel @p0 .LBB2_22-.Ltmp10, $4  }
0x372: {  	(xrf2) =	vadd.scan.msk.f32 $0xffff, v11;
	v17, _, _ =	vpop (xrf2);
	[tilespmem:v7+s19+$0x0] =	vst.idx.add.f32.msk vm5, v23  }
0x373: {  	v7 =	vld [tilespmem:s29+$0x21]  }
0x374: {  	v24 =	vld [tilespmem:s29+$0x22]  }
0x375: {  	v25 =	vld [tilespmem:s29+$0x20];
	s29 =	sadd.s32 $0x50, s29;
	v23, _, _ =	vpop (xrf2)  }
0x376: {  	_ =	sdelay $0x1  }
0x377: {  	vm5 =	vne.s32 v6, v12;
	(xrf2) =	vadd.scan.msk.f32 $0xffff, v9;
	vm6 =	vne.s32 v6, v13;
	v48, _, _ =	vpop (xrf2)  }
0x378: {  	vm7 =	vne.s32 v3, v14;
	vm0 =	vne.s32 v3, v15;
	v49 =	vbroadcast v48, $0xF  }
0x379: {  	vm8 =	vne.s32 v5, v18;
	vm9 =	vne.s32 v5, v19;
	vm1 =	vne.s32 v4, v22  }
0x37a: {  	v50 =	vbroadcast v23, $0xF;
	v12 =	vadd.f32 v48, v20;
	v13 =	vadd.f32 v49, v20  }
0x37b: {  	vm2 =	vne.s32 v4, v21;
	v53 =	vbroadcast v17, $0xF;
	vm10 =	vmor vm5, vm6;
	v51, _, _ =	vpop (xrf2)  }
0x37c: {  	v16 =	vsub.f32 v12, v16;
	v14 =	vadd.f32 v50, v13;
	v52 =	vbroadcast v51, $0xF  }
0x37d: {  	vm11 =	vmor vm8, vm9;
	vm4 =	vne.s32 v7, v24;
	vm3 =	vne.s32 v7, v25  }
0x37e: {  	v12 =	vnsel vm5, $0x0, v12;
	v16 =	vnsel vm6, $0x0, v16;
	v18 =	vadd.f32 v52, v14  }
0x37f: {  	vm5 =	vmor vm7, vm0;
	v13 =	vadd.f32 v23, v13;
	v12 =	vsub.f32 v12, v16  }
0x380: {  	vm12 =	vmor vm4, vm3;
	v14 =	vadd.f32 v51, v14;
	v54 =	vadd.f32 v53, v18  }
0x381: {  	vm6 =	vmor vm1, vm2;
	v10 =	vsub.f32 v13, v10;
	v55, _, _ =	vpop (xrf2);
	v56 =	vadd.f32 v17, v18  }
0x382: {  	v57 =	vnsel vm7, $0x0, v13;
	v11 =	vsub.f32 v14, v11;
	v58 =	vadd.f32 v55, v54  }
0x383: {  	v14 =	vnsel vm8, $0x0, v14;
	v10 =	vnsel vm0, $0x0, v10;
	v8 =	vsub.f32 v56, v8  }
0x384: {  	v10 =	vsub.f32 v57, v10;
	v11 =	vnsel vm9, $0x0, v11;
	v59 =	vsub.f32 v58, v9  }
0x385: {  	[tilespmem:v6+s19+$0x0] =	vst.idx.add.f32.msk vm10, v12;
	v60 =	vnsel vm1, $0x0, v56;
	v11 =	vsub.f32 v14, v11;
	v8 =	vnsel vm2, $0x0, v8  }
0x386: {  	[tilespmem:v3+s19+$0x0] =	vst.idx.add.f32.msk vm5, v10;
	v61 =	vnsel vm4, $0x0, v58;
	v62 =	vsub.f32 v60, v8;
	v63 =	vnsel vm3, $0x0, v59  }
0x387: {  	[tilespmem:v5+s19+$0x0] =	vst.idx.add.f32.msk vm11, v11;
	v3 =	vsub.f32 v61, v63  }
0x388: {  	[tilespmem:v4+s19+$0x0] =	vst.idx.add.f32.msk vm6, v62  }
0x389: {  	[tilespmem:v7+s19+$0x0] =	vst.idx.add.f32.msk vm12, v3  }
0x38a: {  	s28 =	simm.s32 $0x80;
	s29 =	simm.s32 $0x400;
	s26 =	rddreg [dreg:$0xf]  }
0x38b: {  	[hbm4b:s26+s28] =	stream.strided.scatter [tilespmem:s19], [sflag:$0x3], $0x4000, s29, s28, $0x38;
	[tilespmem:$0xDE00] =	vst v63  }
0x38c: {  	_ =	swait.ge [sflag:s24], $0x4000  }
0x38d: {  	s25 =	sadd.s32 $0x1, s25;
	s29 =	rddreg [dreg:$0x10]  }
0x38e: {  	p0 =	sne.s32 s25, s29  }
.Ltmp11:
0x38f: {  	_ = 	snop;
	(pc) =	sbr.rel @p0 .LBB2_1-.Ltmp11, $3  }
0x390: {  	_ =	sdelay $0x1  }
0x391: {  	[sflag:s24] =	ssyncset.done $0x0  }
0x392: {  	[sflag:s24] =	ssyncadd.s32 $0xFFFFC000  }
0x393: {  	_ =	sfence.sel $0x180000  }
0x394: {  	[bflag:$0x0] =	sbarrier.arrive $0xFFFF  }
0x395: {  	_ =	strace $0x90000047  }
0x396: {  	s0 =	stileid.u32;
	[bflag:$0x2] =	sbarrier.arrive $0xFFFF  }
0x397: {  	p0 =	sne.s32 s0, $0x0;
	s0 =	rddreg [dreg:$0x3]  }
0x398: {  	s0 =	sadd.s32 @!p0 $0x100000, s0  }
0x399: {  	[sflag:s0] =	ssyncadd.tile.s32 @!p0 $0x1;
	_ =	shalt  }
.Lfunc_end2:
_tile_overlayer_lowered:
.L_overlay_start_2:
0x39a: {  	(tag) =	ssettag $0x2  }
0x39b: {  	s0 =	rddreg [dreg:$0x0];
	s2 =	stileid.u32  }
0x39c: {  	s1 =	rddreg [dreg:$0x1];
	p0 =	sne.s32 s2, $0x0  }
0x39d: {  	s3 =	rddreg [dreg:$0x2];
	[bflag:$0x3] =	sbarrier.arrive $0xFFFF;
	s2 =	simm.s32 @!p0 $0x1C03  }
0x39e: {  	[timem:s3], [sflag:s2] =	dma.local @!p0 [hbm:s0], s1  }
0x39f: {  	s0 =	simm.s32 @!p0 $0x3  }
0x3a0: {  	_ =	swait.ge @!p0 [sflag:s0], s1  }
0x3a1: {  	s1 =	ssub.s32 @!p0 $0x0, s1;
	[sflag:s0] =	ssyncset.done @!p0 $0x0  }
0x3a2: {  	[sflag:s0] =	ssyncadd.s32 @!p0 s1  }
0x3a3: {  	[bflag:$0x3] =	sbarrier.arrive $0xFFFF  }
0x3a4: {  	_ =	shalt  }

</sc_bundles>
